<compile_context>
chip_gen: v7x
topology: tpu7x:2x2x1
jax: 0.10.2.dev20260603
libtpu: 0.0.44.dev20260713+nightly
codegen_flags: <defaults>
</compile_context>

<pallas_src>
import functools

import jax
import jax.numpy as jnp
from jax import lax
from jax.experimental import pallas as pl
from jax.experimental.pallas import tpu as pltpu
from jax.experimental.pallas import tpu_sc as plsc

N_NODES = 10000
N_EDGES = 320000
D = 128
CW = 16
EPS = 1e-5

NUM_CORES = 2
NUM_SUBCORES = 16
NUM_WORKERS = NUM_CORES * NUM_SUBCORES
EDGES_PER_WORKER = N_EDGES // NUM_WORKERS
CHUNK = 80
NUM_CHUNKS = EDGES_PER_WORKER // CHUNK
NBUF = 3
NBUFI = 5
ROWS_PER_SUBCORE = N_NODES // NUM_SUBCORES


def _sc_agg_kernel(x_hbm, eidx_hbm, agg_hbm, cnt_hbm, agg_sp, cnt_sp,
                   idx_ring, rows_v, ones_v, zb_v, sem_g, sem_s, sem_c,
                   sem_x):
    c = lax.axis_index("c")
    s = lax.axis_index("s")
    wid = s * NUM_CORES + c
    chunk_base = wid * NUM_CHUNKS

    def start_idx(i, bi):
        e0 = (chunk_base + i) * CHUNK
        pltpu.async_copy(eidx_hbm.at[0, pl.ds(e0, CHUNK)], idx_ring.at[bi, 0],
                         sem_x.at[bi])
        pltpu.async_copy(eidx_hbm.at[1, pl.ds(e0, CHUNK)], idx_ring.at[bi, 1],
                         sem_x.at[bi])

    def wait_idx(i, bi):
        e0 = (chunk_base + i) * CHUNK
        pltpu.make_async_copy(eidx_hbm.at[0, pl.ds(e0, CHUNK)],
                              idx_ring.at[bi, 0], sem_x.at[bi]).wait()
        pltpu.make_async_copy(eidx_hbm.at[1, pl.ds(e0, CHUNK)],
                              idx_ring.at[bi, 1], sem_x.at[bi]).wait()

    def start_gather(i, b):
        pltpu.async_copy(x_hbm.at[idx_ring.at[i % NBUFI, 0]],
                         rows_v.at[b], sem_g.at[b])

    def wait_gather(i, b):
        pltpu.make_async_copy(x_hbm.at[idx_ring.at[i % NBUFI, 0]],
                              rows_v.at[b], sem_g.at[b]).wait()

    def start_scatter(i, b):
        pltpu.async_copy(rows_v.at[b], agg_sp.at[idx_ring.at[i % NBUFI, 1]],
                         sem_s.at[b], add=True)
        pltpu.async_copy(ones_v, cnt_sp.at[idx_ring.at[i % NBUFI, 1]],
                         sem_c.at[b], add=True)

    def wait_scatter(i, b):
        pltpu.make_async_copy(rows_v.at[b],
                              agg_sp.at[idx_ring.at[i % NBUFI, 1]],
                              sem_s.at[b]).wait()
        pltpu.make_async_copy(ones_v, cnt_sp.at[idx_ring.at[i % NBUFI, 1]],
                              sem_c.at[b]).wait()

    for i in range(4):
        start_idx(i, i)

    def zrow(r, _):
        def zlane(k, __):
            rows_v[2, r, pl.ds(k * 16, 16)] = jnp.zeros((16,), jnp.float32)
            return 0
        lax.fori_loop(0, D // 16, zlane, 0)
        zb_v[r, pl.ds(0, 16)] = jnp.zeros((16,), jnp.float32)
        ones_v[r, pl.ds(0, 16)] = jnp.ones((16,), jnp.float32)
        return 0
    lax.fori_loop(0, CHUNK, zrow, 0)

    for i in range(2):
        wait_idx(i, i)
        start_gather(i, i % NBUF)

    base_r = s * ROWS_PER_SUBCORE
    n_full = ROWS_PER_SUBCORE // CHUNK
    rem = ROWS_PER_SUBCORE - n_full * CHUNK

    def zcp(j, _):
        pltpu.sync_copy(rows_v.at[2],
                        agg_sp.at[pl.ds(base_r + j * CHUNK, CHUNK)])
        pltpu.sync_copy(zb_v, cnt_sp.at[pl.ds(base_r + j * CHUNK, CHUNK)])
        return 0
    lax.fori_loop(0, n_full, zcp, 0)
    pltpu.sync_copy(rows_v.at[2, pl.ds(0, rem)],
                    agg_sp.at[pl.ds(base_r + n_full * CHUNK, rem)])
    pltpu.sync_copy(zb_v.at[pl.ds(0, rem)],
                    cnt_sp.at[pl.ds(base_r + n_full * CHUNK, rem)])

    plsc.subcore_barrier()

    def step(i, b):
        wait_gather(i, b)
        start_scatter(i, b)

        @pl.when(i + 2 < NUM_CHUNKS)
        def _():
            bb = (b + 2) % NBUF

            @pl.when(i >= NBUF - 2)
            def _():
                wait_scatter(i + 2 - NBUF, bb)
            wait_idx(i + 2, (i + 2) % NBUFI)
            start_gather(i + 2, bb)

        @pl.when(i + 4 < NUM_CHUNKS)
        def _():
            start_idx(i + 4, (i + 4) % NBUFI)

    def outer(j, _):
        for b in range(NBUF):
            step(j * NBUF + b, b)
        return 0
    n_main = NUM_CHUNKS // NBUF
    lax.fori_loop(0, n_main, outer, 0)

    for i in range(n_main * NBUF, NUM_CHUNKS):
        step(i, i % NBUF)
    for i in range(NUM_CHUNKS - NBUF, NUM_CHUNKS):
        wait_scatter(i, i % NBUF)

    plsc.subcore_barrier()

    pltpu.sync_copy(agg_sp.at[pl.ds(base_r, ROWS_PER_SUBCORE)],
                    agg_hbm.at[c, pl.ds(base_r, ROWS_PER_SUBCORE)])
    pltpu.sync_copy(cnt_sp.at[pl.ds(base_r, ROWS_PER_SUBCORE)],
                    cnt_hbm.at[c, pl.ds(base_r, ROWS_PER_SUBCORE)])


@functools.partial(
    pl.kernel,
    mesh=plsc.VectorSubcoreMesh(core_axis_name="c", subcore_axis_name="s"),
    out_type=[
        jax.ShapeDtypeStruct((NUM_CORES, N_NODES, D), jnp.float32),
        jax.ShapeDtypeStruct((NUM_CORES, N_NODES, CW), jnp.float32),
    ],
    scratch_types=[
        pltpu.VMEM_SHARED((N_NODES, D), jnp.float32),
        pltpu.VMEM_SHARED((N_NODES, CW), jnp.float32),
        pltpu.VMEM((NBUFI, 2, CHUNK), jnp.int32),
        pltpu.VMEM((NBUF, CHUNK, D), jnp.float32),
        pltpu.VMEM((CHUNK, CW), jnp.float32),
        pltpu.VMEM((CHUNK, CW), jnp.float32),
        pltpu.SemaphoreType.DMA((NBUF,)),
        pltpu.SemaphoreType.DMA((NBUF,)),
        pltpu.SemaphoreType.DMA((NBUF,)),
        pltpu.SemaphoreType.DMA((NBUFI,)),
    ],
    compiler_params=pltpu.CompilerParams(use_tc_tiling_on_sc=False,
                                         skip_device_barrier=True),
)
def _sc_agg(x_hbm, eidx_hbm, agg_hbm, cnt_hbm, agg_sp, cnt_sp, idx_ring,
            rows_v, ones_v, zb_v, sem_g, sem_s, sem_c, sem_x):
    _sc_agg_kernel(x_hbm, eidx_hbm, agg_hbm, cnt_hbm, agg_sp, cnt_sp,
                   idx_ring, rows_v, ones_v, zb_v, sem_g, sem_s, sem_c,
                   sem_x)


ROW_BLOCK = 1000


def _tc_dense_kernel(agg_ref, cnt_ref, x_ref, wl_ref, wr_ref, b_ref, g_ref,
                     be_ref, o_ref):
    feats = agg_ref[0] + agg_ref[1]
    cnt = (cnt_ref[0] + cnt_ref[1])[:, :1]
    mean = feats / jnp.maximum(cnt, 1.0)
    x = x_ref[...]
    h = (jnp.dot(mean, wl_ref[...], preferred_element_type=jnp.float32)
         + jnp.dot(x, wr_ref[...], preferred_element_type=jnp.float32)
         + b_ref[...])
    mu = jnp.mean(h, axis=1, keepdims=True)
    var = jnp.mean((h - mu) ** 2, axis=1, keepdims=True)
    h = (h - mu) / jnp.sqrt(var + EPS) * g_ref[...] + be_ref[...]
    o_ref[...] = jnp.maximum(h, 0.0) + x


def _tc_dense(agg2, cnt2, x, W_l, W_r, b, gamma, beta):
    grid = (N_NODES // ROW_BLOCK,)
    return pl.pallas_call(
        _tc_dense_kernel,
        grid=grid,
        in_specs=[
            pl.BlockSpec((NUM_CORES, ROW_BLOCK, D), lambda i: (0, i, 0)),
            pl.BlockSpec((NUM_CORES, ROW_BLOCK, CW), lambda i: (0, i, 0)),
            pl.BlockSpec((ROW_BLOCK, D), lambda i: (i, 0)),
            pl.BlockSpec((D, D), lambda i: (0, 0)),
            pl.BlockSpec((D, D), lambda i: (0, 0)),
            pl.BlockSpec((1, D), lambda i: (0, 0)),
            pl.BlockSpec((1, D), lambda i: (0, 0)),
            pl.BlockSpec((1, D), lambda i: (0, 0)),
        ],
        out_specs=pl.BlockSpec((ROW_BLOCK, D), lambda i: (i, 0)),
        out_shape=jax.ShapeDtypeStruct((N_NODES, D), jnp.float32),
    )(agg2, cnt2, x, W_l, W_r, b, gamma, beta)


def kernel(x, edge_index, W_l, b_l, W_r, b_r, gamma, beta):
    eidx = edge_index.astype(jnp.int32)
    agg2, cnt2 = _sc_agg(x, eidx)
    b = (b_l + b_r).reshape(1, D)
    return _tc_dense(agg2, cnt2, x, W_l, W_r, b, gamma.reshape(1, D),
                     beta.reshape(1, D))

# --- scband reference (transcript-rebuilt; emitter-appended) ---
"""Pipeline reference for scband-gnnblock-89077621719405 (READ-ONLY COPY).

The authoritative reference and input builder live on the scoring server;
editing this copy changes nothing except your own understanding.
"""

import jax, jax.numpy as jnp
import numpy as np

N_NODES = 10000
N_EDGES = 320000
D = 128
EPS = 1e-5

def setup_inputs(seed: int = 0) -> dict:
    key = jax.random.key(seed)
    k_x, k_ei, k_wl, k_bl, k_wr, k_br = jax.random.split(key, 6)
    x = jax.random.normal(k_x, (N_NODES, D), dtype=jnp.float32)
    edge_index = jax.random.randint(k_ei, (2, N_EDGES), 0, N_NODES, dtype=jnp.int64)
    s = 1.0 / np.sqrt(D)
    W_l = jax.random.normal(k_wl, (D, D), dtype=jnp.float32) * s
    b_l = jax.random.normal(k_bl, (D,), dtype=jnp.float32) * 0.01
    W_r = jax.random.normal(k_wr, (D, D), dtype=jnp.float32) * s
    b_r = jax.random.normal(k_br, (D,), dtype=jnp.float32) * 0.01
    gamma = jnp.ones((D,), dtype=jnp.float32)
    beta = jnp.zeros((D,), dtype=jnp.float32)
    return {"x": x, "edge_index": edge_index, "W_l": W_l, "b_l": b_l, "W_r": W_r, "b_r": b_r, "gamma": gamma, "beta": beta}

def reference(x, edge_index, W_l, b_l, W_r, b_r, gamma, beta):
    # SAGEConv (mean aggregation): out = lin_l(mean_{j in N(i)} x_j) + lin_r(x_i)
    src = edge_index[0]
    dst = edge_index[1]
    msgs = jnp.take(x, src, axis=0)                       # gather source features [E, D]
    agg = jax.ops.segment_sum(msgs, dst, num_segments=N_NODES)
    cnt = jax.ops.segment_sum(jnp.ones((msgs.shape[0],), dtype=x.dtype), dst, num_segments=N_NODES)
    mean_agg = agg / jnp.maximum(cnt, 1.0)[:, None]
    h = mean_agg @ W_l + b_l + x @ W_r + b_r
    # LayerNorm
    mu = jnp.mean(h, axis=-1, keepdims=True)
    var = jnp.mean((h - mu) ** 2, axis=-1, keepdims=True)
    h = (h - mu) / jnp.sqrt(var + EPS) * gamma + beta
    # ReLU activation
    h = jax.nn.relu(h)
    # dropout in eval mode is identity
    # residual (shapes match: [N, D] == [N, D])
    out = h + x
    return out

if __name__ == "__main__":
    import jax
    _d = setup_inputs()
    print(jax.jit(kernel)(*tuple(_d.values())))

</pallas_src>

<mosaic_0001>
#map = affine_map<(d0, d1) -> (0, 0)>
#map1 = affine_map<(d0, d1) -> (0, 0, 0)>
module attributes {stable_mosaic.version = 14 : i64} {
  func.func @_sc_agg(%arg0: i32, %arg1: i32, %arg2: memref<10000x128xf32, #tpu.memory_space<hbm>>, %arg3: memref<2x320000xi32, #tpu.memory_space<hbm>>, %arg4: memref<2x10000x128xf32, #tpu.memory_space<hbm>>, %arg5: memref<2x10000x16xf32, #tpu.memory_space<hbm>>, %arg6: memref<10000x128xf32, #tpu.memory_space<vmem_shared>>, %arg7: memref<10000x16xf32, #tpu.memory_space<vmem_shared>>, %arg8: memref<5x2x80xi32, #tpu.memory_space<vmem>>, %arg9: memref<3x80x128xf32, #tpu.memory_space<vmem>>, %arg10: memref<80x16xf32, #tpu.memory_space<vmem>>, %arg11: memref<80x16xf32, #tpu.memory_space<vmem>>, %arg12: memref<3x!tpu.dma_semaphore, #tpu.memory_space<semaphore_mem>>, %arg13: memref<3x!tpu.dma_semaphore, #tpu.memory_space<semaphore_mem>>, %arg14: memref<3x!tpu.dma_semaphore, #tpu.memory_space<semaphore_mem>>, %arg15: memref<5x!tpu.dma_semaphore, #tpu.memory_space<semaphore_mem>>) attributes {dimension_semantics = [#tpu.dimension_semantics<core_parallel>, #tpu.dimension_semantics<subcore_parallel>], iteration_bounds = array<i64: 2, 16>, scalar_prefetch = 0 : i64, scratch_operands = 10 : i64, tpu.core_type = #tpu.core_type<sc_vector_subcore>, window_params = [{transform_indices = #map}, {transform_indices = #map}, {transform_indices = #map1}, {transform_indices = #map1}]} {
    %mul3A = arith.constant 2 : i32
    %mul3A_0 = arith.muli %arg1, %mul3A : i32
    %add3A = arith.addi %mul3A_0, %arg0 : i32
    %mul3A_1 = arith.constant 125 : i32
    %mul3A_2 = arith.muli %add3A, %mul3A_1 : i32
    %add3A_3 = arith.constant 0 : i32
    %add3A_4 = arith.addi %mul3A_2, %add3A_3 : i32
    %mul3A_5 = arith.constant 80 : i32
    %mul3A_6 = arith.muli %add3A_4, %mul3A_5 : i32
    %dma_start3A = arith.constant 0 : i32
    %dma_start3A_7 = arith.constant 0 : i32
    %dma_start3A_8 = arith.constant 0 : i32
    %dma_start3A_9 = arith.constant 0 : i32
    %dma_start3A_10 = arith.constant 0 : i32
    %dma_start3A_11 = tpu.memref_slice %arg8[%dma_start3A_7, %dma_start3A_8, %dma_start3A_10] : memref<5x2x80xi32, #tpu.memory_space<vmem>> -> memref<1x1x80xi32, #tpu.memory_space<vmem>>
    %dma_start3A_12 = tpu.memref_squeeze %dma_start3A_11 : memref<1x1x80xi32, #tpu.memory_space<vmem>> -> memref<80xi32, #tpu.memory_space<vmem>>
    %dma_start3A_13 = tpu.memref_slice %arg3[%dma_start3A, %mul3A_6] : memref<2x320000xi32, #tpu.memory_space<hbm>> -> memref<1x80xi32, #tpu.memory_space<hbm>>
    %dma_start3A_14 = tpu.memref_squeeze %dma_start3A_13 : memref<1x80xi32, #tpu.memory_space<hbm>> -> memref<80xi32, #tpu.memory_space<hbm>>
    %dma_start3A_15 = tpu.memref_slice %arg15[%dma_start3A_9] : memref<5x!tpu.dma_semaphore, #tpu.memory_space<semaphore_mem>> -> memref<1x!tpu.dma_semaphore, #tpu.memory_space<semaphore_mem>>
    %dma_start3A_16 = tpu.memref_squeeze %dma_start3A_15 : memref<1x!tpu.dma_semaphore, #tpu.memory_space<semaphore_mem>> -> memref<!tpu.dma_semaphore, #tpu.memory_space<semaphore_mem>>
    %dma_start3A_17 = arith.constant 0 : i32
    %dma_start3A_18 = tpu.memref_slice %arg8[%dma_start3A_7, %dma_start3A_8, %dma_start3A_17] : memref<5x2x80xi32, #tpu.memory_space<vmem>> -> memref<1x1x80xi32, #tpu.memory_space<vmem>>
    %dma_start3A_19 = tpu.memref_squeeze %dma_start3A_18 : memref<1x1x80xi32, #tpu.memory_space<vmem>> -> memref<80xi32, #tpu.memory_space<vmem>>
    %dma_start3A_20 = tpu.memref_slice %arg3[%dma_start3A, %mul3A_6] : memref<2x320000xi32, #tpu.memory_space<hbm>> -> memref<1x80xi32, #tpu.memory_space<hbm>>
    %dma_start3A_21 = tpu.memref_squeeze %dma_start3A_20 : memref<1x80xi32, #tpu.memory_space<hbm>> -> memref<80xi32, #tpu.memory_space<hbm>>
    tpu.enqueue_dma source(%dma_start3A_21 : memref<80xi32, #tpu.memory_space<hbm>>) target(%dma_start3A_19 : memref<80xi32, #tpu.memory_space<vmem>>) target_semaphore(%dma_start3A_16 : memref<!tpu.dma_semaphore, #tpu.memory_space<semaphore_mem>>)
    %dma_start3A_22 = arith.constant 1 : i32
    %dma_start3A_23 = arith.constant 0 : i32
    %dma_start3A_24 = arith.constant 1 : i32
    %dma_start3A_25 = arith.constant 0 : i32
    %dma_start3A_26 = arith.constant 0 : i32
    %dma_start3A_27 = tpu.memref_slice %arg8[%dma_start3A_23, %dma_start3A_24, %dma_start3A_26] : memref<5x2x80xi32, #tpu.memory_space<vmem>> -> memref<1x1x80xi32, #tpu.memory_space<vmem>>
    %dma_start3A_28 = tpu.memref_squeeze %dma_start3A_27 : memref<1x1x80xi32, #tpu.memory_space<vmem>> -> memref<80xi32, #tpu.memory_space<vmem>>
    %dma_start3A_29 = tpu.memref_slice %arg3[%dma_start3A_22, %mul3A_6] : memref<2x320000xi32, #tpu.memory_space<hbm>> -> memref<1x80xi32, #tpu.memory_space<hbm>>
    %dma_start3A_30 = tpu.memref_squeeze %dma_start3A_29 : memref<1x80xi32, #tpu.memory_space<hbm>> -> memref<80xi32, #tpu.memory_space<hbm>>
    %dma_start3A_31 = tpu.memref_slice %arg15[%dma_start3A_25] : memref<5x!tpu.dma_semaphore, #tpu.memory_space<semaphore_mem>> -> memref<1x!tpu.dma_semaphore, #tpu.memory_space<semaphore_mem>>
    %dma_start3A_32 = tpu.memref_squeeze %dma_start3A_31 : memref<1x!tpu.dma_semaphore, #tpu.memory_space<semaphore_mem>> -> memref<!tpu.dma_semaphore, #tpu.memory_space<semaphore_mem>>
    %dma_start3A_33 = arith.constant 0 : i32
    %dma_start3A_34 = tpu.memref_slice %arg8[%dma_start3A_23, %dma_start3A_24, %dma_start3A_33] : memref<5x2x80xi32, #tpu.memory_space<vmem>> -> memref<1x1x80xi32, #tpu.memory_space<vmem>>
    %dma_start3A_35 = tpu.memref_squeeze %dma_start3A_34 : memref<1x1x80xi32, #tpu.memory_space<vmem>> -> memref<80xi32, #tpu.memory_space<vmem>>
    %dma_start3A_36 = tpu.memref_slice %arg3[%dma_start3A_22, %mul3A_6] : memref<2x320000xi32, #tpu.memory_space<hbm>> -> memref<1x80xi32, #tpu.memory_space<hbm>>
    %dma_start3A_37 = tpu.memref_squeeze %dma_start3A_36 : memref<1x80xi32, #tpu.memory_space<hbm>> -> memref<80xi32, #tpu.memory_space<hbm>>
    tpu.enqueue_dma source(%dma_start3A_37 : memref<80xi32, #tpu.memory_space<hbm>>) target(%dma_start3A_35 : memref<80xi32, #tpu.memory_space<vmem>>) target_semaphore(%dma_start3A_32 : memref<!tpu.dma_semaphore, #tpu.memory_space<semaphore_mem>>)
    %add3A_38 = arith.constant 1 : i32
    %add3A_39 = arith.addi %mul3A_2, %add3A_38 : i32
    %mul3A_40 = arith.constant 80 : i32
    %mul3A_41 = arith.muli %add3A_39, %mul3A_40 : i32
    %dma_start3A_42 = arith.constant 0 : i32
    %dma_start3A_43 = arith.constant 1 : i32
    %dma_start3A_44 = arith.constant 0 : i32
    %dma_start3A_45 = arith.constant 1 : i32
    %dma_start3A_46 = arith.constant 0 : i32
    %dma_start3A_47 = tpu.memref_slice %arg8[%dma_start3A_43, %dma_start3A_44, %dma_start3A_46] : memref<5x2x80xi32, #tpu.memory_space<vmem>> -> memref<1x1x80xi32, #tpu.memory_space<vmem>>
    %dma_start3A_48 = tpu.memref_squeeze %dma_start3A_47 : memref<1x1x80xi32, #tpu.memory_space<vmem>> -> memref<80xi32, #tpu.memory_space<vmem>>
    %dma_start3A_49 = tpu.memref_slice %arg3[%dma_start3A_42, %mul3A_41] : memref<2x320000xi32, #tpu.memory_space<hbm>> -> memref<1x80xi32, #tpu.memory_space<hbm>>
    %dma_start3A_50 = tpu.memref_squeeze %dma_start3A_49 : memref<1x80xi32, #tpu.memory_space<hbm>> -> memref<80xi32, #tpu.memory_space<hbm>>
    %dma_start3A_51 = tpu.memref_slice %arg15[%dma_start3A_45] : memref<5x!tpu.dma_semaphore, #tpu.memory_space<semaphore_mem>> -> memref<1x!tpu.dma_semaphore, #tpu.memory_space<semaphore_mem>>
    %dma_start3A_52 = tpu.memref_squeeze %dma_start3A_51 : memref<1x!tpu.dma_semaphore, #tpu.memory_space<semaphore_mem>> -> memref<!tpu.dma_semaphore, #tpu.memory_space<semaphore_mem>>
    %dma_start3A_53 = arith.constant 0 : i32
    %dma_start3A_54 = tpu.memref_slice %arg8[%dma_start3A_43, %dma_start3A_44, %dma_start3A_53] : memref<5x2x80xi32, #tpu.memory_space<vmem>> -> memref<1x1x80xi32, #tpu.memory_space<vmem>>
    %dma_start3A_55 = tpu.memref_squeeze %dma_start3A_54 : memref<1x1x80xi32, #tpu.memory_space<vmem>> -> memref<80xi32, #tpu.memory_space<vmem>>
    %dma_start3A_56 = tpu.memref_slice %arg3[%dma_start3A_42, %mul3A_41] : memref<2x320000xi32, #tpu.memory_space<hbm>> -> memref<1x80xi32, #tpu.memory_space<hbm>>
    %dma_start3A_57 = tpu.memref_squeeze %dma_start3A_56 : memref<1x80xi32, #tpu.memory_space<hbm>> -> memref<80xi32, #tpu.memory_space<hbm>>
    tpu.enqueue_dma source(%dma_start3A_57 : memref<80xi32, #tpu.memory_space<hbm>>) target(%dma_start3A_55 : memref<80xi32, #tpu.memory_space<vmem>>) target_semaphore(%dma_start3A_52 : memref<!tpu.dma_semaphore, #tpu.memory_space<semaphore_mem>>)
    %dma_start3A_58 = arith.constant 1 : i32
    %dma_start3A_59 = arith.constant 1 : i32
    %dma_start3A_60 = arith.constant 1 : i32
    %dma_start3A_61 = arith.constant 1 : i32
    %dma_start3A_62 = arith.constant 0 : i32
    %dma_start3A_63 = tpu.memref_slice %arg8[%dma_start3A_59, %dma_start3A_60, %dma_start3A_62] : memref<5x2x80xi32, #tpu.memory_space<vmem>> -> memref<1x1x80xi32, #tpu.memory_space<vmem>>
    %dma_start3A_64 = tpu.memref_squeeze %dma_start3A_63 : memref<1x1x80xi32, #tpu.memory_space<vmem>> -> memref<80xi32, #tpu.memory_space<vmem>>
    %dma_start3A_65 = tpu.memref_slice %arg3[%dma_start3A_58, %mul3A_41] : memref<2x320000xi32, #tpu.memory_space<hbm>> -> memref<1x80xi32, #tpu.memory_space<hbm>>
    %dma_start3A_66 = tpu.memref_squeeze %dma_start3A_65 : memref<1x80xi32, #tpu.memory_space<hbm>> -> memref<80xi32, #tpu.memory_space<hbm>>
    %dma_start3A_67 = tpu.memref_slice %arg15[%dma_start3A_61] : memref<5x!tpu.dma_semaphore, #tpu.memory_space<semaphore_mem>> -> memref<1x!tpu.dma_semaphore, #tpu.memory_space<semaphore_mem>>
    %dma_start3A_68 = tpu.memref_squeeze %dma_start3A_67 : memref<1x!tpu.dma_semaphore, #tpu.memory_space<semaphore_mem>> -> memref<!tpu.dma_semaphore, #tpu.memory_space<semaphore_mem>>
    %dma_start3A_69 = arith.constant 0 : i32
    %dma_start3A_70 = tpu.memref_slice %arg8[%dma_start3A_59, %dma_start3A_60, %dma_start3A_69] : memref<5x2x80xi32, #tpu.memory_space<vmem>> -> memref<1x1x80xi32, #tpu.memory_space<vmem>>
    %dma_start3A_71 = tpu.memref_squeeze %dma_start3A_70 : memref<1x1x80xi32, #tpu.memory_space<vmem>> -> memref<80xi32, #tpu.memory_space<vmem>>
    %dma_start3A_72 = tpu.memref_slice %arg3[%dma_start3A_58, %mul3A_41] : memref<2x320000xi32, #tpu.memory_space<hbm>> -> memref<1x80xi32, #tpu.memory_space<hbm>>
    %dma_start3A_73 = tpu.memref_squeeze %dma_start3A_72 : memref<1x80xi32, #tpu.memory_space<hbm>> -> memref<80xi32, #tpu.memory_space<hbm>>
    tpu.enqueue_dma source(%dma_start3A_73 : memref<80xi32, #tpu.memory_space<hbm>>) target(%dma_start3A_71 : memref<80xi32, #tpu.memory_space<vmem>>) target_semaphore(%dma_start3A_68 : memref<!tpu.dma_semaphore, #tpu.memory_space<semaphore_mem>>)
    %add3A_74 = arith.constant 2 : i32
    %add3A_75 = arith.addi %mul3A_2, %add3A_74 : i32
    %mul3A_76 = arith.constant 80 : i32
    %mul3A_77 = arith.muli %add3A_75, %mul3A_76 : i32
    %dma_start3A_78 = arith.constant 0 : i32
    %dma_start3A_79 = arith.constant 2 : i32
    %dma_start3A_80 = arith.constant 0 : i32
    %dma_start3A_81 = arith.constant 2 : i32
    %dma_start3A_82 = arith.constant 0 : i32
    %dma_start3A_83 = tpu.memref_slice %arg8[%dma_start3A_79, %dma_start3A_80, %dma_start3A_82] : memref<5x2x80xi32, #tpu.memory_space<vmem>> -> memref<1x1x80xi32, #tpu.memory_space<vmem>>
    %dma_start3A_84 = tpu.memref_squeeze %dma_start3A_83 : memref<1x1x80xi32, #tpu.memory_space<vmem>> -> memref<80xi32, #tpu.memory_space<vmem>>
    %dma_start3A_85 = tpu.memref_slice %arg3[%dma_start3A_78, %mul3A_77] : memref<2x320000xi32, #tpu.memory_space<hbm>> -> memref<1x80xi32, #tpu.memory_space<hbm>>
    %dma_start3A_86 = tpu.memref_squeeze %dma_start3A_85 : memref<1x80xi32, #tpu.memory_space<hbm>> -> memref<80xi32, #tpu.memory_space<hbm>>
    %dma_start3A_87 = tpu.memref_slice %arg15[%dma_start3A_81] : memref<5x!tpu.dma_semaphore, #tpu.memory_space<semaphore_mem>> -> memref<1x!tpu.dma_semaphore, #tpu.memory_space<semaphore_mem>>
    %dma_start3A_88 = tpu.memref_squeeze %dma_start3A_87 : memref<1x!tpu.dma_semaphore, #tpu.memory_space<semaphore_mem>> -> memref<!tpu.dma_semaphore, #tpu.memory_space<semaphore_mem>>
    %dma_start3A_89 = arith.constant 0 : i32
    %dma_start3A_90 = tpu.memref_slice %arg8[%dma_start3A_79, %dma_start3A_80, %dma_start3A_89] : memref<5x2x80xi32, #tpu.memory_space<vmem>> -> memref<1x1x80xi32, #tpu.memory_space<vmem>>
    %dma_start3A_91 = tpu.memref_squeeze %dma_start3A_90 : memref<1x1x80xi32, #tpu.memory_space<vmem>> -> memref<80xi32, #tpu.memory_space<vmem>>
    %dma_start3A_92 = tpu.memref_slice %arg3[%dma_start3A_78, %mul3A_77] : memref<2x320000xi32, #tpu.memory_space<hbm>> -> memref<1x80xi32, #tpu.memory_space<hbm>>
    %dma_start3A_93 = tpu.memref_squeeze %dma_start3A_92 : memref<1x80xi32, #tpu.memory_space<hbm>> -> memref<80xi32, #tpu.memory_space<hbm>>
    tpu.enqueue_dma source(%dma_start3A_93 : memref<80xi32, #tpu.memory_space<hbm>>) target(%dma_start3A_91 : memref<80xi32, #tpu.memory_space<vmem>>) target_semaphore(%dma_start3A_88 : memref<!tpu.dma_semaphore, #tpu.memory_space<semaphore_mem>>)
    %dma_start3A_94 = arith.constant 1 : i32
    %dma_start3A_95 = arith.constant 2 : i32
    %dma_start3A_96 = arith.constant 1 : i32
    %dma_start3A_97 = arith.constant 2 : i32
    %dma_start3A_98 = arith.constant 0 : i32
    %dma_start3A_99 = tpu.memref_slice %arg8[%dma_start3A_95, %dma_start3A_96, %dma_start3A_98] : memref<5x2x80xi32, #tpu.memory_space<vmem>> -> memref<1x1x80xi32, #tpu.memory_space<vmem>>
    %dma_start3A_100 = tpu.memref_squeeze %dma_start3A_99 : memref<1x1x80xi32, #tpu.memory_space<vmem>> -> memref<80xi32, #tpu.memory_space<vmem>>
    %dma_start3A_101 = tpu.memref_slice %arg3[%dma_start3A_94, %mul3A_77] : memref<2x320000xi32, #tpu.memory_space<hbm>> -> memref<1x80xi32, #tpu.memory_space<hbm>>
    %dma_start3A_102 = tpu.memref_squeeze %dma_start3A_101 : memref<1x80xi32, #tpu.memory_space<hbm>> -> memref<80xi32, #tpu.memory_space<hbm>>
    %dma_start3A_103 = tpu.memref_slice %arg15[%dma_start3A_97] : memref<5x!tpu.dma_semaphore, #tpu.memory_space<semaphore_mem>> -> memref<1x!tpu.dma_semaphore, #tpu.memory_space<semaphore_mem>>
    %dma_start3A_104 = tpu.memref_squeeze %dma_start3A_103 : memref<1x!tpu.dma_semaphore, #tpu.memory_space<semaphore_mem>> -> memref<!tpu.dma_semaphore, #tpu.memory_space<semaphore_mem>>
    %dma_start3A_105 = arith.constant 0 : i32
    %dma_start3A_106 = tpu.memref_slice %arg8[%dma_start3A_95, %dma_start3A_96, %dma_start3A_105] : memref<5x2x80xi32, #tpu.memory_space<vmem>> -> memref<1x1x80xi32, #tpu.memory_space<vmem>>
    %dma_start3A_107 = tpu.memref_squeeze %dma_start3A_106 : memref<1x1x80xi32, #tpu.memory_space<vmem>> -> memref<80xi32, #tpu.memory_space<vmem>>
    %dma_start3A_108 = tpu.memref_slice %arg3[%dma_start3A_94, %mul3A_77] : memref<2x320000xi32, #tpu.memory_space<hbm>> -> memref<1x80xi32, #tpu.memory_space<hbm>>
    %dma_start3A_109 = tpu.memref_squeeze %dma_start3A_108 : memref<1x80xi32, #tpu.memory_space<hbm>> -> memref<80xi32, #tpu.memory_space<hbm>>
    tpu.enqueue_dma source(%dma_start3A_109 : memref<80xi32, #tpu.memory_space<hbm>>) target(%dma_start3A_107 : memref<80xi32, #tpu.memory_space<vmem>>) target_semaphore(%dma_start3A_104 : memref<!tpu.dma_semaphore, #tpu.memory_space<semaphore_mem>>)
    %add3A_110 = arith.constant 3 : i32
    %add3A_111 = arith.addi %mul3A_2, %add3A_110 : i32
    %mul3A_112 = arith.constant 80 : i32
    %mul3A_113 = arith.muli %add3A_111, %mul3A_112 : i32
    %dma_start3A_114 = arith.constant 0 : i32
    %dma_start3A_115 = arith.constant 3 : i32
    %dma_start3A_116 = arith.constant 0 : i32
    %dma_start3A_117 = arith.constant 3 : i32
    %dma_start3A_118 = arith.constant 0 : i32
    %dma_start3A_119 = tpu.memref_slice %arg8[%dma_start3A_115, %dma_start3A_116, %dma_start3A_118] : memref<5x2x80xi32, #tpu.memory_space<vmem>> -> memref<1x1x80xi32, #tpu.memory_space<vmem>>
    %dma_start3A_120 = tpu.memref_squeeze %dma_start3A_119 : memref<1x1x80xi32, #tpu.memory_space<vmem>> -> memref<80xi32, #tpu.memory_space<vmem>>
    %dma_start3A_121 = tpu.memref_slice %arg3[%dma_start3A_114, %mul3A_113] : memref<2x320000xi32, #tpu.memory_space<hbm>> -> memref<1x80xi32, #tpu.memory_space<hbm>>
    %dma_start3A_122 = tpu.memref_squeeze %dma_start3A_121 : memref<1x80xi32, #tpu.memory_space<hbm>> -> memref<80xi32, #tpu.memory_space<hbm>>
    %dma_start3A_123 = tpu.memref_slice %arg15[%dma_start3A_117] : memref<5x!tpu.dma_semaphore, #tpu.memory_space<semaphore_mem>> -> memref<1x!tpu.dma_semaphore, #tpu.memory_space<semaphore_mem>>
    %dma_start3A_124 = tpu.memref_squeeze %dma_start3A_123 : memref<1x!tpu.dma_semaphore, #tpu.memory_space<semaphore_mem>> -> memref<!tpu.dma_semaphore, #tpu.memory_space<semaphore_mem>>
    %dma_start3A_125 = arith.constant 0 : i32
    %dma_start3A_126 = tpu.memref_slice %arg8[%dma_start3A_115, %dma_start3A_116, %dma_start3A_125] : memref<5x2x80xi32, #tpu.memory_space<vmem>> -> memref<1x1x80xi32, #tpu.memory_space<vmem>>
    %dma_start3A_127 = tpu.memref_squeeze %dma_start3A_126 : memref<1x1x80xi32, #tpu.memory_space<vmem>> -> memref<80xi32, #tpu.memory_space<vmem>>
    %dma_start3A_128 = tpu.memref_slice %arg3[%dma_start3A_114, %mul3A_113] : memref<2x320000xi32, #tpu.memory_space<hbm>> -> memref<1x80xi32, #tpu.memory_space<hbm>>
    %dma_start3A_129 = tpu.memref_squeeze %dma_start3A_128 : memref<1x80xi32, #tpu.memory_space<hbm>> -> memref<80xi32, #tpu.memory_space<hbm>>
    tpu.enqueue_dma source(%dma_start3A_129 : memref<80xi32, #tpu.memory_space<hbm>>) target(%dma_start3A_127 : memref<80xi32, #tpu.memory_space<vmem>>) target_semaphore(%dma_start3A_124 : memref<!tpu.dma_semaphore, #tpu.memory_space<semaphore_mem>>)
    %dma_start3A_130 = arith.constant 1 : i32
    %dma_start3A_131 = arith.constant 3 : i32
    %dma_start3A_132 = arith.constant 1 : i32
    %dma_start3A_133 = arith.constant 3 : i32
    %dma_start3A_134 = arith.constant 0 : i32
    %dma_start3A_135 = tpu.memref_slice %arg8[%dma_start3A_131, %dma_start3A_132, %dma_start3A_134] : memref<5x2x80xi32, #tpu.memory_space<vmem>> -> memref<1x1x80xi32, #tpu.memory_space<vmem>>
    %dma_start3A_136 = tpu.memref_squeeze %dma_start3A_135 : memref<1x1x80xi32, #tpu.memory_space<vmem>> -> memref<80xi32, #tpu.memory_space<vmem>>
    %dma_start3A_137 = tpu.memref_slice %arg3[%dma_start3A_130, %mul3A_113] : memref<2x320000xi32, #tpu.memory_space<hbm>> -> memref<1x80xi32, #tpu.memory_space<hbm>>
    %dma_start3A_138 = tpu.memref_squeeze %dma_start3A_137 : memref<1x80xi32, #tpu.memory_space<hbm>> -> memref<80xi32, #tpu.memory_space<hbm>>
    %dma_start3A_139 = tpu.memref_slice %arg15[%dma_start3A_133] : memref<5x!tpu.dma_semaphore, #tpu.memory_space<semaphore_mem>> -> memref<1x!tpu.dma_semaphore, #tpu.memory_space<semaphore_mem>>
    %dma_start3A_140 = tpu.memref_squeeze %dma_start3A_139 : memref<1x!tpu.dma_semaphore, #tpu.memory_space<semaphore_mem>> -> memref<!tpu.dma_semaphore, #tpu.memory_space<semaphore_mem>>
    %dma_start3A_141 = arith.constant 0 : i32
    %dma_start3A_142 = tpu.memref_slice %arg8[%dma_start3A_131, %dma_start3A_132, %dma_start3A_141] : memref<5x2x80xi32, #tpu.memory_space<vmem>> -> memref<1x1x80xi32, #tpu.memory_space<vmem>>
    %dma_start3A_143 = tpu.memref_squeeze %dma_start3A_142 : memref<1x1x80xi32, #tpu.memory_space<vmem>> -> memref<80xi32, #tpu.memory_space<vmem>>
    %dma_start3A_144 = tpu.memref_slice %arg3[%dma_start3A_130, %mul3A_113] : memref<2x320000xi32, #tpu.memory_space<hbm>> -> memref<1x80xi32, #tpu.memory_space<hbm>>
    %dma_start3A_145 = tpu.memref_squeeze %dma_start3A_144 : memref<1x80xi32, #tpu.memory_space<hbm>> -> memref<80xi32, #tpu.memory_space<hbm>>
    tpu.enqueue_dma source(%dma_start3A_145 : memref<80xi32, #tpu.memory_space<hbm>>) target(%dma_start3A_143 : memref<80xi32, #tpu.memory_space<vmem>>) target_semaphore(%dma_start3A_140 : memref<!tpu.dma_semaphore, #tpu.memory_space<semaphore_mem>>)
    %scan3A = arith.constant 0 : i32
    %scan3A_146 = arith.constant 0 : i32
    %scan3A_147 = arith.constant 80 : i32
    %scan3A_148 = arith.addi %scan3A_146, %scan3A_147 : i32
    %scan3A_149 = arith.constant 1 : i32
    %scan3A_150 = scf.for %scan3A_443 = %scan3A_146 to %scan3A_148 step %scan3A_149 iter_args(%scan3A_444 = %scan3A) -> (i32)  : i32 {
      %scan3A_445 = arith.constant 0 : i32
      %scan3A_446 = arith.constant 0 : i32
      %scan3A_447 = arith.constant 8 : i32
      %scan3A_448 = arith.addi %scan3A_446, %scan3A_447 : i32
      %scan3A_449 = arith.constant 1 : i32
      %scan3A_450 = scf.for %scan3A_465 = %scan3A_446 to %scan3A_448 step %scan3A_449 iter_args(%scan3A_466 = %scan3A_445) -> (i32)  : i32 {
        %broadcast_in_dim3A_467 = arith.constant 0.000000e+00 : f32
        %broadcast_in_dim3A_468 = vector.broadcast %broadcast_in_dim3A_467 : f32 to vector<16xf32>
        %mul3A_469 = arith.constant 16 : i32
        %mul3A_470 = arith.muli %scan3A_465, %mul3A_469 : i32
        %swap3A_471 = arith.constant 2 : i32
        %swap3A_472 = arith.index_cast %swap3A_471 : i32 to index
        %swap3A_473 = arith.index_cast %scan3A_443 : i32 to index
        %swap3A_474 = arith.index_cast %mul3A_470 : i32 to index
        %swap3A_475 = tpu.vector_load %arg9[%swap3A_472, %swap3A_473, %swap3A_474] {strides = array<i32>} : memref<3x80x128xf32, #tpu.memory_space<vmem>>, vector<1x1x16xf32>,
        %swap3A_476 = vector.shape_cast %swap3A_475 : vector<1x1x16xf32> to vector<16xf32>
        %swap3A_477 = vector.shape_cast %broadcast_in_dim3A_468 : vector<16xf32> to vector<1x1x16xf32>
        tpu.vector_store %arg9[%swap3A_472, %swap3A_473, %swap3A_474], %swap3A_477 {strides = array<i32>} : memref<3x80x128xf32, #tpu.memory_space<vmem>>, vector<1x1x16xf32>,
        %scan3A_478 = arith.constant 0 : i32
        scf.yield %scan3A_478 : i32
      }
      %scan3A_451 = arith.constant 8 : i32
      %broadcast_in_dim3A = arith.constant 0.000000e+00 : f32
      %broadcast_in_dim3A_452 = vector.broadcast %broadcast_in_dim3A : f32 to vector<16xf32>
      %swap3A = arith.index_cast %scan3A_443 : i32 to index
      %swap3A_453 = arith.constant 0 : index
      %swap3A_454 = tpu.vector_load %arg11[%swap3A, %swap3A_453] {strides = array<i32>} : memref<80x16xf32, #tpu.memory_space<vmem>>, vector<1x16xf32>,
      %swap3A_455 = vector.shape_cast %swap3A_454 : vector<1x16xf32> to vector<16xf32>
      %swap3A_456 = vector.shape_cast %broadcast_in_dim3A_452 : vector<16xf32> to vector<1x16xf32>
      tpu.vector_store %arg11[%swap3A, %swap3A_453], %swap3A_456 {strides = array<i32>} : memref<80x16xf32, #tpu.memory_space<vmem>>, vector<1x16xf32>,
      %broadcast_in_dim3A_457 = arith.constant 1.000000e+00 : f32
      %broadcast_in_dim3A_458 = vector.broadcast %broadcast_in_dim3A_457 : f32 to vector<16xf32>
      %swap3A_459 = arith.index_cast %scan3A_443 : i32 to index
      %swap3A_460 = arith.constant 0 : index
      %swap3A_461 = tpu.vector_load %arg10[%swap3A_459, %swap3A_460] {strides = array<i32>} : memref<80x16xf32, #tpu.memory_space<vmem>>, vector<1x16xf32>,
      %swap3A_462 = vector.shape_cast %swap3A_461 : vector<1x16xf32> to vector<16xf32>
      %swap3A_463 = vector.shape_cast %broadcast_in_dim3A_458 : vector<16xf32> to vector<1x16xf32>
      tpu.vector_store %arg10[%swap3A_459, %swap3A_460], %swap3A_463 {strides = array<i32>} : memref<80x16xf32, #tpu.memory_space<vmem>>, vector<1x16xf32>,
      %scan3A_464 = arith.constant 0 : i32
      scf.yield %scan3A_464 : i32
    }
    %scan3A_151 = arith.constant 80 : i32
    %add3A_152 = arith.constant 0 : i32
    %add3A_153 = arith.addi %mul3A_2, %add3A_152 : i32
    %mul3A_154 = arith.constant 80 : i32
    %mul3A_155 = arith.muli %add3A_153, %mul3A_154 : i32
    %dma_wait3A = arith.constant 0 : i32
    %dma_wait3A_156 = arith.constant 0 : i32
    %dma_wait3A_157 = arith.constant 0 : i32
    %dma_wait3A_158 = arith.constant 0 : i32
    %dma_wait3A_159 = arith.constant 0 : i32
    %dma_wait3A_160 = tpu.memref_slice %arg8[%dma_wait3A_156, %dma_wait3A_157, %dma_wait3A_159] : memref<5x2x80xi32, #tpu.memory_space<vmem>> -> memref<1x1x80xi32, #tpu.memory_space<vmem>>
    %dma_wait3A_161 = tpu.memref_squeeze %dma_wait3A_160 : memref<1x1x80xi32, #tpu.memory_space<vmem>> -> memref<80xi32, #tpu.memory_space<vmem>>
    %dma_wait3A_162 = tpu.memref_slice %arg3[%dma_wait3A, %mul3A_155] : memref<2x320000xi32, #tpu.memory_space<hbm>> -> memref<1x80xi32, #tpu.memory_space<hbm>>
    %dma_wait3A_163 = tpu.memref_squeeze %dma_wait3A_162 : memref<1x80xi32, #tpu.memory_space<hbm>> -> memref<80xi32, #tpu.memory_space<hbm>>
    %dma_wait3A_164 = tpu.memref_slice %arg15[%dma_wait3A_158] : memref<5x!tpu.dma_semaphore, #tpu.memory_space<semaphore_mem>> -> memref<1x!tpu.dma_semaphore, #tpu.memory_space<semaphore_mem>>
    %dma_wait3A_165 = tpu.memref_squeeze %dma_wait3A_164 : memref<1x!tpu.dma_semaphore, #tpu.memory_space<semaphore_mem>> -> memref<!tpu.dma_semaphore, #tpu.memory_space<semaphore_mem>>
    %dma_wait3A_166 = arith.constant 0 : i32
    %dma_wait3A_167 = tpu.memref_slice %arg8[%dma_wait3A_156, %dma_wait3A_157, %dma_wait3A_166] : memref<5x2x80xi32, #tpu.memory_space<vmem>> -> memref<1x1x80xi32, #tpu.memory_space<vmem>>
    %dma_wait3A_168 = tpu.memref_squeeze %dma_wait3A_167 : memref<1x1x80xi32, #tpu.memory_space<vmem>> -> memref<80xi32, #tpu.memory_space<vmem>>
    %dma_wait3A_169 = tpu.memref_slice %arg3[%dma_wait3A, %mul3A_155] : memref<2x320000xi32, #tpu.memory_space<hbm>> -> memref<1x80xi32, #tpu.memory_space<hbm>>
    %dma_wait3A_170 = tpu.memref_squeeze %dma_wait3A_169 : memref<1x80xi32, #tpu.memory_space<hbm>> -> memref<80xi32, #tpu.memory_space<hbm>>
    tpu.wait_dma2 semaphore(%dma_wait3A_165 : memref<!tpu.dma_semaphore, #tpu.memory_space<semaphore_mem>>) src(%dma_wait3A_170 : memref<80xi32, #tpu.memory_space<hbm>>) dst(%dma_wait3A_168 : memref<80xi32, #tpu.memory_space<vmem>>)
    %dma_wait3A_171 = arith.constant 1 : i32
    %dma_wait3A_172 = arith.constant 0 : i32
    %dma_wait3A_173 = arith.constant 1 : i32
    %dma_wait3A_174 = arith.constant 0 : i32
    %dma_wait3A_175 = arith.constant 0 : i32
    %dma_wait3A_176 = tpu.memref_slice %arg8[%dma_wait3A_172, %dma_wait3A_173, %dma_wait3A_175] : memref<5x2x80xi32, #tpu.memory_space<vmem>> -> memref<1x1x80xi32, #tpu.memory_space<vmem>>
    %dma_wait3A_177 = tpu.memref_squeeze %dma_wait3A_176 : memref<1x1x80xi32, #tpu.memory_space<vmem>> -> memref<80xi32, #tpu.memory_space<vmem>>
    %dma_wait3A_178 = tpu.memref_slice %arg3[%dma_wait3A_171, %mul3A_155] : memref<2x320000xi32, #tpu.memory_space<hbm>> -> memref<1x80xi32, #tpu.memory_space<hbm>>
    %dma_wait3A_179 = tpu.memref_squeeze %dma_wait3A_178 : memref<1x80xi32, #tpu.memory_space<hbm>> -> memref<80xi32, #tpu.memory_space<hbm>>
    %dma_wait3A_180 = tpu.memref_slice %arg15[%dma_wait3A_174] : memref<5x!tpu.dma_semaphore, #tpu.memory_space<semaphore_mem>> -> memref<1x!tpu.dma_semaphore, #tpu.memory_space<semaphore_mem>>
    %dma_wait3A_181 = tpu.memref_squeeze %dma_wait3A_180 : memref<1x!tpu.dma_semaphore, #tpu.memory_space<semaphore_mem>> -> memref<!tpu.dma_semaphore, #tpu.memory_space<semaphore_mem>>
    %dma_wait3A_182 = arith.constant 0 : i32
    %dma_wait3A_183 = tpu.memref_slice %arg8[%dma_wait3A_172, %dma_wait3A_173, %dma_wait3A_182] : memref<5x2x80xi32, #tpu.memory_space<vmem>> -> memref<1x1x80xi32, #tpu.memory_space<vmem>>
    %dma_wait3A_184 = tpu.memref_squeeze %dma_wait3A_183 : memref<1x1x80xi32, #tpu.memory_space<vmem>> -> memref<80xi32, #tpu.memory_space<vmem>>
    %dma_wait3A_185 = tpu.memref_slice %arg3[%dma_wait3A_171, %mul3A_155] : memref<2x320000xi32, #tpu.memory_space<hbm>> -> memref<1x80xi32, #tpu.memory_space<hbm>>
    %dma_wait3A_186 = tpu.memref_squeeze %dma_wait3A_185 : memref<1x80xi32, #tpu.memory_space<hbm>> -> memref<80xi32, #tpu.memory_space<hbm>>
    tpu.wait_dma2 semaphore(%dma_wait3A_181 : memref<!tpu.dma_semaphore, #tpu.memory_space<semaphore_mem>>) src(%dma_wait3A_186 : memref<80xi32, #tpu.memory_space<hbm>>) dst(%dma_wait3A_184 : memref<80xi32, #tpu.memory_space<vmem>>)
    %dma_start3A_187 = arith.constant 0 : i32
    %dma_start3A_188 = arith.constant 0 : i32
    %dma_start3A_189 = arith.constant 0 : i32
    %dma_start3A_190 = arith.constant 0 : i32
    %dma_start3A_191 = arith.constant 0 : i32
    %dma_start3A_192 = arith.constant 0 : i32
    %dma_start3A_193 = tpu.memref_slice %arg9[%dma_start3A_189, %dma_start3A_191, %dma_start3A_192] : memref<3x80x128xf32, #tpu.memory_space<vmem>> -> memref<1x80x128xf32, #tpu.memory_space<vmem>>
    %dma_start3A_194 = tpu.memref_squeeze %dma_start3A_193 : memref<1x80x128xf32, #tpu.memory_space<vmem>> -> memref<80x128xf32, #tpu.memory_space<vmem>>
    %dma_start3A_195 = arith.constant 0 : i32
    %dma_start3A_196 = tpu.memref_slice %arg8[%dma_start3A_187, %dma_start3A_188, %dma_start3A_195] : memref<5x2x80xi32, #tpu.memory_space<vmem>> -> memref<1x1x80xi32, #tpu.memory_space<vmem>>
    %dma_start3A_197 = tpu.memref_squeeze %dma_start3A_196 : memref<1x1x80xi32, #tpu.memory_space<vmem>> -> memref<80xi32, #tpu.memory_space<vmem>>
    %dma_start3A_198 = arith.constant 0 : i32
    %dma_start3A_199 = arith.constant 0 : i32
    %dma_start3A_200 = tpu.memref_slice %arg2[%dma_start3A_198, %dma_start3A_199] : memref<10000x128xf32, #tpu.memory_space<hbm>> -> memref<10000x128xf32, #tpu.memory_space<hbm>>
    %dma_start3A_201 = tpu.memref_slice %arg12[%dma_start3A_190] : memref<3x!tpu.dma_semaphore, #tpu.memory_space<semaphore_mem>> -> memref<1x!tpu.dma_semaphore, #tpu.memory_space<semaphore_mem>>
    %dma_start3A_202 = tpu.memref_squeeze %dma_start3A_201 : memref<1x!tpu.dma_semaphore, #tpu.memory_space<semaphore_mem>> -> memref<!tpu.dma_semaphore, #tpu.memory_space<semaphore_mem>>
    tpu.enqueue_indirect_dma source(%dma_start3A_200 : memref<10000x128xf32, #tpu.memory_space<hbm>>) target(%dma_start3A_194 : memref<80x128xf32, #tpu.memory_space<vmem>>) offsets(%dma_start3A_197 : memref<80xi32, #tpu.memory_space<vmem>>) semaphore(%dma_start3A_202 : memref<!tpu.dma_semaphore, #tpu.memory_space<semaphore_mem>>)
    %add3A_203 = arith.constant 1 : i32
    %add3A_204 = arith.addi %mul3A_2, %add3A_203 : i32
    %mul3A_205 = arith.constant 80 : i32
    %mul3A_206 = arith.muli %add3A_204, %mul3A_205 : i32
    %dma_wait3A_207 = arith.constant 0 : i32
    %dma_wait3A_208 = arith.constant 1 : i32
    %dma_wait3A_209 = arith.constant 0 : i32
    %dma_wait3A_210 = arith.constant 1 : i32
    %dma_wait3A_211 = arith.constant 0 : i32
    %dma_wait3A_212 = tpu.memref_slice %arg8[%dma_wait3A_208, %dma_wait3A_209, %dma_wait3A_211] : memref<5x2x80xi32, #tpu.memory_space<vmem>> -> memref<1x1x80xi32, #tpu.memory_space<vmem>>
    %dma_wait3A_213 = tpu.memref_squeeze %dma_wait3A_212 : memref<1x1x80xi32, #tpu.memory_space<vmem>> -> memref<80xi32, #tpu.memory_space<vmem>>
    %dma_wait3A_214 = tpu.memref_slice %arg3[%dma_wait3A_207, %mul3A_206] : memref<2x320000xi32, #tpu.memory_space<hbm>> -> memref<1x80xi32, #tpu.memory_space<hbm>>
    %dma_wait3A_215 = tpu.memref_squeeze %dma_wait3A_214 : memref<1x80xi32, #tpu.memory_space<hbm>> -> memref<80xi32, #tpu.memory_space<hbm>>
    %dma_wait3A_216 = tpu.memref_slice %arg15[%dma_wait3A_210] : memref<5x!tpu.dma_semaphore, #tpu.memory_space<semaphore_mem>> -> memref<1x!tpu.dma_semaphore, #tpu.memory_space<semaphore_mem>>
    %dma_wait3A_217 = tpu.memref_squeeze %dma_wait3A_216 : memref<1x!tpu.dma_semaphore, #tpu.memory_space<semaphore_mem>> -> memref<!tpu.dma_semaphore, #tpu.memory_space<semaphore_mem>>
    %dma_wait3A_218 = arith.constant 0 : i32
    %dma_wait3A_219 = tpu.memref_slice %arg8[%dma_wait3A_208, %dma_wait3A_209, %dma_wait3A_218] : memref<5x2x80xi32, #tpu.memory_space<vmem>> -> memref<1x1x80xi32, #tpu.memory_space<vmem>>
    %dma_wait3A_220 = tpu.memref_squeeze %dma_wait3A_219 : memref<1x1x80xi32, #tpu.memory_space<vmem>> -> memref<80xi32, #tpu.memory_space<vmem>>
    %dma_wait3A_221 = tpu.memref_slice %arg3[%dma_wait3A_207, %mul3A_206] : memref<2x320000xi32, #tpu.memory_space<hbm>> -> memref<1x80xi32, #tpu.memory_space<hbm>>
    %dma_wait3A_222 = tpu.memref_squeeze %dma_wait3A_221 : memref<1x80xi32, #tpu.memory_space<hbm>> -> memref<80xi32, #tpu.memory_space<hbm>>
    tpu.wait_dma2 semaphore(%dma_wait3A_217 : memref<!tpu.dma_semaphore, #tpu.memory_space<semaphore_mem>>) src(%dma_wait3A_222 : memref<80xi32, #tpu.memory_space<hbm>>) dst(%dma_wait3A_220 : memref<80xi32, #tpu.memory_space<vmem>>)
    %dma_wait3A_223 = arith.constant 1 : i32
    %dma_wait3A_224 = arith.constant 1 : i32
    %dma_wait3A_225 = arith.constant 1 : i32
    %dma_wait3A_226 = arith.constant 1 : i32
    %dma_wait3A_227 = arith.constant 0 : i32
    %dma_wait3A_228 = tpu.memref_slice %arg8[%dma_wait3A_224, %dma_wait3A_225, %dma_wait3A_227] : memref<5x2x80xi32, #tpu.memory_space<vmem>> -> memref<1x1x80xi32, #tpu.memory_space<vmem>>
    %dma_wait3A_229 = tpu.memref_squeeze %dma_wait3A_228 : memref<1x1x80xi32, #tpu.memory_space<vmem>> -> memref<80xi32, #tpu.memory_space<vmem>>
    %dma_wait3A_230 = tpu.memref_slice %arg3[%dma_wait3A_223, %mul3A_206] : memref<2x320000xi32, #tpu.memory_space<hbm>> -> memref<1x80xi32, #tpu.memory_space<hbm>>
    %dma_wait3A_231 = tpu.memref_squeeze %dma_wait3A_230 : memref<1x80xi32, #tpu.memory_space<hbm>> -> memref<80xi32, #tpu.memory_space<hbm>>
    %dma_wait3A_232 = tpu.memref_slice %arg15[%dma_wait3A_226] : memref<5x!tpu.dma_semaphore, #tpu.memory_space<semaphore_mem>> -> memref<1x!tpu.dma_semaphore, #tpu.memory_space<semaphore_mem>>
    %dma_wait3A_233 = tpu.memref_squeeze %dma_wait3A_232 : memref<1x!tpu.dma_semaphore, #tpu.memory_space<semaphore_mem>> -> memref<!tpu.dma_semaphore, #tpu.memory_space<semaphore_mem>>
    %dma_wait3A_234 = arith.constant 0 : i32
    %dma_wait3A_235 = tpu.memref_slice %arg8[%dma_wait3A_224, %dma_wait3A_225, %dma_wait3A_234] : memref<5x2x80xi32, #tpu.memory_space<vmem>> -> memref<1x1x80xi32, #tpu.memory_space<vmem>>
    %dma_wait3A_236 = tpu.memref_squeeze %dma_wait3A_235 : memref<1x1x80xi32, #tpu.memory_space<vmem>> -> memref<80xi32, #tpu.memory_space<vmem>>
    %dma_wait3A_237 = tpu.memref_slice %arg3[%dma_wait3A_223, %mul3A_206] : memref<2x320000xi32, #tpu.memory_space<hbm>> -> memref<1x80xi32, #tpu.memory_space<hbm>>
    %dma_wait3A_238 = tpu.memref_squeeze %dma_wait3A_237 : memref<1x80xi32, #tpu.memory_space<hbm>> -> memref<80xi32, #tpu.memory_space<hbm>>
    tpu.wait_dma2 semaphore(%dma_wait3A_233 : memref<!tpu.dma_semaphore, #tpu.memory_space<semaphore_mem>>) src(%dma_wait3A_238 : memref<80xi32, #tpu.memory_space<hbm>>) dst(%dma_wait3A_236 : memref<80xi32, #tpu.memory_space<vmem>>)
    %dma_start3A_239 = arith.constant 1 : i32
    %dma_start3A_240 = arith.constant 0 : i32
    %dma_start3A_241 = arith.constant 1 : i32
    %dma_start3A_242 = arith.constant 1 : i32
    %dma_start3A_243 = arith.constant 0 : i32
    %dma_start3A_244 = arith.constant 0 : i32
    %dma_start3A_245 = tpu.memref_slice %arg9[%dma_start3A_241, %dma_start3A_243, %dma_start3A_244] : memref<3x80x128xf32, #tpu.memory_space<vmem>> -> memref<1x80x128xf32, #tpu.memory_space<vmem>>
    %dma_start3A_246 = tpu.memref_squeeze %dma_start3A_245 : memref<1x80x128xf32, #tpu.memory_space<vmem>> -> memref<80x128xf32, #tpu.memory_space<vmem>>
    %dma_start3A_247 = arith.constant 0 : i32
    %dma_start3A_248 = tpu.memref_slice %arg8[%dma_start3A_239, %dma_start3A_240, %dma_start3A_247] : memref<5x2x80xi32, #tpu.memory_space<vmem>> -> memref<1x1x80xi32, #tpu.memory_space<vmem>>
    %dma_start3A_249 = tpu.memref_squeeze %dma_start3A_248 : memref<1x1x80xi32, #tpu.memory_space<vmem>> -> memref<80xi32, #tpu.memory_space<vmem>>
    %dma_start3A_250 = arith.constant 0 : i32
    %dma_start3A_251 = arith.constant 0 : i32
    %dma_start3A_252 = tpu.memref_slice %arg2[%dma_start3A_250, %dma_start3A_251] : memref<10000x128xf32, #tpu.memory_space<hbm>> -> memref<10000x128xf32, #tpu.memory_space<hbm>>
    %dma_start3A_253 = tpu.memref_slice %arg12[%dma_start3A_242] : memref<3x!tpu.dma_semaphore, #tpu.memory_space<semaphore_mem>> -> memref<1x!tpu.dma_semaphore, #tpu.memory_space<semaphore_mem>>
    %dma_start3A_254 = tpu.memref_squeeze %dma_start3A_253 : memref<1x!tpu.dma_semaphore, #tpu.memory_space<semaphore_mem>> -> memref<!tpu.dma_semaphore, #tpu.memory_space<semaphore_mem>>
    tpu.enqueue_indirect_dma source(%dma_start3A_252 : memref<10000x128xf32, #tpu.memory_space<hbm>>) target(%dma_start3A_246 : memref<80x128xf32, #tpu.memory_space<vmem>>) offsets(%dma_start3A_249 : memref<80xi32, #tpu.memory_space<vmem>>) semaphore(%dma_start3A_254 : memref<!tpu.dma_semaphore, #tpu.memory_space<semaphore_mem>>)
    %mul3A_255 = arith.constant 625 : i32
    %mul3A_256 = arith.muli %arg1, %mul3A_255 : i32
    %scan3A_257 = arith.constant 0 : i32
    %scan3A_258 = arith.constant 0 : i32
    %scan3A_259 = arith.constant 7 : i32
    %scan3A_260 = arith.addi %scan3A_258, %scan3A_259 : i32
    %scan3A_261 = arith.constant 1 : i32
    %scan3A_262 = scf.for %scan3A_443 = %scan3A_258 to %scan3A_260 step %scan3A_261 iter_args(%scan3A_444 = %scan3A_257) -> (i32)  : i32 {
      %mul3A_445 = arith.constant 80 : i32
      %mul3A_446 = arith.muli %scan3A_443, %mul3A_445 : i32
      %add3A_447 = arith.addi %mul3A_256, %mul3A_446 : i32
      %run_scoped3A_448 = arith.constant 2 : i32
      "tpu.region"() ({
        %run_scoped3A_453 = tpu.sem_alloc : memref<!tpu.dma_semaphore, #tpu.memory_space<semaphore_mem>>
        %dma_start3A_454 = arith.constant 0 : i32
        %dma_start3A_455 = arith.constant 0 : i32
        %dma_start3A_456 = tpu.memref_slice %arg9[%run_scoped3A_448, %dma_start3A_454, %dma_start3A_455] : memref<3x80x128xf32, #tpu.memory_space<vmem>> -> memref<1x80x128xf32, #tpu.memory_space<vmem>>
        %dma_start3A_457 = tpu.memref_squeeze %dma_start3A_456 : memref<1x80x128xf32, #tpu.memory_space<vmem>> -> memref<80x128xf32, #tpu.memory_space<vmem>>
        %dma_start3A_458 = arith.constant 0 : i32
        %dma_start3A_459 = tpu.memref_slice %arg6[%add3A_447, %dma_start3A_458] : memref<10000x128xf32, #tpu.memory_space<vmem_shared>> -> memref<80x128xf32, #tpu.memory_space<vmem_shared>>
        %dma_start3A_460 = arith.constant 0 : i32
        %dma_start3A_461 = tpu.memref_slice %arg6[%add3A_447, %dma_start3A_460] : memref<10000x128xf32, #tpu.memory_space<vmem_shared>> -> memref<80x128xf32, #tpu.memory_space<vmem_shared>>
        %dma_start3A_462 = arith.constant 0 : i32
        %dma_start3A_463 = arith.constant 0 : i32
        %dma_start3A_464 = tpu.memref_slice %arg9[%run_scoped3A_448, %dma_start3A_462, %dma_start3A_463] : memref<3x80x128xf32, #tpu.memory_space<vmem>> -> memref<1x80x128xf32, #tpu.memory_space<vmem>>
        %dma_start3A_465 = tpu.memref_squeeze %dma_start3A_464 : memref<1x80x128xf32, #tpu.memory_space<vmem>> -> memref<80x128xf32, #tpu.memory_space<vmem>>
        tpu.enqueue_dma source(%dma_start3A_465 : memref<80x128xf32, #tpu.memory_space<vmem>>) target(%dma_start3A_461 : memref<80x128xf32, #tpu.memory_space<vmem_shared>>) target_semaphore(%run_scoped3A_453 : memref<!tpu.dma_semaphore, #tpu.memory_space<semaphore_mem>>)
        %dma_wait3A_466 = arith.constant 0 : i32
        %dma_wait3A_467 = arith.constant 0 : i32
        %dma_wait3A_468 = tpu.memref_slice %arg9[%run_scoped3A_448, %dma_wait3A_466, %dma_wait3A_467] : memref<3x80x128xf32, #tpu.memory_space<vmem>> -> memref<1x80x128xf32, #tpu.memory_space<vmem>>
        %dma_wait3A_469 = tpu.memref_squeeze %dma_wait3A_468 : memref<1x80x128xf32, #tpu.memory_space<vmem>> -> memref<80x128xf32, #tpu.memory_space<vmem>>
        %dma_wait3A_470 = arith.constant 0 : i32
        %dma_wait3A_471 = tpu.memref_slice %arg6[%add3A_447, %dma_wait3A_470] : memref<10000x128xf32, #tpu.memory_space<vmem_shared>> -> memref<80x128xf32, #tpu.memory_space<vmem_shared>>
        %dma_wait3A_472 = arith.constant 0 : i32
        %dma_wait3A_473 = tpu.memref_slice %arg6[%add3A_447, %dma_wait3A_472] : memref<10000x128xf32, #tpu.memory_space<vmem_shared>> -> memref<80x128xf32, #tpu.memory_space<vmem_shared>>
        %dma_wait3A_474 = arith.constant 0 : i32
        %dma_wait3A_475 = arith.constant 0 : i32
        %dma_wait3A_476 = tpu.memref_slice %arg9[%run_scoped3A_448, %dma_wait3A_474, %dma_wait3A_475] : memref<3x80x128xf32, #tpu.memory_space<vmem>> -> memref<1x80x128xf32, #tpu.memory_space<vmem>>
        %dma_wait3A_477 = tpu.memref_squeeze %dma_wait3A_476 : memref<1x80x128xf32, #tpu.memory_space<vmem>> -> memref<80x128xf32, #tpu.memory_space<vmem>>
        tpu.wait_dma2 semaphore(%run_scoped3A_453 : memref<!tpu.dma_semaphore, #tpu.memory_space<semaphore_mem>>) src(%dma_wait3A_477 : memref<80x128xf32, #tpu.memory_space<vmem>>) dst(%dma_wait3A_473 : memref<80x128xf32, #tpu.memory_space<vmem_shared>>)
        tpu.yield
      }) : () -> ()
      %mul3A_449 = arith.constant 80 : i32
      %mul3A_450 = arith.muli %scan3A_443, %mul3A_449 : i32
      %add3A_451 = arith.addi %mul3A_256, %mul3A_450 : i32
      "tpu.region"() ({
        %run_scoped3A_453 = tpu.sem_alloc : memref<!tpu.dma_semaphore, #tpu.memory_space<semaphore_mem>>
        %dma_start3A_454 = arith.constant 0 : i32
        %dma_start3A_455 = tpu.memref_slice %arg7[%add3A_451, %dma_start3A_454] : memref<10000x16xf32, #tpu.memory_space<vmem_shared>> -> memref<80x16xf32, #tpu.memory_space<vmem_shared>>
        %dma_start3A_456 = arith.constant 0 : i32
        %dma_start3A_457 = tpu.memref_slice %arg7[%add3A_451, %dma_start3A_456] : memref<10000x16xf32, #tpu.memory_space<vmem_shared>> -> memref<80x16xf32, #tpu.memory_space<vmem_shared>>
        tpu.enqueue_dma source(%arg11 : memref<80x16xf32, #tpu.memory_space<vmem>>) target(%dma_start3A_457 : memref<80x16xf32, #tpu.memory_space<vmem_shared>>) target_semaphore(%run_scoped3A_453 : memref<!tpu.dma_semaphore, #tpu.memory_space<semaphore_mem>>)
        %dma_wait3A_458 = arith.constant 0 : i32
        %dma_wait3A_459 = tpu.memref_slice %arg7[%add3A_451, %dma_wait3A_458] : memref<10000x16xf32, #tpu.memory_space<vmem_shared>> -> memref<80x16xf32, #tpu.memory_space<vmem_shared>>
        %dma_wait3A_460 = arith.constant 0 : i32
        %dma_wait3A_461 = tpu.memref_slice %arg7[%add3A_451, %dma_wait3A_460] : memref<10000x16xf32, #tpu.memory_space<vmem_shared>> -> memref<80x16xf32, #tpu.memory_space<vmem_shared>>
        tpu.wait_dma2 semaphore(%run_scoped3A_453 : memref<!tpu.dma_semaphore, #tpu.memory_space<semaphore_mem>>) src(%arg11 : memref<80x16xf32, #tpu.memory_space<vmem>>) dst(%dma_wait3A_461 : memref<80x16xf32, #tpu.memory_space<vmem_shared>>)
        tpu.yield
      }) : () -> ()
      %scan3A_452 = arith.constant 0 : i32
      scf.yield %scan3A_452 : i32
    }
    %scan3A_263 = arith.constant 7 : i32
    %add3A_264 = arith.constant 560 : i32
    %add3A_265 = arith.addi %mul3A_256, %add3A_264 : i32
    %run_scoped3A = arith.constant 2 : i32
    "tpu.region"() ({
      %run_scoped3A_443 = tpu.sem_alloc : memref<!tpu.dma_semaphore, #tpu.memory_space<semaphore_mem>>
      %dma_start3A_444 = arith.constant 0 : i32
      %dma_start3A_445 = arith.constant 0 : i32
      %dma_start3A_446 = tpu.memref_slice %arg9[%run_scoped3A, %dma_start3A_444, %dma_start3A_445] : memref<3x80x128xf32, #tpu.memory_space<vmem>> -> memref<1x65x128xf32, #tpu.memory_space<vmem>>
      %dma_start3A_447 = tpu.memref_squeeze %dma_start3A_446 : memref<1x65x128xf32, #tpu.memory_space<vmem>> -> memref<65x128xf32, #tpu.memory_space<vmem>>
      %dma_start3A_448 = arith.constant 0 : i32
      %dma_start3A_449 = tpu.memref_slice %arg6[%add3A_265, %dma_start3A_448] : memref<10000x128xf32, #tpu.memory_space<vmem_shared>> -> memref<65x128xf32, #tpu.memory_space<vmem_shared>>
      %dma_start3A_450 = arith.constant 0 : i32
      %dma_start3A_451 = tpu.memref_slice %arg6[%add3A_265, %dma_start3A_450] : memref<10000x128xf32, #tpu.memory_space<vmem_shared>> -> memref<65x128xf32, #tpu.memory_space<vmem_shared>>
      %dma_start3A_452 = arith.constant 0 : i32
      %dma_start3A_453 = arith.constant 0 : i32
      %dma_start3A_454 = tpu.memref_slice %arg9[%run_scoped3A, %dma_start3A_452, %dma_start3A_453] : memref<3x80x128xf32, #tpu.memory_space<vmem>> -> memref<1x65x128xf32, #tpu.memory_space<vmem>>
      %dma_start3A_455 = tpu.memref_squeeze %dma_start3A_454 : memref<1x65x128xf32, #tpu.memory_space<vmem>> -> memref<65x128xf32, #tpu.memory_space<vmem>>
      tpu.enqueue_dma source(%dma_start3A_455 : memref<65x128xf32, #tpu.memory_space<vmem>>) target(%dma_start3A_451 : memref<65x128xf32, #tpu.memory_space<vmem_shared>>) target_semaphore(%run_scoped3A_443 : memref<!tpu.dma_semaphore, #tpu.memory_space<semaphore_mem>>)
      %dma_wait3A_456 = arith.constant 0 : i32
      %dma_wait3A_457 = arith.constant 0 : i32
      %dma_wait3A_458 = tpu.memref_slice %arg9[%run_scoped3A, %dma_wait3A_456, %dma_wait3A_457] : memref<3x80x128xf32, #tpu.memory_space<vmem>> -> memref<1x65x128xf32, #tpu.memory_space<vmem>>
      %dma_wait3A_459 = tpu.memref_squeeze %dma_wait3A_458 : memref<1x65x128xf32, #tpu.memory_space<vmem>> -> memref<65x128xf32, #tpu.memory_space<vmem>>
      %dma_wait3A_460 = arith.constant 0 : i32
      %dma_wait3A_461 = tpu.memref_slice %arg6[%add3A_265, %dma_wait3A_460] : memref<10000x128xf32, #tpu.memory_space<vmem_shared>> -> memref<65x128xf32, #tpu.memory_space<vmem_shared>>
      %dma_wait3A_462 = arith.constant 0 : i32
      %dma_wait3A_463 = tpu.memref_slice %arg6[%add3A_265, %dma_wait3A_462] : memref<10000x128xf32, #tpu.memory_space<vmem_shared>> -> memref<65x128xf32, #tpu.memory_space<vmem_shared>>
      %dma_wait3A_464 = arith.constant 0 : i32
      %dma_wait3A_465 = arith.constant 0 : i32
      %dma_wait3A_466 = tpu.memref_slice %arg9[%run_scoped3A, %dma_wait3A_464, %dma_wait3A_465] : memref<3x80x128xf32, #tpu.memory_space<vmem>> -> memref<1x65x128xf32, #tpu.memory_space<vmem>>
      %dma_wait3A_467 = tpu.memref_squeeze %dma_wait3A_466 : memref<1x65x128xf32, #tpu.memory_space<vmem>> -> memref<65x128xf32, #tpu.memory_space<vmem>>
      tpu.wait_dma2 semaphore(%run_scoped3A_443 : memref<!tpu.dma_semaphore, #tpu.memory_space<semaphore_mem>>) src(%dma_wait3A_467 : memref<65x128xf32, #tpu.memory_space<vmem>>) dst(%dma_wait3A_463 : memref<65x128xf32, #tpu.memory_space<vmem_shared>>)
      tpu.yield
    }) : () -> ()
    %add3A_266 = arith.constant 560 : i32
    %add3A_267 = arith.addi %mul3A_256, %add3A_266 : i32
    "tpu.region"() ({
      %run_scoped3A_443 = tpu.sem_alloc : memref<!tpu.dma_semaphore, #tpu.memory_space<semaphore_mem>>
      %dma_start3A_444 = arith.constant 0 : i32
      %dma_start3A_445 = arith.constant 0 : i32
      %dma_start3A_446 = tpu.memref_slice %arg11[%dma_start3A_444, %dma_start3A_445] : memref<80x16xf32, #tpu.memory_space<vmem>> -> memref<65x16xf32, #tpu.memory_space<vmem>>
      %dma_start3A_447 = arith.constant 0 : i32
      %dma_start3A_448 = tpu.memref_slice %arg7[%add3A_267, %dma_start3A_447] : memref<10000x16xf32, #tpu.memory_space<vmem_shared>> -> memref<65x16xf32, #tpu.memory_space<vmem_shared>>
      %dma_start3A_449 = arith.constant 0 : i32
      %dma_start3A_450 = tpu.memref_slice %arg7[%add3A_267, %dma_start3A_449] : memref<10000x16xf32, #tpu.memory_space<vmem_shared>> -> memref<65x16xf32, #tpu.memory_space<vmem_shared>>
      %dma_start3A_451 = arith.constant 0 : i32
      %dma_start3A_452 = arith.constant 0 : i32
      %dma_start3A_453 = tpu.memref_slice %arg11[%dma_start3A_451, %dma_start3A_452] : memref<80x16xf32, #tpu.memory_space<vmem>> -> memref<65x16xf32, #tpu.memory_space<vmem>>
      tpu.enqueue_dma source(%dma_start3A_453 : memref<65x16xf32, #tpu.memory_space<vmem>>) target(%dma_start3A_450 : memref<65x16xf32, #tpu.memory_space<vmem_shared>>) target_semaphore(%run_scoped3A_443 : memref<!tpu.dma_semaphore, #tpu.memory_space<semaphore_mem>>)
      %dma_wait3A_454 = arith.constant 0 : i32
      %dma_wait3A_455 = arith.constant 0 : i32
      %dma_wait3A_456 = tpu.memref_slice %arg11[%dma_wait3A_454, %dma_wait3A_455] : memref<80x16xf32, #tpu.memory_space<vmem>> -> memref<65x16xf32, #tpu.memory_space<vmem>>
      %dma_wait3A_457 = arith.constant 0 : i32
      %dma_wait3A_458 = tpu.memref_slice %arg7[%add3A_267, %dma_wait3A_457] : memref<10000x16xf32, #tpu.memory_space<vmem_shared>> -> memref<65x16xf32, #tpu.memory_space<vmem_shared>>
      %dma_wait3A_459 = arith.constant 0 : i32
      %dma_wait3A_460 = tpu.memref_slice %arg7[%add3A_267, %dma_wait3A_459] : memref<10000x16xf32, #tpu.memory_space<vmem_shared>> -> memref<65x16xf32, #tpu.memory_space<vmem_shared>>
      %dma_wait3A_461 = arith.constant 0 : i32
      %dma_wait3A_462 = arith.constant 0 : i32
      %dma_wait3A_463 = tpu.memref_slice %arg11[%dma_wait3A_461, %dma_wait3A_462] : memref<80x16xf32, #tpu.memory_space<vmem>> -> memref<65x16xf32, #tpu.memory_space<vmem>>
      tpu.wait_dma2 semaphore(%run_scoped3A_443 : memref<!tpu.dma_semaphore, #tpu.memory_space<semaphore_mem>>) src(%dma_wait3A_463 : memref<65x16xf32, #tpu.memory_space<vmem>>) dst(%dma_wait3A_460 : memref<65x16xf32, #tpu.memory_space<vmem_shared>>)
      tpu.yield
    }) : () -> ()
    %barrier3A = arith.constant 0 : index
    tpu.barrier barrier_id(%barrier3A)
    %scan3A_268 = arith.constant 0 : i32
    %scan3A_269 = arith.constant 0 : i32
    %scan3A_270 = arith.constant 41 : i32
    %scan3A_271 = arith.addi %scan3A_269, %scan3A_270 : i32
    %scan3A_272 = arith.constant 1 : i32
    %scan3A_273 = scf.for %scan3A_443 = %scan3A_269 to %scan3A_271 step %scan3A_272 iter_args(%scan3A_444 = %scan3A_268) -> (i32)  : i32 {
      %mul3A_445 = arith.constant 3 : i32
      %mul3A_446 = arith.muli %scan3A_443, %mul3A_445 : i32
      %add3A_447 = arith.constant 0 : i32
      %add3A_448 = arith.addi %mul3A_446, %add3A_447 : i32
      %jit3A = arith.constant 5 : i32
      %eq3A = arith.constant 0 : i32
      %eq3A_449 = arith.cmpi eq, %jit3A, %eq3A : i32
      %jit3A_450 = arith.constant 1 : i32
      %select_n3A = arith.select %eq3A_449, %jit3A_450, %jit3A : i32
      %rem3A = arith.remsi %add3A_448, %select_n3A : i32
      %ne3A = arith.constant 0 : i32
      %ne3A_451 = arith.cmpi ne, %rem3A, %ne3A : i32
      %lt3A = arith.constant 0 : i32
      %lt3A_452 = arith.cmpi slt, %rem3A, %lt3A : i32
      %lt3A_453 = arith.constant 0 : i32
      %lt3A_454 = arith.cmpi slt, %select_n3A, %lt3A_453 : i32
      %ne3A_455 = arith.xori %lt3A_452, %lt3A_454 : i1
      %and3A = arith.andi %ne3A_455, %ne3A_451 : i1
      %add3A_456 = arith.addi %rem3A, %select_n3A : i32
      %select_n3A_457 = arith.select %and3A, %add3A_456, %rem3A : i32
      %dma_wait3A_458 = arith.constant 0 : i32
      %dma_wait3A_459 = arith.constant 0 : i32
      %dma_wait3A_460 = arith.constant 0 : i32
      %dma_wait3A_461 = arith.constant 0 : i32
      %dma_wait3A_462 = arith.constant 0 : i32
      %dma_wait3A_463 = tpu.memref_slice %arg9[%dma_wait3A_459, %dma_wait3A_461, %dma_wait3A_462] : memref<3x80x128xf32, #tpu.memory_space<vmem>> -> memref<1x80x128xf32, #tpu.memory_space<vmem>>
      %dma_wait3A_464 = tpu.memref_squeeze %dma_wait3A_463 : memref<1x80x128xf32, #tpu.memory_space<vmem>> -> memref<80x128xf32, #tpu.memory_space<vmem>>
      %dma_wait3A_465 = arith.constant 0 : i32
      %dma_wait3A_466 = tpu.memref_slice %arg8[%select_n3A_457, %dma_wait3A_458, %dma_wait3A_465] : memref<5x2x80xi32, #tpu.memory_space<vmem>> -> memref<1x1x80xi32, #tpu.memory_space<vmem>>
      %dma_wait3A_467 = tpu.memref_squeeze %dma_wait3A_466 : memref<1x1x80xi32, #tpu.memory_space<vmem>> -> memref<80xi32, #tpu.memory_space<vmem>>
      %dma_wait3A_468 = arith.constant 0 : i32
      %dma_wait3A_469 = arith.constant 0 : i32
      %dma_wait3A_470 = tpu.memref_slice %arg2[%dma_wait3A_468, %dma_wait3A_469] : memref<10000x128xf32, #tpu.memory_space<hbm>> -> memref<10000x128xf32, #tpu.memory_space<hbm>>
      %dma_wait3A_471 = tpu.memref_slice %arg12[%dma_wait3A_460] : memref<3x!tpu.dma_semaphore, #tpu.memory_space<semaphore_mem>> -> memref<1x!tpu.dma_semaphore, #tpu.memory_space<semaphore_mem>>
      %dma_wait3A_472 = tpu.memref_squeeze %dma_wait3A_471 : memref<1x!tpu.dma_semaphore, #tpu.memory_space<semaphore_mem>> -> memref<!tpu.dma_semaphore, #tpu.memory_space<semaphore_mem>>
      tpu.wait_indirect_dma semaphore(%dma_wait3A_472 : memref<!tpu.dma_semaphore, #tpu.memory_space<semaphore_mem>>) src(%dma_wait3A_470 : memref<10000x128xf32, #tpu.memory_space<hbm>>) dst(%dma_wait3A_464 : memref<80x128xf32, #tpu.memory_space<vmem>>)
      %jit3A_473 = arith.constant 5 : i32
      %eq3A_474 = arith.constant 0 : i32
      %eq3A_475 = arith.cmpi eq, %jit3A_473, %eq3A_474 : i32
      %jit3A_476 = arith.constant 1 : i32
      %select_n3A_477 = arith.select %eq3A_475, %jit3A_476, %jit3A_473 : i32
      %rem3A_478 = arith.remsi %add3A_448, %select_n3A_477 : i32
      %ne3A_479 = arith.constant 0 : i32
      %ne3A_480 = arith.cmpi ne, %rem3A_478, %ne3A_479 : i32
      %lt3A_481 = arith.constant 0 : i32
      %lt3A_482 = arith.cmpi slt, %rem3A_478, %lt3A_481 : i32
      %lt3A_483 = arith.constant 0 : i32
      %lt3A_484 = arith.cmpi slt, %select_n3A_477, %lt3A_483 : i32
      %ne3A_485 = arith.xori %lt3A_482, %lt3A_484 : i1
      %and3A_486 = arith.andi %ne3A_485, %ne3A_480 : i1
      %add3A_487 = arith.addi %rem3A_478, %select_n3A_477 : i32
      %select_n3A_488 = arith.select %and3A_486, %add3A_487, %rem3A_478 : i32
      %dma_start3A_489 = arith.constant 0 : i32
      %dma_start3A_490 = arith.constant 1 : i32
      %dma_start3A_491 = arith.constant 0 : i32
      %dma_start3A_492 = arith.constant 0 : i32
      %dma_start3A_493 = arith.constant 0 : i32
      %dma_start3A_494 = tpu.memref_slice %arg9[%dma_start3A_489, %dma_start3A_492, %dma_start3A_493] : memref<3x80x128xf32, #tpu.memory_space<vmem>> -> memref<1x80x128xf32, #tpu.memory_space<vmem>>
      %dma_start3A_495 = tpu.memref_squeeze %dma_start3A_494 : memref<1x80x128xf32, #tpu.memory_space<vmem>> -> memref<80x128xf32, #tpu.memory_space<vmem>>
      %dma_start3A_496 = arith.constant 0 : i32
      %dma_start3A_497 = tpu.memref_slice %arg8[%select_n3A_488, %dma_start3A_490, %dma_start3A_496] : memref<5x2x80xi32, #tpu.memory_space<vmem>> -> memref<1x1x80xi32, #tpu.memory_space<vmem>>
      %dma_start3A_498 = tpu.memref_squeeze %dma_start3A_497 : memref<1x1x80xi32, #tpu.memory_space<vmem>> -> memref<80xi32, #tpu.memory_space<vmem>>
      %dma_start3A_499 = arith.constant 0 : i32
      %dma_start3A_500 = arith.constant 0 : i32
      %dma_start3A_501 = tpu.memref_slice %arg6[%dma_start3A_499, %dma_start3A_500] : memref<10000x128xf32, #tpu.memory_space<vmem_shared>> -> memref<10000x128xf32, #tpu.memory_space<vmem_shared>>
      %dma_start3A_502 = tpu.memref_slice %arg13[%dma_start3A_491] : memref<3x!tpu.dma_semaphore, #tpu.memory_space<semaphore_mem>> -> memref<1x!tpu.dma_semaphore, #tpu.memory_space<semaphore_mem>>
      %dma_start3A_503 = tpu.memref_squeeze %dma_start3A_502 : memref<1x!tpu.dma_semaphore, #tpu.memory_space<semaphore_mem>> -> memref<!tpu.dma_semaphore, #tpu.memory_space<semaphore_mem>>
      tpu.enqueue_indirect_dma source(%dma_start3A_495 : memref<80x128xf32, #tpu.memory_space<vmem>>) target(%dma_start3A_501 : memref<10000x128xf32, #tpu.memory_space<vmem_shared>>) offsets(%dma_start3A_498 : memref<80xi32, #tpu.memory_space<vmem>>) semaphore(%dma_start3A_503 : memref<!tpu.dma_semaphore, #tpu.memory_space<semaphore_mem>>) {add = true}
      %jit3A_504 = arith.constant 5 : i32
      %eq3A_505 = arith.constant 0 : i32
      %eq3A_506 = arith.cmpi eq, %jit3A_504, %eq3A_505 : i32
      %jit3A_507 = arith.constant 1 : i32
      %select_n3A_508 = arith.select %eq3A_506, %jit3A_507, %jit3A_504 : i32
      %rem3A_509 = arith.remsi %add3A_448, %select_n3A_508 : i32
      %ne3A_510 = arith.constant 0 : i32
      %ne3A_511 = arith.cmpi ne, %rem3A_509, %ne3A_510 : i32
      %lt3A_512 = arith.constant 0 : i32
      %lt3A_513 = arith.cmpi slt, %rem3A_509, %lt3A_512 : i32
      %lt3A_514 = arith.constant 0 : i32
      %lt3A_515 = arith.cmpi slt, %select_n3A_508, %lt3A_514 : i32
      %ne3A_516 = arith.xori %lt3A_513, %lt3A_515 : i1
      %and3A_517 = arith.andi %ne3A_516, %ne3A_511 : i1
      %add3A_518 = arith.addi %rem3A_509, %select_n3A_508 : i32
      %select_n3A_519 = arith.select %and3A_517, %add3A_518, %rem3A_509 : i32
      %dma_start3A_520 = arith.constant 1 : i32
      %dma_start3A_521 = arith.constant 0 : i32
      %dma_start3A_522 = arith.constant 0 : i32
      %dma_start3A_523 = tpu.memref_slice %arg8[%select_n3A_519, %dma_start3A_520, %dma_start3A_522] : memref<5x2x80xi32, #tpu.memory_space<vmem>> -> memref<1x1x80xi32, #tpu.memory_space<vmem>>
      %dma_start3A_524 = tpu.memref_squeeze %dma_start3A_523 : memref<1x1x80xi32, #tpu.memory_space<vmem>> -> memref<80xi32, #tpu.memory_space<vmem>>
      %dma_start3A_525 = arith.constant 0 : i32
      %dma_start3A_526 = arith.constant 0 : i32
      %dma_start3A_527 = tpu.memref_slice %arg7[%dma_start3A_525, %dma_start3A_526] : memref<10000x16xf32, #tpu.memory_space<vmem_shared>> -> memref<10000x16xf32, #tpu.memory_space<vmem_shared>>
      %dma_start3A_528 = tpu.memref_slice %arg14[%dma_start3A_521] : memref<3x!tpu.dma_semaphore, #tpu.memory_space<semaphore_mem>> -> memref<1x!tpu.dma_semaphore, #tpu.memory_space<semaphore_mem>>
      %dma_start3A_529 = tpu.memref_squeeze %dma_start3A_528 : memref<1x!tpu.dma_semaphore, #tpu.memory_space<semaphore_mem>> -> memref<!tpu.dma_semaphore, #tpu.memory_space<semaphore_mem>>
      tpu.enqueue_indirect_dma source(%arg10 : memref<80x16xf32, #tpu.memory_space<vmem>>) target(%dma_start3A_527 : memref<10000x16xf32, #tpu.memory_space<vmem_shared>>) offsets(%dma_start3A_524 : memref<80xi32, #tpu.memory_space<vmem>>) semaphore(%dma_start3A_529 : memref<!tpu.dma_semaphore, #tpu.memory_space<semaphore_mem>>) {add = true}
      %add3A_530 = arith.constant 2 : i32
      %add3A_531 = arith.addi %add3A_448, %add3A_530 : i32
      %lt3A_532 = arith.constant 125 : i32
      %lt3A_533 = arith.cmpi slt, %add3A_531, %lt3A_532 : i32
      %convert_element_type3A = arith.extui %lt3A_533 : i1 to i32
      %cond3A = arith.constant 0 : i32
      %cond3A_534 = arith.cmpi ne, %convert_element_type3A, %cond3A : i32
      scf.if %cond3A_534 {
        %ge3A = arith.constant 1 : i32
        %ge3A_755 = arith.cmpi sge, %add3A_448, %ge3A : i32
        %convert_element_type3A_756 = arith.extui %ge3A_755 : i1 to i32
        %cond3A_757 = arith.constant 0 : i32
        %cond3A_758 = arith.cmpi ne, %convert_element_type3A_756, %cond3A_757 : i32
        scf.if %cond3A_758 {
          %add3A_843 = arith.constant 2 : i32
          %add3A_844 = arith.addi %add3A_448, %add3A_843 : i32
          %sub3A = arith.constant 3 : i32
          %sub3A_845 = arith.subi %add3A_844, %sub3A : i32
          %jit3A_846 = arith.constant 5 : i32
          %eq3A_847 = arith.constant 0 : i32
          %eq3A_848 = arith.cmpi eq, %jit3A_846, %eq3A_847 : i32
          %jit3A_849 = arith.constant 1 : i32
          %select_n3A_850 = arith.select %eq3A_848, %jit3A_849, %jit3A_846 : i32
          %rem3A_851 = arith.remsi %sub3A_845, %select_n3A_850 : i32
          %ne3A_852 = arith.constant 0 : i32
          %ne3A_853 = arith.cmpi ne, %rem3A_851, %ne3A_852 : i32
          %lt3A_854 = arith.constant 0 : i32
          %lt3A_855 = arith.cmpi slt, %rem3A_851, %lt3A_854 : i32
          %lt3A_856 = arith.constant 0 : i32
          %lt3A_857 = arith.cmpi slt, %select_n3A_850, %lt3A_856 : i32
          %ne3A_858 = arith.xori %lt3A_855, %lt3A_857 : i1
          %and3A_859 = arith.andi %ne3A_858, %ne3A_853 : i1
          %add3A_860 = arith.addi %rem3A_851, %select_n3A_850 : i32
          %select_n3A_861 = arith.select %and3A_859, %add3A_860, %rem3A_851 : i32
          %dma_wait3A_862 = arith.constant 2 : i32
          %dma_wait3A_863 = arith.constant 1 : i32
          %dma_wait3A_864 = arith.constant 2 : i32
          %dma_wait3A_865 = arith.constant 0 : i32
          %dma_wait3A_866 = arith.constant 0 : i32
          %dma_wait3A_867 = tpu.memref_slice %arg9[%dma_wait3A_862, %dma_wait3A_865, %dma_wait3A_866] : memref<3x80x128xf32, #tpu.memory_space<vmem>> -> memref<1x80x128xf32, #tpu.memory_space<vmem>>
          %dma_wait3A_868 = tpu.memref_squeeze %dma_wait3A_867 : memref<1x80x128xf32, #tpu.memory_space<vmem>> -> memref<80x128xf32, #tpu.memory_space<vmem>>
          %dma_wait3A_869 = arith.constant 0 : i32
          %dma_wait3A_870 = tpu.memref_slice %arg8[%select_n3A_861, %dma_wait3A_863, %dma_wait3A_869] : memref<5x2x80xi32, #tpu.memory_space<vmem>> -> memref<1x1x80xi32, #tpu.memory_space<vmem>>
          %dma_wait3A_871 = tpu.memref_squeeze %dma_wait3A_870 : memref<1x1x80xi32, #tpu.memory_space<vmem>> -> memref<80xi32, #tpu.memory_space<vmem>>
          %dma_wait3A_872 = arith.constant 0 : i32
          %dma_wait3A_873 = arith.constant 0 : i32
          %dma_wait3A_874 = tpu.memref_slice %arg6[%dma_wait3A_872, %dma_wait3A_873] : memref<10000x128xf32, #tpu.memory_space<vmem_shared>> -> memref<10000x128xf32, #tpu.memory_space<vmem_shared>>
          %dma_wait3A_875 = tpu.memref_slice %arg13[%dma_wait3A_864] : memref<3x!tpu.dma_semaphore, #tpu.memory_space<semaphore_mem>> -> memref<1x!tpu.dma_semaphore, #tpu.memory_space<semaphore_mem>>
          %dma_wait3A_876 = tpu.memref_squeeze %dma_wait3A_875 : memref<1x!tpu.dma_semaphore, #tpu.memory_space<semaphore_mem>> -> memref<!tpu.dma_semaphore, #tpu.memory_space<semaphore_mem>>
          tpu.wait_indirect_dma semaphore(%dma_wait3A_876 : memref<!tpu.dma_semaphore, #tpu.memory_space<semaphore_mem>>) src(%dma_wait3A_868 : memref<80x128xf32, #tpu.memory_space<vmem>>) dst(%dma_wait3A_874 : memref<10000x128xf32, #tpu.memory_space<vmem_shared>>)
          %jit3A_877 = arith.constant 5 : i32
          %eq3A_878 = arith.constant 0 : i32
          %eq3A_879 = arith.cmpi eq, %jit3A_877, %eq3A_878 : i32
          %jit3A_880 = arith.constant 1 : i32
          %select_n3A_881 = arith.select %eq3A_879, %jit3A_880, %jit3A_877 : i32
          %rem3A_882 = arith.remsi %sub3A_845, %select_n3A_881 : i32
          %ne3A_883 = arith.constant 0 : i32
          %ne3A_884 = arith.cmpi ne, %rem3A_882, %ne3A_883 : i32
          %lt3A_885 = arith.constant 0 : i32
          %lt3A_886 = arith.cmpi slt, %rem3A_882, %lt3A_885 : i32
          %lt3A_887 = arith.constant 0 : i32
          %lt3A_888 = arith.cmpi slt, %select_n3A_881, %lt3A_887 : i32
          %ne3A_889 = arith.xori %lt3A_886, %lt3A_888 : i1
          %and3A_890 = arith.andi %ne3A_889, %ne3A_884 : i1
          %add3A_891 = arith.addi %rem3A_882, %select_n3A_881 : i32
          %select_n3A_892 = arith.select %and3A_890, %add3A_891, %rem3A_882 : i32
          %dma_wait3A_893 = arith.constant 1 : i32
          %dma_wait3A_894 = arith.constant 2 : i32
          %dma_wait3A_895 = arith.constant 0 : i32
          %dma_wait3A_896 = tpu.memref_slice %arg8[%select_n3A_892, %dma_wait3A_893, %dma_wait3A_895] : memref<5x2x80xi32, #tpu.memory_space<vmem>> -> memref<1x1x80xi32, #tpu.memory_space<vmem>>
          %dma_wait3A_897 = tpu.memref_squeeze %dma_wait3A_896 : memref<1x1x80xi32, #tpu.memory_space<vmem>> -> memref<80xi32, #tpu.memory_space<vmem>>
          %dma_wait3A_898 = arith.constant 0 : i32
          %dma_wait3A_899 = arith.constant 0 : i32
          %dma_wait3A_900 = tpu.memref_slice %arg7[%dma_wait3A_898, %dma_wait3A_899] : memref<10000x16xf32, #tpu.memory_space<vmem_shared>> -> memref<10000x16xf32, #tpu.memory_space<vmem_shared>>
          %dma_wait3A_901 = tpu.memref_slice %arg14[%dma_wait3A_894] : memref<3x!tpu.dma_semaphore, #tpu.memory_space<semaphore_mem>> -> memref<1x!tpu.dma_semaphore, #tpu.memory_space<semaphore_mem>>
          %dma_wait3A_902 = tpu.memref_squeeze %dma_wait3A_901 : memref<1x!tpu.dma_semaphore, #tpu.memory_space<semaphore_mem>> -> memref<!tpu.dma_semaphore, #tpu.memory_space<semaphore_mem>>
          tpu.wait_indirect_dma semaphore(%dma_wait3A_902 : memref<!tpu.dma_semaphore, #tpu.memory_space<semaphore_mem>>) src(%arg10 : memref<80x16xf32, #tpu.memory_space<vmem>>) dst(%dma_wait3A_900 : memref<10000x16xf32, #tpu.memory_space<vmem_shared>>)
        } else {
        }
        %add3A_759 = arith.constant 2 : i32
        %add3A_760 = arith.addi %add3A_448, %add3A_759 : i32
        %add3A_761 = arith.constant 2 : i32
        %add3A_762 = arith.addi %add3A_448, %add3A_761 : i32
        %jit3A_763 = arith.constant 5 : i32
        %eq3A_764 = arith.constant 0 : i32
        %eq3A_765 = arith.cmpi eq, %jit3A_763, %eq3A_764 : i32
        %jit3A_766 = arith.constant 1 : i32
        %select_n3A_767 = arith.select %eq3A_765, %jit3A_766, %jit3A_763 : i32
        %rem3A_768 = arith.remsi %add3A_762, %select_n3A_767 : i32
        %ne3A_769 = arith.constant 0 : i32
        %ne3A_770 = arith.cmpi ne, %rem3A_768, %ne3A_769 : i32
        %lt3A_771 = arith.constant 0 : i32
        %lt3A_772 = arith.cmpi slt, %rem3A_768, %lt3A_771 : i32
        %lt3A_773 = arith.constant 0 : i32
        %lt3A_774 = arith.cmpi slt, %select_n3A_767, %lt3A_773 : i32
        %ne3A_775 = arith.xori %lt3A_772, %lt3A_774 : i1
        %and3A_776 = arith.andi %ne3A_775, %ne3A_770 : i1
        %add3A_777 = arith.addi %rem3A_768, %select_n3A_767 : i32
        %select_n3A_778 = arith.select %and3A_776, %add3A_777, %rem3A_768 : i32
        %add3A_779 = arith.addi %mul3A_2, %add3A_760 : i32
        %mul3A_780 = arith.constant 80 : i32
        %mul3A_781 = arith.muli %add3A_779, %mul3A_780 : i32
        %dma_wait3A_782 = arith.constant 0 : i32
        %dma_wait3A_783 = arith.constant 0 : i32
        %dma_wait3A_784 = arith.constant 0 : i32
        %dma_wait3A_785 = tpu.memref_slice %arg8[%select_n3A_778, %dma_wait3A_783, %dma_wait3A_784] : memref<5x2x80xi32, #tpu.memory_space<vmem>> -> memref<1x1x80xi32, #tpu.memory_space<vmem>>
        %dma_wait3A_786 = tpu.memref_squeeze %dma_wait3A_785 : memref<1x1x80xi32, #tpu.memory_space<vmem>> -> memref<80xi32, #tpu.memory_space<vmem>>
        %dma_wait3A_787 = tpu.memref_slice %arg3[%dma_wait3A_782, %mul3A_781] : memref<2x320000xi32, #tpu.memory_space<hbm>> -> memref<1x80xi32, #tpu.memory_space<hbm>>
        %dma_wait3A_788 = tpu.memref_squeeze %dma_wait3A_787 : memref<1x80xi32, #tpu.memory_space<hbm>> -> memref<80xi32, #tpu.memory_space<hbm>>
        %dma_wait3A_789 = tpu.memref_slice %arg15[%select_n3A_778] : memref<5x!tpu.dma_semaphore, #tpu.memory_space<semaphore_mem>> -> memref<1x!tpu.dma_semaphore, #tpu.memory_space<semaphore_mem>>
        %dma_wait3A_790 = tpu.memref_squeeze %dma_wait3A_789 : memref<1x!tpu.dma_semaphore, #tpu.memory_space<semaphore_mem>> -> memref<!tpu.dma_semaphore, #tpu.memory_space<semaphore_mem>>
        %dma_wait3A_791 = arith.constant 0 : i32
        %dma_wait3A_792 = tpu.memref_slice %arg8[%select_n3A_778, %dma_wait3A_783, %dma_wait3A_791] : memref<5x2x80xi32, #tpu.memory_space<vmem>> -> memref<1x1x80xi32, #tpu.memory_space<vmem>>
        %dma_wait3A_793 = tpu.memref_squeeze %dma_wait3A_792 : memref<1x1x80xi32, #tpu.memory_space<vmem>> -> memref<80xi32, #tpu.memory_space<vmem>>
        %dma_wait3A_794 = tpu.memref_slice %arg3[%dma_wait3A_782, %mul3A_781] : memref<2x320000xi32, #tpu.memory_space<hbm>> -> memref<1x80xi32, #tpu.memory_space<hbm>>
        %dma_wait3A_795 = tpu.memref_squeeze %dma_wait3A_794 : memref<1x80xi32, #tpu.memory_space<hbm>> -> memref<80xi32, #tpu.memory_space<hbm>>
        tpu.wait_dma2 semaphore(%dma_wait3A_790 : memref<!tpu.dma_semaphore, #tpu.memory_space<semaphore_mem>>) src(%dma_wait3A_795 : memref<80xi32, #tpu.memory_space<hbm>>) dst(%dma_wait3A_793 : memref<80xi32, #tpu.memory_space<vmem>>)
        %dma_wait3A_796 = arith.constant 1 : i32
        %dma_wait3A_797 = arith.constant 1 : i32
        %dma_wait3A_798 = arith.constant 0 : i32
        %dma_wait3A_799 = tpu.memref_slice %arg8[%select_n3A_778, %dma_wait3A_797, %dma_wait3A_798] : memref<5x2x80xi32, #tpu.memory_space<vmem>> -> memref<1x1x80xi32, #tpu.memory_space<vmem>>
        %dma_wait3A_800 = tpu.memref_squeeze %dma_wait3A_799 : memref<1x1x80xi32, #tpu.memory_space<vmem>> -> memref<80xi32, #tpu.memory_space<vmem>>
        %dma_wait3A_801 = tpu.memref_slice %arg3[%dma_wait3A_796, %mul3A_781] : memref<2x320000xi32, #tpu.memory_space<hbm>> -> memref<1x80xi32, #tpu.memory_space<hbm>>
        %dma_wait3A_802 = tpu.memref_squeeze %dma_wait3A_801 : memref<1x80xi32, #tpu.memory_space<hbm>> -> memref<80xi32, #tpu.memory_space<hbm>>
        %dma_wait3A_803 = tpu.memref_slice %arg15[%select_n3A_778] : memref<5x!tpu.dma_semaphore, #tpu.memory_space<semaphore_mem>> -> memref<1x!tpu.dma_semaphore, #tpu.memory_space<semaphore_mem>>
        %dma_wait3A_804 = tpu.memref_squeeze %dma_wait3A_803 : memref<1x!tpu.dma_semaphore, #tpu.memory_space<semaphore_mem>> -> memref<!tpu.dma_semaphore, #tpu.memory_space<semaphore_mem>>
        %dma_wait3A_805 = arith.constant 0 : i32
        %dma_wait3A_806 = tpu.memref_slice %arg8[%select_n3A_778, %dma_wait3A_797, %dma_wait3A_805] : memref<5x2x80xi32, #tpu.memory_space<vmem>> -> memref<1x1x80xi32, #tpu.memory_space<vmem>>
        %dma_wait3A_807 = tpu.memref_squeeze %dma_wait3A_806 : memref<1x1x80xi32, #tpu.memory_space<vmem>> -> memref<80xi32, #tpu.memory_space<vmem>>
        %dma_wait3A_808 = tpu.memref_slice %arg3[%dma_wait3A_796, %mul3A_781] : memref<2x320000xi32, #tpu.memory_space<hbm>> -> memref<1x80xi32, #tpu.memory_space<hbm>>
        %dma_wait3A_809 = tpu.memref_squeeze %dma_wait3A_808 : memref<1x80xi32, #tpu.memory_space<hbm>> -> memref<80xi32, #tpu.memory_space<hbm>>
        tpu.wait_dma2 semaphore(%dma_wait3A_804 : memref<!tpu.dma_semaphore, #tpu.memory_space<semaphore_mem>>) src(%dma_wait3A_809 : memref<80xi32, #tpu.memory_space<hbm>>) dst(%dma_wait3A_807 : memref<80xi32, #tpu.memory_space<vmem>>)
        %add3A_810 = arith.constant 2 : i32
        %add3A_811 = arith.addi %add3A_448, %add3A_810 : i32
        %jit3A_812 = arith.constant 5 : i32
        %eq3A_813 = arith.constant 0 : i32
        %eq3A_814 = arith.cmpi eq, %jit3A_812, %eq3A_813 : i32
        %jit3A_815 = arith.constant 1 : i32
        %select_n3A_816 = arith.select %eq3A_814, %jit3A_815, %jit3A_812 : i32
        %rem3A_817 = arith.remsi %add3A_811, %select_n3A_816 : i32
        %ne3A_818 = arith.constant 0 : i32
        %ne3A_819 = arith.cmpi ne, %rem3A_817, %ne3A_818 : i32
        %lt3A_820 = arith.constant 0 : i32
        %lt3A_821 = arith.cmpi slt, %rem3A_817, %lt3A_820 : i32
        %lt3A_822 = arith.constant 0 : i32
        %lt3A_823 = arith.cmpi slt, %select_n3A_816, %lt3A_822 : i32
        %ne3A_824 = arith.xori %lt3A_821, %lt3A_823 : i1
        %and3A_825 = arith.andi %ne3A_824, %ne3A_819 : i1
        %add3A_826 = arith.addi %rem3A_817, %select_n3A_816 : i32
        %select_n3A_827 = arith.select %and3A_825, %add3A_826, %rem3A_817 : i32
        %dma_start3A_828 = arith.constant 0 : i32
        %dma_start3A_829 = arith.constant 2 : i32
        %dma_start3A_830 = arith.constant 2 : i32
        %dma_start3A_831 = arith.constant 0 : i32
        %dma_start3A_832 = arith.constant 0 : i32
        %dma_start3A_833 = tpu.memref_slice %arg9[%dma_start3A_829, %dma_start3A_831, %dma_start3A_832] : memref<3x80x128xf32, #tpu.memory_space<vmem>> -> memref<1x80x128xf32, #tpu.memory_space<vmem>>
        %dma_start3A_834 = tpu.memref_squeeze %dma_start3A_833 : memref<1x80x128xf32, #tpu.memory_space<vmem>> -> memref<80x128xf32, #tpu.memory_space<vmem>>
        %dma_start3A_835 = arith.constant 0 : i32
        %dma_start3A_836 = tpu.memref_slice %arg8[%select_n3A_827, %dma_start3A_828, %dma_start3A_835] : memref<5x2x80xi32, #tpu.memory_space<vmem>> -> memref<1x1x80xi32, #tpu.memory_space<vmem>>
        %dma_start3A_837 = tpu.memref_squeeze %dma_start3A_836 : memref<1x1x80xi32, #tpu.memory_space<vmem>> -> memref<80xi32, #tpu.memory_space<vmem>>
        %dma_start3A_838 = arith.constant 0 : i32
        %dma_start3A_839 = arith.constant 0 : i32
        %dma_start3A_840 = tpu.memref_slice %arg2[%dma_start3A_838, %dma_start3A_839] : memref<10000x128xf32, #tpu.memory_space<hbm>> -> memref<10000x128xf32, #tpu.memory_space<hbm>>
        %dma_start3A_841 = tpu.memref_slice %arg12[%dma_start3A_830] : memref<3x!tpu.dma_semaphore, #tpu.memory_space<semaphore_mem>> -> memref<1x!tpu.dma_semaphore, #tpu.memory_space<semaphore_mem>>
        %dma_start3A_842 = tpu.memref_squeeze %dma_start3A_841 : memref<1x!tpu.dma_semaphore, #tpu.memory_space<semaphore_mem>> -> memref<!tpu.dma_semaphore, #tpu.memory_space<semaphore_mem>>
        tpu.enqueue_indirect_dma source(%dma_start3A_840 : memref<10000x128xf32, #tpu.memory_space<hbm>>) target(%dma_start3A_834 : memref<80x128xf32, #tpu.memory_space<vmem>>) offsets(%dma_start3A_837 : memref<80xi32, #tpu.memory_space<vmem>>) semaphore(%dma_start3A_842 : memref<!tpu.dma_semaphore, #tpu.memory_space<semaphore_mem>>)
      } else {
      }
      %add3A_535 = arith.constant 4 : i32
      %add3A_536 = arith.addi %add3A_448, %add3A_535 : i32
      %lt3A_537 = arith.constant 125 : i32
      %lt3A_538 = arith.cmpi slt, %add3A_536, %lt3A_537 : i32
      %convert_element_type3A_539 = arith.extui %lt3A_538 : i1 to i32
      %cond3A_540 = arith.constant 0 : i32
      %cond3A_541 = arith.cmpi ne, %convert_element_type3A_539, %cond3A_540 : i32
      scf.if %cond3A_541 {
        %add3A_755 = arith.constant 4 : i32
        %add3A_756 = arith.addi %add3A_448, %add3A_755 : i32
        %add3A_757 = arith.constant 4 : i32
        %add3A_758 = arith.addi %add3A_448, %add3A_757 : i32
        %jit3A_759 = arith.constant 5 : i32
        %eq3A_760 = arith.constant 0 : i32
        %eq3A_761 = arith.cmpi eq, %jit3A_759, %eq3A_760 : i32
        %jit3A_762 = arith.constant 1 : i32
        %select_n3A_763 = arith.select %eq3A_761, %jit3A_762, %jit3A_759 : i32
        %rem3A_764 = arith.remsi %add3A_758, %select_n3A_763 : i32
        %ne3A_765 = arith.constant 0 : i32
        %ne3A_766 = arith.cmpi ne, %rem3A_764, %ne3A_765 : i32
        %lt3A_767 = arith.constant 0 : i32
        %lt3A_768 = arith.cmpi slt, %rem3A_764, %lt3A_767 : i32
        %lt3A_769 = arith.constant 0 : i32
        %lt3A_770 = arith.cmpi slt, %select_n3A_763, %lt3A_769 : i32
        %ne3A_771 = arith.xori %lt3A_768, %lt3A_770 : i1
        %and3A_772 = arith.andi %ne3A_771, %ne3A_766 : i1
        %add3A_773 = arith.addi %rem3A_764, %select_n3A_763 : i32
        %select_n3A_774 = arith.select %and3A_772, %add3A_773, %rem3A_764 : i32
        %add3A_775 = arith.addi %mul3A_2, %add3A_756 : i32
        %mul3A_776 = arith.constant 80 : i32
        %mul3A_777 = arith.muli %add3A_775, %mul3A_776 : i32
        %dma_start3A_778 = arith.constant 0 : i32
        %dma_start3A_779 = arith.constant 0 : i32
        %dma_start3A_780 = arith.constant 0 : i32
        %dma_start3A_781 = tpu.memref_slice %arg8[%select_n3A_774, %dma_start3A_779, %dma_start3A_780] : memref<5x2x80xi32, #tpu.memory_space<vmem>> -> memref<1x1x80xi32, #tpu.memory_space<vmem>>
        %dma_start3A_782 = tpu.memref_squeeze %dma_start3A_781 : memref<1x1x80xi32, #tpu.memory_space<vmem>> -> memref<80xi32, #tpu.memory_space<vmem>>
        %dma_start3A_783 = tpu.memref_slice %arg3[%dma_start3A_778, %mul3A_777] : memref<2x320000xi32, #tpu.memory_space<hbm>> -> memref<1x80xi32, #tpu.memory_space<hbm>>
        %dma_start3A_784 = tpu.memref_squeeze %dma_start3A_783 : memref<1x80xi32, #tpu.memory_space<hbm>> -> memref<80xi32, #tpu.memory_space<hbm>>
        %dma_start3A_785 = tpu.memref_slice %arg15[%select_n3A_774] : memref<5x!tpu.dma_semaphore, #tpu.memory_space<semaphore_mem>> -> memref<1x!tpu.dma_semaphore, #tpu.memory_space<semaphore_mem>>
        %dma_start3A_786 = tpu.memref_squeeze %dma_start3A_785 : memref<1x!tpu.dma_semaphore, #tpu.memory_space<semaphore_mem>> -> memref<!tpu.dma_semaphore, #tpu.memory_space<semaphore_mem>>
        %dma_start3A_787 = arith.constant 0 : i32
        %dma_start3A_788 = tpu.memref_slice %arg8[%select_n3A_774, %dma_start3A_779, %dma_start3A_787] : memref<5x2x80xi32, #tpu.memory_space<vmem>> -> memref<1x1x80xi32, #tpu.memory_space<vmem>>
        %dma_start3A_789 = tpu.memref_squeeze %dma_start3A_788 : memref<1x1x80xi32, #tpu.memory_space<vmem>> -> memref<80xi32, #tpu.memory_space<vmem>>
        %dma_start3A_790 = tpu.memref_slice %arg3[%dma_start3A_778, %mul3A_777] : memref<2x320000xi32, #tpu.memory_space<hbm>> -> memref<1x80xi32, #tpu.memory_space<hbm>>
        %dma_start3A_791 = tpu.memref_squeeze %dma_start3A_790 : memref<1x80xi32, #tpu.memory_space<hbm>> -> memref<80xi32, #tpu.memory_space<hbm>>
        tpu.enqueue_dma source(%dma_start3A_791 : memref<80xi32, #tpu.memory_space<hbm>>) target(%dma_start3A_789 : memref<80xi32, #tpu.memory_space<vmem>>) target_semaphore(%dma_start3A_786 : memref<!tpu.dma_semaphore, #tpu.memory_space<semaphore_mem>>)
        %dma_start3A_792 = arith.constant 1 : i32
        %dma_start3A_793 = arith.constant 1 : i32
        %dma_start3A_794 = arith.constant 0 : i32
        %dma_start3A_795 = tpu.memref_slice %arg8[%select_n3A_774, %dma_start3A_793, %dma_start3A_794] : memref<5x2x80xi32, #tpu.memory_space<vmem>> -> memref<1x1x80xi32, #tpu.memory_space<vmem>>
        %dma_start3A_796 = tpu.memref_squeeze %dma_start3A_795 : memref<1x1x80xi32, #tpu.memory_space<vmem>> -> memref<80xi32, #tpu.memory_space<vmem>>
        %dma_start3A_797 = tpu.memref_slice %arg3[%dma_start3A_792, %mul3A_777] : memref<2x320000xi32, #tpu.memory_space<hbm>> -> memref<1x80xi32, #tpu.memory_space<hbm>>
        %dma_start3A_798 = tpu.memref_squeeze %dma_start3A_797 : memref<1x80xi32, #tpu.memory_space<hbm>> -> memref<80xi32, #tpu.memory_space<hbm>>
        %dma_start3A_799 = tpu.memref_slice %arg15[%select_n3A_774] : memref<5x!tpu.dma_semaphore, #tpu.memory_space<semaphore_mem>> -> memref<1x!tpu.dma_semaphore, #tpu.memory_space<semaphore_mem>>
        %dma_start3A_800 = tpu.memref_squeeze %dma_start3A_799 : memref<1x!tpu.dma_semaphore, #tpu.memory_space<semaphore_mem>> -> memref<!tpu.dma_semaphore, #tpu.memory_space<semaphore_mem>>
        %dma_start3A_801 = arith.constant 0 : i32
        %dma_start3A_802 = tpu.memref_slice %arg8[%select_n3A_774, %dma_start3A_793, %dma_start3A_801] : memref<5x2x80xi32, #tpu.memory_space<vmem>> -> memref<1x1x80xi32, #tpu.memory_space<vmem>>
        %dma_start3A_803 = tpu.memref_squeeze %dma_start3A_802 : memref<1x1x80xi32, #tpu.memory_space<vmem>> -> memref<80xi32, #tpu.memory_space<vmem>>
        %dma_start3A_804 = tpu.memref_slice %arg3[%dma_start3A_792, %mul3A_777] : memref<2x320000xi32, #tpu.memory_space<hbm>> -> memref<1x80xi32, #tpu.memory_space<hbm>>
        %dma_start3A_805 = tpu.memref_squeeze %dma_start3A_804 : memref<1x80xi32, #tpu.memory_space<hbm>> -> memref<80xi32, #tpu.memory_space<hbm>>
        tpu.enqueue_dma source(%dma_start3A_805 : memref<80xi32, #tpu.memory_space<hbm>>) target(%dma_start3A_803 : memref<80xi32, #tpu.memory_space<vmem>>) target_semaphore(%dma_start3A_800 : memref<!tpu.dma_semaphore, #tpu.memory_space<semaphore_mem>>)
      } else {
      }
      %mul3A_542 = arith.constant 3 : i32
      %mul3A_543 = arith.muli %scan3A_443, %mul3A_542 : i32
      %add3A_544 = arith.constant 1 : i32
      %add3A_545 = arith.addi %mul3A_543, %add3A_544 : i32
      %jit3A_546 = arith.constant 5 : i32
      %eq3A_547 = arith.constant 0 : i32
      %eq3A_548 = arith.cmpi eq, %jit3A_546, %eq3A_547 : i32
      %jit3A_549 = arith.constant 1 : i32
      %select_n3A_550 = arith.select %eq3A_548, %jit3A_549, %jit3A_546 : i32
      %rem3A_551 = arith.remsi %add3A_545, %select_n3A_550 : i32
      %ne3A_552 = arith.constant 0 : i32
      %ne3A_553 = arith.cmpi ne, %rem3A_551, %ne3A_552 : i32
      %lt3A_554 = arith.constant 0 : i32
      %lt3A_555 = arith.cmpi slt, %rem3A_551, %lt3A_554 : i32
      %lt3A_556 = arith.constant 0 : i32
      %lt3A_557 = arith.cmpi slt, %select_n3A_550, %lt3A_556 : i32
      %ne3A_558 = arith.xori %lt3A_555, %lt3A_557 : i1
      %and3A_559 = arith.andi %ne3A_558, %ne3A_553 : i1
      %add3A_560 = arith.addi %rem3A_551, %select_n3A_550 : i32
      %select_n3A_561 = arith.select %and3A_559, %add3A_560, %rem3A_551 : i32
      %dma_wait3A_562 = arith.constant 0 : i32
      %dma_wait3A_563 = arith.constant 1 : i32
      %dma_wait3A_564 = arith.constant 1 : i32
      %dma_wait3A_565 = arith.constant 0 : i32
      %dma_wait3A_566 = arith.constant 0 : i32
      %dma_wait3A_567 = tpu.memref_slice %arg9[%dma_wait3A_563, %dma_wait3A_565, %dma_wait3A_566] : memref<3x80x128xf32, #tpu.memory_space<vmem>> -> memref<1x80x128xf32, #tpu.memory_space<vmem>>
      %dma_wait3A_568 = tpu.memref_squeeze %dma_wait3A_567 : memref<1x80x128xf32, #tpu.memory_space<vmem>> -> memref<80x128xf32, #tpu.memory_space<vmem>>
      %dma_wait3A_569 = arith.constant 0 : i32
      %dma_wait3A_570 = tpu.memref_slice %arg8[%select_n3A_561, %dma_wait3A_562, %dma_wait3A_569] : memref<5x2x80xi32, #tpu.memory_space<vmem>> -> memref<1x1x80xi32, #tpu.memory_space<vmem>>
      %dma_wait3A_571 = tpu.memref_squeeze %dma_wait3A_570 : memref<1x1x80xi32, #tpu.memory_space<vmem>> -> memref<80xi32, #tpu.memory_space<vmem>>
      %dma_wait3A_572 = arith.constant 0 : i32
      %dma_wait3A_573 = arith.constant 0 : i32
      %dma_wait3A_574 = tpu.memref_slice %arg2[%dma_wait3A_572, %dma_wait3A_573] : memref<10000x128xf32, #tpu.memory_space<hbm>> -> memref<10000x128xf32, #tpu.memory_space<hbm>>
      %dma_wait3A_575 = tpu.memref_slice %arg12[%dma_wait3A_564] : memref<3x!tpu.dma_semaphore, #tpu.memory_space<semaphore_mem>> -> memref<1x!tpu.dma_semaphore, #tpu.memory_space<semaphore_mem>>
      %dma_wait3A_576 = tpu.memref_squeeze %dma_wait3A_575 : memref<1x!tpu.dma_semaphore, #tpu.memory_space<semaphore_mem>> -> memref<!tpu.dma_semaphore, #tpu.memory_space<semaphore_mem>>
      tpu.wait_indirect_dma semaphore(%dma_wait3A_576 : memref<!tpu.dma_semaphore, #tpu.memory_space<semaphore_mem>>) src(%dma_wait3A_574 : memref<10000x128xf32, #tpu.memory_space<hbm>>) dst(%dma_wait3A_568 : memref<80x128xf32, #tpu.memory_space<vmem>>)
      %jit3A_577 = arith.constant 5 : i32
      %eq3A_578 = arith.constant 0 : i32
      %eq3A_579 = arith.cmpi eq, %jit3A_577, %eq3A_578 : i32
      %jit3A_580 = arith.constant 1 : i32
      %select_n3A_581 = arith.select %eq3A_579, %jit3A_580, %jit3A_577 : i32
      %rem3A_582 = arith.remsi %add3A_545, %select_n3A_581 : i32
      %ne3A_583 = arith.constant 0 : i32
      %ne3A_584 = arith.cmpi ne, %rem3A_582, %ne3A_583 : i32
      %lt3A_585 = arith.constant 0 : i32
      %lt3A_586 = arith.cmpi slt, %rem3A_582, %lt3A_585 : i32
      %lt3A_587 = arith.constant 0 : i32
      %lt3A_588 = arith.cmpi slt, %select_n3A_581, %lt3A_587 : i32
      %ne3A_589 = arith.xori %lt3A_586, %lt3A_588 : i1
      %and3A_590 = arith.andi %ne3A_589, %ne3A_584 : i1
      %add3A_591 = arith.addi %rem3A_582, %select_n3A_581 : i32
      %select_n3A_592 = arith.select %and3A_590, %add3A_591, %rem3A_582 : i32
      %dma_start3A_593 = arith.constant 1 : i32
      %dma_start3A_594 = arith.constant 1 : i32
      %dma_start3A_595 = arith.constant 1 : i32
      %dma_start3A_596 = arith.constant 0 : i32
      %dma_start3A_597 = arith.constant 0 : i32
      %dma_start3A_598 = tpu.memref_slice %arg9[%dma_start3A_593, %dma_start3A_596, %dma_start3A_597] : memref<3x80x128xf32, #tpu.memory_space<vmem>> -> memref<1x80x128xf32, #tpu.memory_space<vmem>>
      %dma_start3A_599 = tpu.memref_squeeze %dma_start3A_598 : memref<1x80x128xf32, #tpu.memory_space<vmem>> -> memref<80x128xf32, #tpu.memory_space<vmem>>
      %dma_start3A_600 = arith.constant 0 : i32
      %dma_start3A_601 = tpu.memref_slice %arg8[%select_n3A_592, %dma_start3A_594, %dma_start3A_600] : memref<5x2x80xi32, #tpu.memory_space<vmem>> -> memref<1x1x80xi32, #tpu.memory_space<vmem>>
      %dma_start3A_602 = tpu.memref_squeeze %dma_start3A_601 : memref<1x1x80xi32, #tpu.memory_space<vmem>> -> memref<80xi32, #tpu.memory_space<vmem>>
      %dma_start3A_603 = arith.constant 0 : i32
      %dma_start3A_604 = arith.constant 0 : i32
      %dma_start3A_605 = tpu.memref_slice %arg6[%dma_start3A_603, %dma_start3A_604] : memref<10000x128xf32, #tpu.memory_space<vmem_shared>> -> memref<10000x128xf32, #tpu.memory_space<vmem_shared>>
      %dma_start3A_606 = tpu.memref_slice %arg13[%dma_start3A_595] : memref<3x!tpu.dma_semaphore, #tpu.memory_space<semaphore_mem>> -> memref<1x!tpu.dma_semaphore, #tpu.memory_space<semaphore_mem>>
      %dma_start3A_607 = tpu.memref_squeeze %dma_start3A_606 : memref<1x!tpu.dma_semaphore, #tpu.memory_space<semaphore_mem>> -> memref<!tpu.dma_semaphore, #tpu.memory_space<semaphore_mem>>
      tpu.enqueue_indirect_dma source(%dma_start3A_599 : memref<80x128xf32, #tpu.memory_space<vmem>>) target(%dma_start3A_605 : memref<10000x128xf32, #tpu.memory_space<vmem_shared>>) offsets(%dma_start3A_602 : memref<80xi32, #tpu.memory_space<vmem>>) semaphore(%dma_start3A_607 : memref<!tpu.dma_semaphore, #tpu.memory_space<semaphore_mem>>) {add = true}
      %jit3A_608 = arith.constant 5 : i32
      %eq3A_609 = arith.constant 0 : i32
      %eq3A_610 = arith.cmpi eq, %jit3A_608, %eq3A_609 : i32
      %jit3A_611 = arith.constant 1 : i32
      %select_n3A_612 = arith.select %eq3A_610, %jit3A_611, %jit3A_608 : i32
      %rem3A_613 = arith.remsi %add3A_545, %select_n3A_612 : i32
      %ne3A_614 = arith.constant 0 : i32
      %ne3A_615 = arith.cmpi ne, %rem3A_613, %ne3A_614 : i32
      %lt3A_616 = arith.constant 0 : i32
      %lt3A_617 = arith.cmpi slt, %rem3A_613, %lt3A_616 : i32
      %lt3A_618 = arith.constant 0 : i32
      %lt3A_619 = arith.cmpi slt, %select_n3A_612, %lt3A_618 : i32
      %ne3A_620 = arith.xori %lt3A_617, %lt3A_619 : i1
      %and3A_621 = arith.andi %ne3A_620, %ne3A_615 : i1
      %add3A_622 = arith.addi %rem3A_613, %select_n3A_612 : i32
      %select_n3A_623 = arith.select %and3A_621, %add3A_622, %rem3A_613 : i32
      %dma_start3A_624 = arith.constant 1 : i32
      %dma_start3A_625 = arith.constant 1 : i32
      %dma_start3A_626 = arith.constant 0 : i32
      %dma_start3A_627 = tpu.memref_slice %arg8[%select_n3A_623, %dma_start3A_624, %dma_start3A_626] : memref<5x2x80xi32, #tpu.memory_space<vmem>> -> memref<1x1x80xi32, #tpu.memory_space<vmem>>
      %dma_start3A_628 = tpu.memref_squeeze %dma_start3A_627 : memref<1x1x80xi32, #tpu.memory_space<vmem>> -> memref<80xi32, #tpu.memory_space<vmem>>
      %dma_start3A_629 = arith.constant 0 : i32
      %dma_start3A_630 = arith.constant 0 : i32
      %dma_start3A_631 = tpu.memref_slice %arg7[%dma_start3A_629, %dma_start3A_630] : memref<10000x16xf32, #tpu.memory_space<vmem_shared>> -> memref<10000x16xf32, #tpu.memory_space<vmem_shared>>
      %dma_start3A_632 = tpu.memref_slice %arg14[%dma_start3A_625] : memref<3x!tpu.dma_semaphore, #tpu.memory_space<semaphore_mem>> -> memref<1x!tpu.dma_semaphore, #tpu.memory_space<semaphore_mem>>
      %dma_start3A_633 = tpu.memref_squeeze %dma_start3A_632 : memref<1x!tpu.dma_semaphore, #tpu.memory_space<semaphore_mem>> -> memref<!tpu.dma_semaphore, #tpu.memory_space<semaphore_mem>>
      tpu.enqueue_indirect_dma source(%arg10 : memref<80x16xf32, #tpu.memory_space<vmem>>) target(%dma_start3A_631 : memref<10000x16xf32, #tpu.memory_space<vmem_shared>>) offsets(%dma_start3A_628 : memref<80xi32, #tpu.memory_space<vmem>>) semaphore(%dma_start3A_633 : memref<!tpu.dma_semaphore, #tpu.memory_space<semaphore_mem>>) {add = true}
      %add3A_634 = arith.constant 2 : i32
      %add3A_635 = arith.addi %add3A_545, %add3A_634 : i32
      %lt3A_636 = arith.constant 125 : i32
      %lt3A_637 = arith.cmpi slt, %add3A_635, %lt3A_636 : i32
      %convert_element_type3A_638 = arith.extui %lt3A_637 : i1 to i32
      %cond3A_639 = arith.constant 0 : i32
      %cond3A_640 = arith.cmpi ne, %convert_element_type3A_638, %cond3A_639 : i32
      scf.if %cond3A_640 {
        %ge3A = arith.constant 1 : i32
        %ge3A_755 = arith.cmpi sge, %add3A_545, %ge3A : i32
        %convert_element_type3A_756 = arith.extui %ge3A_755 : i1 to i32
        %cond3A_757 = arith.constant 0 : i32
        %cond3A_758 = arith.cmpi ne, %convert_element_type3A_756, %cond3A_757 : i32
        scf.if %cond3A_758 {
          %add3A_843 = arith.constant 2 : i32
          %add3A_844 = arith.addi %add3A_545, %add3A_843 : i32
          %sub3A = arith.constant 3 : i32
          %sub3A_845 = arith.subi %add3A_844, %sub3A : i32
          %jit3A_846 = arith.constant 5 : i32
          %eq3A_847 = arith.constant 0 : i32
          %eq3A_848 = arith.cmpi eq, %jit3A_846, %eq3A_847 : i32
          %jit3A_849 = arith.constant 1 : i32
          %select_n3A_850 = arith.select %eq3A_848, %jit3A_849, %jit3A_846 : i32
          %rem3A_851 = arith.remsi %sub3A_845, %select_n3A_850 : i32
          %ne3A_852 = arith.constant 0 : i32
          %ne3A_853 = arith.cmpi ne, %rem3A_851, %ne3A_852 : i32
          %lt3A_854 = arith.constant 0 : i32
          %lt3A_855 = arith.cmpi slt, %rem3A_851, %lt3A_854 : i32
          %lt3A_856 = arith.constant 0 : i32
          %lt3A_857 = arith.cmpi slt, %select_n3A_850, %lt3A_856 : i32
          %ne3A_858 = arith.xori %lt3A_855, %lt3A_857 : i1
          %and3A_859 = arith.andi %ne3A_858, %ne3A_853 : i1
          %add3A_860 = arith.addi %rem3A_851, %select_n3A_850 : i32
          %select_n3A_861 = arith.select %and3A_859, %add3A_860, %rem3A_851 : i32
          %dma_wait3A_862 = arith.constant 0 : i32
          %dma_wait3A_863 = arith.constant 1 : i32
          %dma_wait3A_864 = arith.constant 0 : i32
          %dma_wait3A_865 = arith.constant 0 : i32
          %dma_wait3A_866 = arith.constant 0 : i32
          %dma_wait3A_867 = tpu.memref_slice %arg9[%dma_wait3A_862, %dma_wait3A_865, %dma_wait3A_866] : memref<3x80x128xf32, #tpu.memory_space<vmem>> -> memref<1x80x128xf32, #tpu.memory_space<vmem>>
          %dma_wait3A_868 = tpu.memref_squeeze %dma_wait3A_867 : memref<1x80x128xf32, #tpu.memory_space<vmem>> -> memref<80x128xf32, #tpu.memory_space<vmem>>
          %dma_wait3A_869 = arith.constant 0 : i32
          %dma_wait3A_870 = tpu.memref_slice %arg8[%select_n3A_861, %dma_wait3A_863, %dma_wait3A_869] : memref<5x2x80xi32, #tpu.memory_space<vmem>> -> memref<1x1x80xi32, #tpu.memory_space<vmem>>
          %dma_wait3A_871 = tpu.memref_squeeze %dma_wait3A_870 : memref<1x1x80xi32, #tpu.memory_space<vmem>> -> memref<80xi32, #tpu.memory_space<vmem>>
          %dma_wait3A_872 = arith.constant 0 : i32
          %dma_wait3A_873 = arith.constant 0 : i32
          %dma_wait3A_874 = tpu.memref_slice %arg6[%dma_wait3A_872, %dma_wait3A_873] : memref<10000x128xf32, #tpu.memory_space<vmem_shared>> -> memref<10000x128xf32, #tpu.memory_space<vmem_shared>>
          %dma_wait3A_875 = tpu.memref_slice %arg13[%dma_wait3A_864] : memref<3x!tpu.dma_semaphore, #tpu.memory_space<semaphore_mem>> -> memref<1x!tpu.dma_semaphore, #tpu.memory_space<semaphore_mem>>
          %dma_wait3A_876 = tpu.memref_squeeze %dma_wait3A_875 : memref<1x!tpu.dma_semaphore, #tpu.memory_space<semaphore_mem>> -> memref<!tpu.dma_semaphore, #tpu.memory_space<semaphore_mem>>
          tpu.wait_indirect_dma semaphore(%dma_wait3A_876 : memref<!tpu.dma_semaphore, #tpu.memory_space<semaphore_mem>>) src(%dma_wait3A_868 : memref<80x128xf32, #tpu.memory_space<vmem>>) dst(%dma_wait3A_874 : memref<10000x128xf32, #tpu.memory_space<vmem_shared>>)
          %jit3A_877 = arith.constant 5 : i32
          %eq3A_878 = arith.constant 0 : i32
          %eq3A_879 = arith.cmpi eq, %jit3A_877, %eq3A_878 : i32
          %jit3A_880 = arith.constant 1 : i32
          %select_n3A_881 = arith.select %eq3A_879, %jit3A_880, %jit3A_877 : i32
          %rem3A_882 = arith.remsi %sub3A_845, %select_n3A_881 : i32
          %ne3A_883 = arith.constant 0 : i32
          %ne3A_884 = arith.cmpi ne, %rem3A_882, %ne3A_883 : i32
          %lt3A_885 = arith.constant 0 : i32
          %lt3A_886 = arith.cmpi slt, %rem3A_882, %lt3A_885 : i32
          %lt3A_887 = arith.constant 0 : i32
          %lt3A_888 = arith.cmpi slt, %select_n3A_881, %lt3A_887 : i32
          %ne3A_889 = arith.xori %lt3A_886, %lt3A_888 : i1
          %and3A_890 = arith.andi %ne3A_889, %ne3A_884 : i1
          %add3A_891 = arith.addi %rem3A_882, %select_n3A_881 : i32
          %select_n3A_892 = arith.select %and3A_890, %add3A_891, %rem3A_882 : i32
          %dma_wait3A_893 = arith.constant 1 : i32
          %dma_wait3A_894 = arith.constant 0 : i32
          %dma_wait3A_895 = arith.constant 0 : i32
          %dma_wait3A_896 = tpu.memref_slice %arg8[%select_n3A_892, %dma_wait3A_893, %dma_wait3A_895] : memref<5x2x80xi32, #tpu.memory_space<vmem>> -> memref<1x1x80xi32, #tpu.memory_space<vmem>>
          %dma_wait3A_897 = tpu.memref_squeeze %dma_wait3A_896 : memref<1x1x80xi32, #tpu.memory_space<vmem>> -> memref<80xi32, #tpu.memory_space<vmem>>
          %dma_wait3A_898 = arith.constant 0 : i32
          %dma_wait3A_899 = arith.constant 0 : i32
          %dma_wait3A_900 = tpu.memref_slice %arg7[%dma_wait3A_898, %dma_wait3A_899] : memref<10000x16xf32, #tpu.memory_space<vmem_shared>> -> memref<10000x16xf32, #tpu.memory_space<vmem_shared>>
          %dma_wait3A_901 = tpu.memref_slice %arg14[%dma_wait3A_894] : memref<3x!tpu.dma_semaphore, #tpu.memory_space<semaphore_mem>> -> memref<1x!tpu.dma_semaphore, #tpu.memory_space<semaphore_mem>>
          %dma_wait3A_902 = tpu.memref_squeeze %dma_wait3A_901 : memref<1x!tpu.dma_semaphore, #tpu.memory_space<semaphore_mem>> -> memref<!tpu.dma_semaphore, #tpu.memory_space<semaphore_mem>>
          tpu.wait_indirect_dma semaphore(%dma_wait3A_902 : memref<!tpu.dma_semaphore, #tpu.memory_space<semaphore_mem>>) src(%arg10 : memref<80x16xf32, #tpu.memory_space<vmem>>) dst(%dma_wait3A_900 : memref<10000x16xf32, #tpu.memory_space<vmem_shared>>)
        } else {
        }
        %add3A_759 = arith.constant 2 : i32
        %add3A_760 = arith.addi %add3A_545, %add3A_759 : i32
        %add3A_761 = arith.constant 2 : i32
        %add3A_762 = arith.addi %add3A_545, %add3A_761 : i32
        %jit3A_763 = arith.constant 5 : i32
        %eq3A_764 = arith.constant 0 : i32
        %eq3A_765 = arith.cmpi eq, %jit3A_763, %eq3A_764 : i32
        %jit3A_766 = arith.constant 1 : i32
        %select_n3A_767 = arith.select %eq3A_765, %jit3A_766, %jit3A_763 : i32
        %rem3A_768 = arith.remsi %add3A_762, %select_n3A_767 : i32
        %ne3A_769 = arith.constant 0 : i32
        %ne3A_770 = arith.cmpi ne, %rem3A_768, %ne3A_769 : i32
        %lt3A_771 = arith.constant 0 : i32
        %lt3A_772 = arith.cmpi slt, %rem3A_768, %lt3A_771 : i32
        %lt3A_773 = arith.constant 0 : i32
        %lt3A_774 = arith.cmpi slt, %select_n3A_767, %lt3A_773 : i32
        %ne3A_775 = arith.xori %lt3A_772, %lt3A_774 : i1
        %and3A_776 = arith.andi %ne3A_775, %ne3A_770 : i1
        %add3A_777 = arith.addi %rem3A_768, %select_n3A_767 : i32
        %select_n3A_778 = arith.select %and3A_776, %add3A_777, %rem3A_768 : i32
        %add3A_779 = arith.addi %mul3A_2, %add3A_760 : i32
        %mul3A_780 = arith.constant 80 : i32
        %mul3A_781 = arith.muli %add3A_779, %mul3A_780 : i32
        %dma_wait3A_782 = arith.constant 0 : i32
        %dma_wait3A_783 = arith.constant 0 : i32
        %dma_wait3A_784 = arith.constant 0 : i32
        %dma_wait3A_785 = tpu.memref_slice %arg8[%select_n3A_778, %dma_wait3A_783, %dma_wait3A_784] : memref<5x2x80xi32, #tpu.memory_space<vmem>> -> memref<1x1x80xi32, #tpu.memory_space<vmem>>
        %dma_wait3A_786 = tpu.memref_squeeze %dma_wait3A_785 : memref<1x1x80xi32, #tpu.memory_space<vmem>> -> memref<80xi32, #tpu.memory_space<vmem>>
        %dma_wait3A_787 = tpu.memref_slice %arg3[%dma_wait3A_782, %mul3A_781] : memref<2x320000xi32, #tpu.memory_space<hbm>> -> memref<1x80xi32, #tpu.memory_space<hbm>>
        %dma_wait3A_788 = tpu.memref_squeeze %dma_wait3A_787 : memref<1x80xi32, #tpu.memory_space<hbm>> -> memref<80xi32, #tpu.memory_space<hbm>>
        %dma_wait3A_789 = tpu.memref_slice %arg15[%select_n3A_778] : memref<5x!tpu.dma_semaphore, #tpu.memory_space<semaphore_mem>> -> memref<1x!tpu.dma_semaphore, #tpu.memory_space<semaphore_mem>>
        %dma_wait3A_790 = tpu.memref_squeeze %dma_wait3A_789 : memref<1x!tpu.dma_semaphore, #tpu.memory_space<semaphore_mem>> -> memref<!tpu.dma_semaphore, #tpu.memory_space<semaphore_mem>>
        %dma_wait3A_791 = arith.constant 0 : i32
        %dma_wait3A_792 = tpu.memref_slice %arg8[%select_n3A_778, %dma_wait3A_783, %dma_wait3A_791] : memref<5x2x80xi32, #tpu.memory_space<vmem>> -> memref<1x1x80xi32, #tpu.memory_space<vmem>>
        %dma_wait3A_793 = tpu.memref_squeeze %dma_wait3A_792 : memref<1x1x80xi32, #tpu.memory_space<vmem>> -> memref<80xi32, #tpu.memory_space<vmem>>
        %dma_wait3A_794 = tpu.memref_slice %arg3[%dma_wait3A_782, %mul3A_781] : memref<2x320000xi32, #tpu.memory_space<hbm>> -> memref<1x80xi32, #tpu.memory_space<hbm>>
        %dma_wait3A_795 = tpu.memref_squeeze %dma_wait3A_794 : memref<1x80xi32, #tpu.memory_space<hbm>> -> memref<80xi32, #tpu.memory_space<hbm>>
        tpu.wait_dma2 semaphore(%dma_wait3A_790 : memref<!tpu.dma_semaphore, #tpu.memory_space<semaphore_mem>>) src(%dma_wait3A_795 : memref<80xi32, #tpu.memory_space<hbm>>) dst(%dma_wait3A_793 : memref<80xi32, #tpu.memory_space<vmem>>)
        %dma_wait3A_796 = arith.constant 1 : i32
        %dma_wait3A_797 = arith.constant 1 : i32
        %dma_wait3A_798 = arith.constant 0 : i32
        %dma_wait3A_799 = tpu.memref_slice %arg8[%select_n3A_778, %dma_wait3A_797, %dma_wait3A_798] : memref<5x2x80xi32, #tpu.memory_space<vmem>> -> memref<1x1x80xi32, #tpu.memory_space<vmem>>
        %dma_wait3A_800 = tpu.memref_squeeze %dma_wait3A_799 : memref<1x1x80xi32, #tpu.memory_space<vmem>> -> memref<80xi32, #tpu.memory_space<vmem>>
        %dma_wait3A_801 = tpu.memref_slice %arg3[%dma_wait3A_796, %mul3A_781] : memref<2x320000xi32, #tpu.memory_space<hbm>> -> memref<1x80xi32, #tpu.memory_space<hbm>>
        %dma_wait3A_802 = tpu.memref_squeeze %dma_wait3A_801 : memref<1x80xi32, #tpu.memory_space<hbm>> -> memref<80xi32, #tpu.memory_space<hbm>>
        %dma_wait3A_803 = tpu.memref_slice %arg15[%select_n3A_778] : memref<5x!tpu.dma_semaphore, #tpu.memory_space<semaphore_mem>> -> memref<1x!tpu.dma_semaphore, #tpu.memory_space<semaphore_mem>>
        %dma_wait3A_804 = tpu.memref_squeeze %dma_wait3A_803 : memref<1x!tpu.dma_semaphore, #tpu.memory_space<semaphore_mem>> -> memref<!tpu.dma_semaphore, #tpu.memory_space<semaphore_mem>>
        %dma_wait3A_805 = arith.constant 0 : i32
        %dma_wait3A_806 = tpu.memref_slice %arg8[%select_n3A_778, %dma_wait3A_797, %dma_wait3A_805] : memref<5x2x80xi32, #tpu.memory_space<vmem>> -> memref<1x1x80xi32, #tpu.memory_space<vmem>>
        %dma_wait3A_807 = tpu.memref_squeeze %dma_wait3A_806 : memref<1x1x80xi32, #tpu.memory_space<vmem>> -> memref<80xi32, #tpu.memory_space<vmem>>
        %dma_wait3A_808 = tpu.memref_slice %arg3[%dma_wait3A_796, %mul3A_781] : memref<2x320000xi32, #tpu.memory_space<hbm>> -> memref<1x80xi32, #tpu.memory_space<hbm>>
        %dma_wait3A_809 = tpu.memref_squeeze %dma_wait3A_808 : memref<1x80xi32, #tpu.memory_space<hbm>> -> memref<80xi32, #tpu.memory_space<hbm>>
        tpu.wait_dma2 semaphore(%dma_wait3A_804 : memref<!tpu.dma_semaphore, #tpu.memory_space<semaphore_mem>>) src(%dma_wait3A_809 : memref<80xi32, #tpu.memory_space<hbm>>) dst(%dma_wait3A_807 : memref<80xi32, #tpu.memory_space<vmem>>)
        %add3A_810 = arith.constant 2 : i32
        %add3A_811 = arith.addi %add3A_545, %add3A_810 : i32
        %jit3A_812 = arith.constant 5 : i32
        %eq3A_813 = arith.constant 0 : i32
        %eq3A_814 = arith.cmpi eq, %jit3A_812, %eq3A_813 : i32
        %jit3A_815 = arith.constant 1 : i32
        %select_n3A_816 = arith.select %eq3A_814, %jit3A_815, %jit3A_812 : i32
        %rem3A_817 = arith.remsi %add3A_811, %select_n3A_816 : i32
        %ne3A_818 = arith.constant 0 : i32
        %ne3A_819 = arith.cmpi ne, %rem3A_817, %ne3A_818 : i32
        %lt3A_820 = arith.constant 0 : i32
        %lt3A_821 = arith.cmpi slt, %rem3A_817, %lt3A_820 : i32
        %lt3A_822 = arith.constant 0 : i32
        %lt3A_823 = arith.cmpi slt, %select_n3A_816, %lt3A_822 : i32
        %ne3A_824 = arith.xori %lt3A_821, %lt3A_823 : i1
        %and3A_825 = arith.andi %ne3A_824, %ne3A_819 : i1
        %add3A_826 = arith.addi %rem3A_817, %select_n3A_816 : i32
        %select_n3A_827 = arith.select %and3A_825, %add3A_826, %rem3A_817 : i32
        %dma_start3A_828 = arith.constant 0 : i32
        %dma_start3A_829 = arith.constant 0 : i32
        %dma_start3A_830 = arith.constant 0 : i32
        %dma_start3A_831 = arith.constant 0 : i32
        %dma_start3A_832 = arith.constant 0 : i32
        %dma_start3A_833 = tpu.memref_slice %arg9[%dma_start3A_829, %dma_start3A_831, %dma_start3A_832] : memref<3x80x128xf32, #tpu.memory_space<vmem>> -> memref<1x80x128xf32, #tpu.memory_space<vmem>>
        %dma_start3A_834 = tpu.memref_squeeze %dma_start3A_833 : memref<1x80x128xf32, #tpu.memory_space<vmem>> -> memref<80x128xf32, #tpu.memory_space<vmem>>
        %dma_start3A_835 = arith.constant 0 : i32
        %dma_start3A_836 = tpu.memref_slice %arg8[%select_n3A_827, %dma_start3A_828, %dma_start3A_835] : memref<5x2x80xi32, #tpu.memory_space<vmem>> -> memref<1x1x80xi32, #tpu.memory_space<vmem>>
        %dma_start3A_837 = tpu.memref_squeeze %dma_start3A_836 : memref<1x1x80xi32, #tpu.memory_space<vmem>> -> memref<80xi32, #tpu.memory_space<vmem>>
        %dma_start3A_838 = arith.constant 0 : i32
        %dma_start3A_839 = arith.constant 0 : i32
        %dma_start3A_840 = tpu.memref_slice %arg2[%dma_start3A_838, %dma_start3A_839] : memref<10000x128xf32, #tpu.memory_space<hbm>> -> memref<10000x128xf32, #tpu.memory_space<hbm>>
        %dma_start3A_841 = tpu.memref_slice %arg12[%dma_start3A_830] : memref<3x!tpu.dma_semaphore, #tpu.memory_space<semaphore_mem>> -> memref<1x!tpu.dma_semaphore, #tpu.memory_space<semaphore_mem>>
        %dma_start3A_842 = tpu.memref_squeeze %dma_start3A_841 : memref<1x!tpu.dma_semaphore, #tpu.memory_space<semaphore_mem>> -> memref<!tpu.dma_semaphore, #tpu.memory_space<semaphore_mem>>
        tpu.enqueue_indirect_dma source(%dma_start3A_840 : memref<10000x128xf32, #tpu.memory_space<hbm>>) target(%dma_start3A_834 : memref<80x128xf32, #tpu.memory_space<vmem>>) offsets(%dma_start3A_837 : memref<80xi32, #tpu.memory_space<vmem>>) semaphore(%dma_start3A_842 : memref<!tpu.dma_semaphore, #tpu.memory_space<semaphore_mem>>)
      } else {
      }
      %add3A_641 = arith.constant 4 : i32
      %add3A_642 = arith.addi %add3A_545, %add3A_641 : i32
      %lt3A_643 = arith.constant 125 : i32
      %lt3A_644 = arith.cmpi slt, %add3A_642, %lt3A_643 : i32
      %convert_element_type3A_645 = arith.extui %lt3A_644 : i1 to i32
      %cond3A_646 = arith.constant 0 : i32
      %cond3A_647 = arith.cmpi ne, %convert_element_type3A_645, %cond3A_646 : i32
      scf.if %cond3A_647 {
        %add3A_755 = arith.constant 4 : i32
        %add3A_756 = arith.addi %add3A_545, %add3A_755 : i32
        %add3A_757 = arith.constant 4 : i32
        %add3A_758 = arith.addi %add3A_545, %add3A_757 : i32
        %jit3A_759 = arith.constant 5 : i32
        %eq3A_760 = arith.constant 0 : i32
        %eq3A_761 = arith.cmpi eq, %jit3A_759, %eq3A_760 : i32
        %jit3A_762 = arith.constant 1 : i32
        %select_n3A_763 = arith.select %eq3A_761, %jit3A_762, %jit3A_759 : i32
        %rem3A_764 = arith.remsi %add3A_758, %select_n3A_763 : i32
        %ne3A_765 = arith.constant 0 : i32
        %ne3A_766 = arith.cmpi ne, %rem3A_764, %ne3A_765 : i32
        %lt3A_767 = arith.constant 0 : i32
        %lt3A_768 = arith.cmpi slt, %rem3A_764, %lt3A_767 : i32
        %lt3A_769 = arith.constant 0 : i32
        %lt3A_770 = arith.cmpi slt, %select_n3A_763, %lt3A_769 : i32
        %ne3A_771 = arith.xori %lt3A_768, %lt3A_770 : i1
        %and3A_772 = arith.andi %ne3A_771, %ne3A_766 : i1
        %add3A_773 = arith.addi %rem3A_764, %select_n3A_763 : i32
        %select_n3A_774 = arith.select %and3A_772, %add3A_773, %rem3A_764 : i32
        %add3A_775 = arith.addi %mul3A_2, %add3A_756 : i32
        %mul3A_776 = arith.constant 80 : i32
        %mul3A_777 = arith.muli %add3A_775, %mul3A_776 : i32
        %dma_start3A_778 = arith.constant 0 : i32
        %dma_start3A_779 = arith.constant 0 : i32
        %dma_start3A_780 = arith.constant 0 : i32
        %dma_start3A_781 = tpu.memref_slice %arg8[%select_n3A_774, %dma_start3A_779, %dma_start3A_780] : memref<5x2x80xi32, #tpu.memory_space<vmem>> -> memref<1x1x80xi32, #tpu.memory_space<vmem>>
        %dma_start3A_782 = tpu.memref_squeeze %dma_start3A_781 : memref<1x1x80xi32, #tpu.memory_space<vmem>> -> memref<80xi32, #tpu.memory_space<vmem>>
        %dma_start3A_783 = tpu.memref_slice %arg3[%dma_start3A_778, %mul3A_777] : memref<2x320000xi32, #tpu.memory_space<hbm>> -> memref<1x80xi32, #tpu.memory_space<hbm>>
        %dma_start3A_784 = tpu.memref_squeeze %dma_start3A_783 : memref<1x80xi32, #tpu.memory_space<hbm>> -> memref<80xi32, #tpu.memory_space<hbm>>
        %dma_start3A_785 = tpu.memref_slice %arg15[%select_n3A_774] : memref<5x!tpu.dma_semaphore, #tpu.memory_space<semaphore_mem>> -> memref<1x!tpu.dma_semaphore, #tpu.memory_space<semaphore_mem>>
        %dma_start3A_786 = tpu.memref_squeeze %dma_start3A_785 : memref<1x!tpu.dma_semaphore, #tpu.memory_space<semaphore_mem>> -> memref<!tpu.dma_semaphore, #tpu.memory_space<semaphore_mem>>
        %dma_start3A_787 = arith.constant 0 : i32
        %dma_start3A_788 = tpu.memref_slice %arg8[%select_n3A_774, %dma_start3A_779, %dma_start3A_787] : memref<5x2x80xi32, #tpu.memory_space<vmem>> -> memref<1x1x80xi32, #tpu.memory_space<vmem>>
        %dma_start3A_789 = tpu.memref_squeeze %dma_start3A_788 : memref<1x1x80xi32, #tpu.memory_space<vmem>> -> memref<80xi32, #tpu.memory_space<vmem>>
        %dma_start3A_790 = tpu.memref_slice %arg3[%dma_start3A_778, %mul3A_777] : memref<2x320000xi32, #tpu.memory_space<hbm>> -> memref<1x80xi32, #tpu.memory_space<hbm>>
        %dma_start3A_791 = tpu.memref_squeeze %dma_start3A_790 : memref<1x80xi32, #tpu.memory_space<hbm>> -> memref<80xi32, #tpu.memory_space<hbm>>
        tpu.enqueue_dma source(%dma_start3A_791 : memref<80xi32, #tpu.memory_space<hbm>>) target(%dma_start3A_789 : memref<80xi32, #tpu.memory_space<vmem>>) target_semaphore(%dma_start3A_786 : memref<!tpu.dma_semaphore, #tpu.memory_space<semaphore_mem>>)
        %dma_start3A_792 = arith.constant 1 : i32
        %dma_start3A_793 = arith.constant 1 : i32
        %dma_start3A_794 = arith.constant 0 : i32
        %dma_start3A_795 = tpu.memref_slice %arg8[%select_n3A_774, %dma_start3A_793, %dma_start3A_794] : memref<5x2x80xi32, #tpu.memory_space<vmem>> -> memref<1x1x80xi32, #tpu.memory_space<vmem>>
        %dma_start3A_796 = tpu.memref_squeeze %dma_start3A_795 : memref<1x1x80xi32, #tpu.memory_space<vmem>> -> memref<80xi32, #tpu.memory_space<vmem>>
        %dma_start3A_797 = tpu.memref_slice %arg3[%dma_start3A_792, %mul3A_777] : memref<2x320000xi32, #tpu.memory_space<hbm>> -> memref<1x80xi32, #tpu.memory_space<hbm>>
        %dma_start3A_798 = tpu.memref_squeeze %dma_start3A_797 : memref<1x80xi32, #tpu.memory_space<hbm>> -> memref<80xi32, #tpu.memory_space<hbm>>
        %dma_start3A_799 = tpu.memref_slice %arg15[%select_n3A_774] : memref<5x!tpu.dma_semaphore, #tpu.memory_space<semaphore_mem>> -> memref<1x!tpu.dma_semaphore, #tpu.memory_space<semaphore_mem>>
        %dma_start3A_800 = tpu.memref_squeeze %dma_start3A_799 : memref<1x!tpu.dma_semaphore, #tpu.memory_space<semaphore_mem>> -> memref<!tpu.dma_semaphore, #tpu.memory_space<semaphore_mem>>
        %dma_start3A_801 = arith.constant 0 : i32
        %dma_start3A_802 = tpu.memref_slice %arg8[%select_n3A_774, %dma_start3A_793, %dma_start3A_801] : memref<5x2x80xi32, #tpu.memory_space<vmem>> -> memref<1x1x80xi32, #tpu.memory_space<vmem>>
        %dma_start3A_803 = tpu.memref_squeeze %dma_start3A_802 : memref<1x1x80xi32, #tpu.memory_space<vmem>> -> memref<80xi32, #tpu.memory_space<vmem>>
        %dma_start3A_804 = tpu.memref_slice %arg3[%dma_start3A_792, %mul3A_777] : memref<2x320000xi32, #tpu.memory_space<hbm>> -> memref<1x80xi32, #tpu.memory_space<hbm>>
        %dma_start3A_805 = tpu.memref_squeeze %dma_start3A_804 : memref<1x80xi32, #tpu.memory_space<hbm>> -> memref<80xi32, #tpu.memory_space<hbm>>
        tpu.enqueue_dma source(%dma_start3A_805 : memref<80xi32, #tpu.memory_space<hbm>>) target(%dma_start3A_803 : memref<80xi32, #tpu.memory_space<vmem>>) target_semaphore(%dma_start3A_800 : memref<!tpu.dma_semaphore, #tpu.memory_space<semaphore_mem>>)
      } else {
      }
      %mul3A_648 = arith.constant 3 : i32
      %mul3A_649 = arith.muli %scan3A_443, %mul3A_648 : i32
      %add3A_650 = arith.constant 2 : i32
      %add3A_651 = arith.addi %mul3A_649, %add3A_650 : i32
      %jit3A_652 = arith.constant 5 : i32
      %eq3A_653 = arith.constant 0 : i32
      %eq3A_654 = arith.cmpi eq, %jit3A_652, %eq3A_653 : i32
      %jit3A_655 = arith.constant 1 : i32
      %select_n3A_656 = arith.select %eq3A_654, %jit3A_655, %jit3A_652 : i32
      %rem3A_657 = arith.remsi %add3A_651, %select_n3A_656 : i32
      %ne3A_658 = arith.constant 0 : i32
      %ne3A_659 = arith.cmpi ne, %rem3A_657, %ne3A_658 : i32
      %lt3A_660 = arith.constant 0 : i32
      %lt3A_661 = arith.cmpi slt, %rem3A_657, %lt3A_660 : i32
      %lt3A_662 = arith.constant 0 : i32
      %lt3A_663 = arith.cmpi slt, %select_n3A_656, %lt3A_662 : i32
      %ne3A_664 = arith.xori %lt3A_661, %lt3A_663 : i1
      %and3A_665 = arith.andi %ne3A_664, %ne3A_659 : i1
      %add3A_666 = arith.addi %rem3A_657, %select_n3A_656 : i32
      %select_n3A_667 = arith.select %and3A_665, %add3A_666, %rem3A_657 : i32
      %dma_wait3A_668 = arith.constant 0 : i32
      %dma_wait3A_669 = arith.constant 2 : i32
      %dma_wait3A_670 = arith.constant 2 : i32
      %dma_wait3A_671 = arith.constant 0 : i32
      %dma_wait3A_672 = arith.constant 0 : i32
      %dma_wait3A_673 = tpu.memref_slice %arg9[%dma_wait3A_669, %dma_wait3A_671, %dma_wait3A_672] : memref<3x80x128xf32, #tpu.memory_space<vmem>> -> memref<1x80x128xf32, #tpu.memory_space<vmem>>
      %dma_wait3A_674 = tpu.memref_squeeze %dma_wait3A_673 : memref<1x80x128xf32, #tpu.memory_space<vmem>> -> memref<80x128xf32, #tpu.memory_space<vmem>>
      %dma_wait3A_675 = arith.constant 0 : i32
      %dma_wait3A_676 = tpu.memref_slice %arg8[%select_n3A_667, %dma_wait3A_668, %dma_wait3A_675] : memref<5x2x80xi32, #tpu.memory_space<vmem>> -> memref<1x1x80xi32, #tpu.memory_space<vmem>>
      %dma_wait3A_677 = tpu.memref_squeeze %dma_wait3A_676 : memref<1x1x80xi32, #tpu.memory_space<vmem>> -> memref<80xi32, #tpu.memory_space<vmem>>
      %dma_wait3A_678 = arith.constant 0 : i32
      %dma_wait3A_679 = arith.constant 0 : i32
      %dma_wait3A_680 = tpu.memref_slice %arg2[%dma_wait3A_678, %dma_wait3A_679] : memref<10000x128xf32, #tpu.memory_space<hbm>> -> memref<10000x128xf32, #tpu.memory_space<hbm>>
      %dma_wait3A_681 = tpu.memref_slice %arg12[%dma_wait3A_670] : memref<3x!tpu.dma_semaphore, #tpu.memory_space<semaphore_mem>> -> memref<1x!tpu.dma_semaphore, #tpu.memory_space<semaphore_mem>>
      %dma_wait3A_682 = tpu.memref_squeeze %dma_wait3A_681 : memref<1x!tpu.dma_semaphore, #tpu.memory_space<semaphore_mem>> -> memref<!tpu.dma_semaphore, #tpu.memory_space<semaphore_mem>>
      tpu.wait_indirect_dma semaphore(%dma_wait3A_682 : memref<!tpu.dma_semaphore, #tpu.memory_space<semaphore_mem>>) src(%dma_wait3A_680 : memref<10000x128xf32, #tpu.memory_space<hbm>>) dst(%dma_wait3A_674 : memref<80x128xf32, #tpu.memory_space<vmem>>)
      %jit3A_683 = arith.constant 5 : i32
      %eq3A_684 = arith.constant 0 : i32
      %eq3A_685 = arith.cmpi eq, %jit3A_683, %eq3A_684 : i32
      %jit3A_686 = arith.constant 1 : i32
      %select_n3A_687 = arith.select %eq3A_685, %jit3A_686, %jit3A_683 : i32
      %rem3A_688 = arith.remsi %add3A_651, %select_n3A_687 : i32
      %ne3A_689 = arith.constant 0 : i32
      %ne3A_690 = arith.cmpi ne, %rem3A_688, %ne3A_689 : i32
      %lt3A_691 = arith.constant 0 : i32
      %lt3A_692 = arith.cmpi slt, %rem3A_688, %lt3A_691 : i32
      %lt3A_693 = arith.constant 0 : i32
      %lt3A_694 = arith.cmpi slt, %select_n3A_687, %lt3A_693 : i32
      %ne3A_695 = arith.xori %lt3A_692, %lt3A_694 : i1
      %and3A_696 = arith.andi %ne3A_695, %ne3A_690 : i1
      %add3A_697 = arith.addi %rem3A_688, %select_n3A_687 : i32
      %select_n3A_698 = arith.select %and3A_696, %add3A_697, %rem3A_688 : i32
      %dma_start3A_699 = arith.constant 2 : i32
      %dma_start3A_700 = arith.constant 1 : i32
      %dma_start3A_701 = arith.constant 2 : i32
      %dma_start3A_702 = arith.constant 0 : i32
      %dma_start3A_703 = arith.constant 0 : i32
      %dma_start3A_704 = tpu.memref_slice %arg9[%dma_start3A_699, %dma_start3A_702, %dma_start3A_703] : memref<3x80x128xf32, #tpu.memory_space<vmem>> -> memref<1x80x128xf32, #tpu.memory_space<vmem>>
      %dma_start3A_705 = tpu.memref_squeeze %dma_start3A_704 : memref<1x80x128xf32, #tpu.memory_space<vmem>> -> memref<80x128xf32, #tpu.memory_space<vmem>>
      %dma_start3A_706 = arith.constant 0 : i32
      %dma_start3A_707 = tpu.memref_slice %arg8[%select_n3A_698, %dma_start3A_700, %dma_start3A_706] : memref<5x2x80xi32, #tpu.memory_space<vmem>> -> memref<1x1x80xi32, #tpu.memory_space<vmem>>
      %dma_start3A_708 = tpu.memref_squeeze %dma_start3A_707 : memref<1x1x80xi32, #tpu.memory_space<vmem>> -> memref<80xi32, #tpu.memory_space<vmem>>
      %dma_start3A_709 = arith.constant 0 : i32
      %dma_start3A_710 = arith.constant 0 : i32
      %dma_start3A_711 = tpu.memref_slice %arg6[%dma_start3A_709, %dma_start3A_710] : memref<10000x128xf32, #tpu.memory_space<vmem_shared>> -> memref<10000x128xf32, #tpu.memory_space<vmem_shared>>
      %dma_start3A_712 = tpu.memref_slice %arg13[%dma_start3A_701] : memref<3x!tpu.dma_semaphore, #tpu.memory_space<semaphore_mem>> -> memref<1x!tpu.dma_semaphore, #tpu.memory_space<semaphore_mem>>
      %dma_start3A_713 = tpu.memref_squeeze %dma_start3A_712 : memref<1x!tpu.dma_semaphore, #tpu.memory_space<semaphore_mem>> -> memref<!tpu.dma_semaphore, #tpu.memory_space<semaphore_mem>>
      tpu.enqueue_indirect_dma source(%dma_start3A_705 : memref<80x128xf32, #tpu.memory_space<vmem>>) target(%dma_start3A_711 : memref<10000x128xf32, #tpu.memory_space<vmem_shared>>) offsets(%dma_start3A_708 : memref<80xi32, #tpu.memory_space<vmem>>) semaphore(%dma_start3A_713 : memref<!tpu.dma_semaphore, #tpu.memory_space<semaphore_mem>>) {add = true}
      %jit3A_714 = arith.constant 5 : i32
      %eq3A_715 = arith.constant 0 : i32
      %eq3A_716 = arith.cmpi eq, %jit3A_714, %eq3A_715 : i32
      %jit3A_717 = arith.constant 1 : i32
      %select_n3A_718 = arith.select %eq3A_716, %jit3A_717, %jit3A_714 : i32
      %rem3A_719 = arith.remsi %add3A_651, %select_n3A_718 : i32
      %ne3A_720 = arith.constant 0 : i32
      %ne3A_721 = arith.cmpi ne, %rem3A_719, %ne3A_720 : i32
      %lt3A_722 = arith.constant 0 : i32
      %lt3A_723 = arith.cmpi slt, %rem3A_719, %lt3A_722 : i32
      %lt3A_724 = arith.constant 0 : i32
      %lt3A_725 = arith.cmpi slt, %select_n3A_718, %lt3A_724 : i32
      %ne3A_726 = arith.xori %lt3A_723, %lt3A_725 : i1
      %and3A_727 = arith.andi %ne3A_726, %ne3A_721 : i1
      %add3A_728 = arith.addi %rem3A_719, %select_n3A_718 : i32
      %select_n3A_729 = arith.select %and3A_727, %add3A_728, %rem3A_719 : i32
      %dma_start3A_730 = arith.constant 1 : i32
      %dma_start3A_731 = arith.constant 2 : i32
      %dma_start3A_732 = arith.constant 0 : i32
      %dma_start3A_733 = tpu.memref_slice %arg8[%select_n3A_729, %dma_start3A_730, %dma_start3A_732] : memref<5x2x80xi32, #tpu.memory_space<vmem>> -> memref<1x1x80xi32, #tpu.memory_space<vmem>>
      %dma_start3A_734 = tpu.memref_squeeze %dma_start3A_733 : memref<1x1x80xi32, #tpu.memory_space<vmem>> -> memref<80xi32, #tpu.memory_space<vmem>>
      %dma_start3A_735 = arith.constant 0 : i32
      %dma_start3A_736 = arith.constant 0 : i32
      %dma_start3A_737 = tpu.memref_slice %arg7[%dma_start3A_735, %dma_start3A_736] : memref<10000x16xf32, #tpu.memory_space<vmem_shared>> -> memref<10000x16xf32, #tpu.memory_space<vmem_shared>>
      %dma_start3A_738 = tpu.memref_slice %arg14[%dma_start3A_731] : memref<3x!tpu.dma_semaphore, #tpu.memory_space<semaphore_mem>> -> memref<1x!tpu.dma_semaphore, #tpu.memory_space<semaphore_mem>>
      %dma_start3A_739 = tpu.memref_squeeze %dma_start3A_738 : memref<1x!tpu.dma_semaphore, #tpu.memory_space<semaphore_mem>> -> memref<!tpu.dma_semaphore, #tpu.memory_space<semaphore_mem>>
      tpu.enqueue_indirect_dma source(%arg10 : memref<80x16xf32, #tpu.memory_space<vmem>>) target(%dma_start3A_737 : memref<10000x16xf32, #tpu.memory_space<vmem_shared>>) offsets(%dma_start3A_734 : memref<80xi32, #tpu.memory_space<vmem>>) semaphore(%dma_start3A_739 : memref<!tpu.dma_semaphore, #tpu.memory_space<semaphore_mem>>) {add = true}
      %add3A_740 = arith.constant 2 : i32
      %add3A_741 = arith.addi %add3A_651, %add3A_740 : i32
      %lt3A_742 = arith.constant 125 : i32
      %lt3A_743 = arith.cmpi slt, %add3A_741, %lt3A_742 : i32
      %convert_element_type3A_744 = arith.extui %lt3A_743 : i1 to i32
      %cond3A_745 = arith.constant 0 : i32
      %cond3A_746 = arith.cmpi ne, %convert_element_type3A_744, %cond3A_745 : i32
      scf.if %cond3A_746 {
        %ge3A = arith.constant 1 : i32
        %ge3A_755 = arith.cmpi sge, %add3A_651, %ge3A : i32
        %convert_element_type3A_756 = arith.extui %ge3A_755 : i1 to i32
        %cond3A_757 = arith.constant 0 : i32
        %cond3A_758 = arith.cmpi ne, %convert_element_type3A_756, %cond3A_757 : i32
        scf.if %cond3A_758 {
          %add3A_843 = arith.constant 2 : i32
          %add3A_844 = arith.addi %add3A_651, %add3A_843 : i32
          %sub3A = arith.constant 3 : i32
          %sub3A_845 = arith.subi %add3A_844, %sub3A : i32
          %jit3A_846 = arith.constant 5 : i32
          %eq3A_847 = arith.constant 0 : i32
          %eq3A_848 = arith.cmpi eq, %jit3A_846, %eq3A_847 : i32
          %jit3A_849 = arith.constant 1 : i32
          %select_n3A_850 = arith.select %eq3A_848, %jit3A_849, %jit3A_846 : i32
          %rem3A_851 = arith.remsi %sub3A_845, %select_n3A_850 : i32
          %ne3A_852 = arith.constant 0 : i32
          %ne3A_853 = arith.cmpi ne, %rem3A_851, %ne3A_852 : i32
          %lt3A_854 = arith.constant 0 : i32
          %lt3A_855 = arith.cmpi slt, %rem3A_851, %lt3A_854 : i32
          %lt3A_856 = arith.constant 0 : i32
          %lt3A_857 = arith.cmpi slt, %select_n3A_850, %lt3A_856 : i32
          %ne3A_858 = arith.xori %lt3A_855, %lt3A_857 : i1
          %and3A_859 = arith.andi %ne3A_858, %ne3A_853 : i1
          %add3A_860 = arith.addi %rem3A_851, %select_n3A_850 : i32
          %select_n3A_861 = arith.select %and3A_859, %add3A_860, %rem3A_851 : i32
          %dma_wait3A_862 = arith.constant 1 : i32
          %dma_wait3A_863 = arith.constant 1 : i32
          %dma_wait3A_864 = arith.constant 1 : i32
          %dma_wait3A_865 = arith.constant 0 : i32
          %dma_wait3A_866 = arith.constant 0 : i32
          %dma_wait3A_867 = tpu.memref_slice %arg9[%dma_wait3A_862, %dma_wait3A_865, %dma_wait3A_866] : memref<3x80x128xf32, #tpu.memory_space<vmem>> -> memref<1x80x128xf32, #tpu.memory_space<vmem>>
          %dma_wait3A_868 = tpu.memref_squeeze %dma_wait3A_867 : memref<1x80x128xf32, #tpu.memory_space<vmem>> -> memref<80x128xf32, #tpu.memory_space<vmem>>
          %dma_wait3A_869 = arith.constant 0 : i32
          %dma_wait3A_870 = tpu.memref_slice %arg8[%select_n3A_861, %dma_wait3A_863, %dma_wait3A_869] : memref<5x2x80xi32, #tpu.memory_space<vmem>> -> memref<1x1x80xi32, #tpu.memory_space<vmem>>
          %dma_wait3A_871 = tpu.memref_squeeze %dma_wait3A_870 : memref<1x1x80xi32, #tpu.memory_space<vmem>> -> memref<80xi32, #tpu.memory_space<vmem>>
          %dma_wait3A_872 = arith.constant 0 : i32
          %dma_wait3A_873 = arith.constant 0 : i32
          %dma_wait3A_874 = tpu.memref_slice %arg6[%dma_wait3A_872, %dma_wait3A_873] : memref<10000x128xf32, #tpu.memory_space<vmem_shared>> -> memref<10000x128xf32, #tpu.memory_space<vmem_shared>>
          %dma_wait3A_875 = tpu.memref_slice %arg13[%dma_wait3A_864] : memref<3x!tpu.dma_semaphore, #tpu.memory_space<semaphore_mem>> -> memref<1x!tpu.dma_semaphore, #tpu.memory_space<semaphore_mem>>
          %dma_wait3A_876 = tpu.memref_squeeze %dma_wait3A_875 : memref<1x!tpu.dma_semaphore, #tpu.memory_space<semaphore_mem>> -> memref<!tpu.dma_semaphore, #tpu.memory_space<semaphore_mem>>
          tpu.wait_indirect_dma semaphore(%dma_wait3A_876 : memref<!tpu.dma_semaphore, #tpu.memory_space<semaphore_mem>>) src(%dma_wait3A_868 : memref<80x128xf32, #tpu.memory_space<vmem>>) dst(%dma_wait3A_874 : memref<10000x128xf32, #tpu.memory_space<vmem_shared>>)
          %jit3A_877 = arith.constant 5 : i32
          %eq3A_878 = arith.constant 0 : i32
          %eq3A_879 = arith.cmpi eq, %jit3A_877, %eq3A_878 : i32
          %jit3A_880 = arith.constant 1 : i32
          %select_n3A_881 = arith.select %eq3A_879, %jit3A_880, %jit3A_877 : i32
          %rem3A_882 = arith.remsi %sub3A_845, %select_n3A_881 : i32
          %ne3A_883 = arith.constant 0 : i32
          %ne3A_884 = arith.cmpi ne, %rem3A_882, %ne3A_883 : i32
          %lt3A_885 = arith.constant 0 : i32
          %lt3A_886 = arith.cmpi slt, %rem3A_882, %lt3A_885 : i32
          %lt3A_887 = arith.constant 0 : i32
          %lt3A_888 = arith.cmpi slt, %select_n3A_881, %lt3A_887 : i32
          %ne3A_889 = arith.xori %lt3A_886, %lt3A_888 : i1
          %and3A_890 = arith.andi %ne3A_889, %ne3A_884 : i1
          %add3A_891 = arith.addi %rem3A_882, %select_n3A_881 : i32
          %select_n3A_892 = arith.select %and3A_890, %add3A_891, %rem3A_882 : i32
          %dma_wait3A_893 = arith.constant 1 : i32
          %dma_wait3A_894 = arith.constant 1 : i32
          %dma_wait3A_895 = arith.constant 0 : i32
          %dma_wait3A_896 = tpu.memref_slice %arg8[%select_n3A_892, %dma_wait3A_893, %dma_wait3A_895] : memref<5x2x80xi32, #tpu.memory_space<vmem>> -> memref<1x1x80xi32, #tpu.memory_space<vmem>>
          %dma_wait3A_897 = tpu.memref_squeeze %dma_wait3A_896 : memref<1x1x80xi32, #tpu.memory_space<vmem>> -> memref<80xi32, #tpu.memory_space<vmem>>
          %dma_wait3A_898 = arith.constant 0 : i32
          %dma_wait3A_899 = arith.constant 0 : i32
          %dma_wait3A_900 = tpu.memref_slice %arg7[%dma_wait3A_898, %dma_wait3A_899] : memref<10000x16xf32, #tpu.memory_space<vmem_shared>> -> memref<10000x16xf32, #tpu.memory_space<vmem_shared>>
          %dma_wait3A_901 = tpu.memref_slice %arg14[%dma_wait3A_894] : memref<3x!tpu.dma_semaphore, #tpu.memory_space<semaphore_mem>> -> memref<1x!tpu.dma_semaphore, #tpu.memory_space<semaphore_mem>>
          %dma_wait3A_902 = tpu.memref_squeeze %dma_wait3A_901 : memref<1x!tpu.dma_semaphore, #tpu.memory_space<semaphore_mem>> -> memref<!tpu.dma_semaphore, #tpu.memory_space<semaphore_mem>>
          tpu.wait_indirect_dma semaphore(%dma_wait3A_902 : memref<!tpu.dma_semaphore, #tpu.memory_space<semaphore_mem>>) src(%arg10 : memref<80x16xf32, #tpu.memory_space<vmem>>) dst(%dma_wait3A_900 : memref<10000x16xf32, #tpu.memory_space<vmem_shared>>)
        } else {
        }
        %add3A_759 = arith.constant 2 : i32
        %add3A_760 = arith.addi %add3A_651, %add3A_759 : i32
        %add3A_761 = arith.constant 2 : i32
        %add3A_762 = arith.addi %add3A_651, %add3A_761 : i32
        %jit3A_763 = arith.constant 5 : i32
        %eq3A_764 = arith.constant 0 : i32
        %eq3A_765 = arith.cmpi eq, %jit3A_763, %eq3A_764 : i32
        %jit3A_766 = arith.constant 1 : i32
        %select_n3A_767 = arith.select %eq3A_765, %jit3A_766, %jit3A_763 : i32
        %rem3A_768 = arith.remsi %add3A_762, %select_n3A_767 : i32
        %ne3A_769 = arith.constant 0 : i32
        %ne3A_770 = arith.cmpi ne, %rem3A_768, %ne3A_769 : i32
        %lt3A_771 = arith.constant 0 : i32
        %lt3A_772 = arith.cmpi slt, %rem3A_768, %lt3A_771 : i32
        %lt3A_773 = arith.constant 0 : i32
        %lt3A_774 = arith.cmpi slt, %select_n3A_767, %lt3A_773 : i32
        %ne3A_775 = arith.xori %lt3A_772, %lt3A_774 : i1
        %and3A_776 = arith.andi %ne3A_775, %ne3A_770 : i1
        %add3A_777 = arith.addi %rem3A_768, %select_n3A_767 : i32
        %select_n3A_778 = arith.select %and3A_776, %add3A_777, %rem3A_768 : i32
        %add3A_779 = arith.addi %mul3A_2, %add3A_760 : i32
        %mul3A_780 = arith.constant 80 : i32
        %mul3A_781 = arith.muli %add3A_779, %mul3A_780 : i32
        %dma_wait3A_782 = arith.constant 0 : i32
        %dma_wait3A_783 = arith.constant 0 : i32
        %dma_wait3A_784 = arith.constant 0 : i32
        %dma_wait3A_785 = tpu.memref_slice %arg8[%select_n3A_778, %dma_wait3A_783, %dma_wait3A_784] : memref<5x2x80xi32, #tpu.memory_space<vmem>> -> memref<1x1x80xi32, #tpu.memory_space<vmem>>
        %dma_wait3A_786 = tpu.memref_squeeze %dma_wait3A_785 : memref<1x1x80xi32, #tpu.memory_space<vmem>> -> memref<80xi32, #tpu.memory_space<vmem>>
        %dma_wait3A_787 = tpu.memref_slice %arg3[%dma_wait3A_782, %mul3A_781] : memref<2x320000xi32, #tpu.memory_space<hbm>> -> memref<1x80xi32, #tpu.memory_space<hbm>>
        %dma_wait3A_788 = tpu.memref_squeeze %dma_wait3A_787 : memref<1x80xi32, #tpu.memory_space<hbm>> -> memref<80xi32, #tpu.memory_space<hbm>>
        %dma_wait3A_789 = tpu.memref_slice %arg15[%select_n3A_778] : memref<5x!tpu.dma_semaphore, #tpu.memory_space<semaphore_mem>> -> memref<1x!tpu.dma_semaphore, #tpu.memory_space<semaphore_mem>>
        %dma_wait3A_790 = tpu.memref_squeeze %dma_wait3A_789 : memref<1x!tpu.dma_semaphore, #tpu.memory_space<semaphore_mem>> -> memref<!tpu.dma_semaphore, #tpu.memory_space<semaphore_mem>>
        %dma_wait3A_791 = arith.constant 0 : i32
        %dma_wait3A_792 = tpu.memref_slice %arg8[%select_n3A_778, %dma_wait3A_783, %dma_wait3A_791] : memref<5x2x80xi32, #tpu.memory_space<vmem>> -> memref<1x1x80xi32, #tpu.memory_space<vmem>>
        %dma_wait3A_793 = tpu.memref_squeeze %dma_wait3A_792 : memref<1x1x80xi32, #tpu.memory_space<vmem>> -> memref<80xi32, #tpu.memory_space<vmem>>
        %dma_wait3A_794 = tpu.memref_slice %arg3[%dma_wait3A_782, %mul3A_781] : memref<2x320000xi32, #tpu.memory_space<hbm>> -> memref<1x80xi32, #tpu.memory_space<hbm>>
        %dma_wait3A_795 = tpu.memref_squeeze %dma_wait3A_794 : memref<1x80xi32, #tpu.memory_space<hbm>> -> memref<80xi32, #tpu.memory_space<hbm>>
        tpu.wait_dma2 semaphore(%dma_wait3A_790 : memref<!tpu.dma_semaphore, #tpu.memory_space<semaphore_mem>>) src(%dma_wait3A_795 : memref<80xi32, #tpu.memory_space<hbm>>) dst(%dma_wait3A_793 : memref<80xi32, #tpu.memory_space<vmem>>)
        %dma_wait3A_796 = arith.constant 1 : i32
        %dma_wait3A_797 = arith.constant 1 : i32
        %dma_wait3A_798 = arith.constant 0 : i32
        %dma_wait3A_799 = tpu.memref_slice %arg8[%select_n3A_778, %dma_wait3A_797, %dma_wait3A_798] : memref<5x2x80xi32, #tpu.memory_space<vmem>> -> memref<1x1x80xi32, #tpu.memory_space<vmem>>
        %dma_wait3A_800 = tpu.memref_squeeze %dma_wait3A_799 : memref<1x1x80xi32, #tpu.memory_space<vmem>> -> memref<80xi32, #tpu.memory_space<vmem>>
        %dma_wait3A_801 = tpu.memref_slice %arg3[%dma_wait3A_796, %mul3A_781] : memref<2x320000xi32, #tpu.memory_space<hbm>> -> memref<1x80xi32, #tpu.memory_space<hbm>>
        %dma_wait3A_802 = tpu.memref_squeeze %dma_wait3A_801 : memref<1x80xi32, #tpu.memory_space<hbm>> -> memref<80xi32, #tpu.memory_space<hbm>>
        %dma_wait3A_803 = tpu.memref_slice %arg15[%select_n3A_778] : memref<5x!tpu.dma_semaphore, #tpu.memory_space<semaphore_mem>> -> memref<1x!tpu.dma_semaphore, #tpu.memory_space<semaphore_mem>>
        %dma_wait3A_804 = tpu.memref_squeeze %dma_wait3A_803 : memref<1x!tpu.dma_semaphore, #tpu.memory_space<semaphore_mem>> -> memref<!tpu.dma_semaphore, #tpu.memory_space<semaphore_mem>>
        %dma_wait3A_805 = arith.constant 0 : i32
        %dma_wait3A_806 = tpu.memref_slice %arg8[%select_n3A_778, %dma_wait3A_797, %dma_wait3A_805] : memref<5x2x80xi32, #tpu.memory_space<vmem>> -> memref<1x1x80xi32, #tpu.memory_space<vmem>>
        %dma_wait3A_807 = tpu.memref_squeeze %dma_wait3A_806 : memref<1x1x80xi32, #tpu.memory_space<vmem>> -> memref<80xi32, #tpu.memory_space<vmem>>
        %dma_wait3A_808 = tpu.memref_slice %arg3[%dma_wait3A_796, %mul3A_781] : memref<2x320000xi32, #tpu.memory_space<hbm>> -> memref<1x80xi32, #tpu.memory_space<hbm>>
        %dma_wait3A_809 = tpu.memref_squeeze %dma_wait3A_808 : memref<1x80xi32, #tpu.memory_space<hbm>> -> memref<80xi32, #tpu.memory_space<hbm>>
        tpu.wait_dma2 semaphore(%dma_wait3A_804 : memref<!tpu.dma_semaphore, #tpu.memory_space<semaphore_mem>>) src(%dma_wait3A_809 : memref<80xi32, #tpu.memory_space<hbm>>) dst(%dma_wait3A_807 : memref<80xi32, #tpu.memory_space<vmem>>)
        %add3A_810 = arith.constant 2 : i32
        %add3A_811 = arith.addi %add3A_651, %add3A_810 : i32
        %jit3A_812 = arith.constant 5 : i32
        %eq3A_813 = arith.constant 0 : i32
        %eq3A_814 = arith.cmpi eq, %jit3A_812, %eq3A_813 : i32
        %jit3A_815 = arith.constant 1 : i32
        %select_n3A_816 = arith.select %eq3A_814, %jit3A_815, %jit3A_812 : i32
        %rem3A_817 = arith.remsi %add3A_811, %select_n3A_816 : i32
        %ne3A_818 = arith.constant 0 : i32
        %ne3A_819 = arith.cmpi ne, %rem3A_817, %ne3A_818 : i32
        %lt3A_820 = arith.constant 0 : i32
        %lt3A_821 = arith.cmpi slt, %rem3A_817, %lt3A_820 : i32
        %lt3A_822 = arith.constant 0 : i32
        %lt3A_823 = arith.cmpi slt, %select_n3A_816, %lt3A_822 : i32
        %ne3A_824 = arith.xori %lt3A_821, %lt3A_823 : i1
        %and3A_825 = arith.andi %ne3A_824, %ne3A_819 : i1
        %add3A_826 = arith.addi %rem3A_817, %select_n3A_816 : i32
        %select_n3A_827 = arith.select %and3A_825, %add3A_826, %rem3A_817 : i32
        %dma_start3A_828 = arith.constant 0 : i32
        %dma_start3A_829 = arith.constant 1 : i32
        %dma_start3A_830 = arith.constant 1 : i32
        %dma_start3A_831 = arith.constant 0 : i32
        %dma_start3A_832 = arith.constant 0 : i32
        %dma_start3A_833 = tpu.memref_slice %arg9[%dma_start3A_829, %dma_start3A_831, %dma_start3A_832] : memref<3x80x128xf32, #tpu.memory_space<vmem>> -> memref<1x80x128xf32, #tpu.memory_space<vmem>>
        %dma_start3A_834 = tpu.memref_squeeze %dma_start3A_833 : memref<1x80x128xf32, #tpu.memory_space<vmem>> -> memref<80x128xf32, #tpu.memory_space<vmem>>
        %dma_start3A_835 = arith.constant 0 : i32
        %dma_start3A_836 = tpu.memref_slice %arg8[%select_n3A_827, %dma_start3A_828, %dma_start3A_835] : memref<5x2x80xi32, #tpu.memory_space<vmem>> -> memref<1x1x80xi32, #tpu.memory_space<vmem>>
        %dma_start3A_837 = tpu.memref_squeeze %dma_start3A_836 : memref<1x1x80xi32, #tpu.memory_space<vmem>> -> memref<80xi32, #tpu.memory_space<vmem>>
        %dma_start3A_838 = arith.constant 0 : i32
        %dma_start3A_839 = arith.constant 0 : i32
        %dma_start3A_840 = tpu.memref_slice %arg2[%dma_start3A_838, %dma_start3A_839] : memref<10000x128xf32, #tpu.memory_space<hbm>> -> memref<10000x128xf32, #tpu.memory_space<hbm>>
        %dma_start3A_841 = tpu.memref_slice %arg12[%dma_start3A_830] : memref<3x!tpu.dma_semaphore, #tpu.memory_space<semaphore_mem>> -> memref<1x!tpu.dma_semaphore, #tpu.memory_space<semaphore_mem>>
        %dma_start3A_842 = tpu.memref_squeeze %dma_start3A_841 : memref<1x!tpu.dma_semaphore, #tpu.memory_space<semaphore_mem>> -> memref<!tpu.dma_semaphore, #tpu.memory_space<semaphore_mem>>
        tpu.enqueue_indirect_dma source(%dma_start3A_840 : memref<10000x128xf32, #tpu.memory_space<hbm>>) target(%dma_start3A_834 : memref<80x128xf32, #tpu.memory_space<vmem>>) offsets(%dma_start3A_837 : memref<80xi32, #tpu.memory_space<vmem>>) semaphore(%dma_start3A_842 : memref<!tpu.dma_semaphore, #tpu.memory_space<semaphore_mem>>)
      } else {
      }
      %add3A_747 = arith.constant 4 : i32
      %add3A_748 = arith.addi %add3A_651, %add3A_747 : i32
      %lt3A_749 = arith.constant 125 : i32
      %lt3A_750 = arith.cmpi slt, %add3A_748, %lt3A_749 : i32
      %convert_element_type3A_751 = arith.extui %lt3A_750 : i1 to i32
      %cond3A_752 = arith.constant 0 : i32
      %cond3A_753 = arith.cmpi ne, %convert_element_type3A_751, %cond3A_752 : i32
      scf.if %cond3A_753 {
        %add3A_755 = arith.constant 4 : i32
        %add3A_756 = arith.addi %add3A_651, %add3A_755 : i32
        %add3A_757 = arith.constant 4 : i32
        %add3A_758 = arith.addi %add3A_651, %add3A_757 : i32
        %jit3A_759 = arith.constant 5 : i32
        %eq3A_760 = arith.constant 0 : i32
        %eq3A_761 = arith.cmpi eq, %jit3A_759, %eq3A_760 : i32
        %jit3A_762 = arith.constant 1 : i32
        %select_n3A_763 = arith.select %eq3A_761, %jit3A_762, %jit3A_759 : i32
        %rem3A_764 = arith.remsi %add3A_758, %select_n3A_763 : i32
        %ne3A_765 = arith.constant 0 : i32
        %ne3A_766 = arith.cmpi ne, %rem3A_764, %ne3A_765 : i32
        %lt3A_767 = arith.constant 0 : i32
        %lt3A_768 = arith.cmpi slt, %rem3A_764, %lt3A_767 : i32
        %lt3A_769 = arith.constant 0 : i32
        %lt3A_770 = arith.cmpi slt, %select_n3A_763, %lt3A_769 : i32
        %ne3A_771 = arith.xori %lt3A_768, %lt3A_770 : i1
        %and3A_772 = arith.andi %ne3A_771, %ne3A_766 : i1
        %add3A_773 = arith.addi %rem3A_764, %select_n3A_763 : i32
        %select_n3A_774 = arith.select %and3A_772, %add3A_773, %rem3A_764 : i32
        %add3A_775 = arith.addi %mul3A_2, %add3A_756 : i32
        %mul3A_776 = arith.constant 80 : i32
        %mul3A_777 = arith.muli %add3A_775, %mul3A_776 : i32
        %dma_start3A_778 = arith.constant 0 : i32
        %dma_start3A_779 = arith.constant 0 : i32
        %dma_start3A_780 = arith.constant 0 : i32
        %dma_start3A_781 = tpu.memref_slice %arg8[%select_n3A_774, %dma_start3A_779, %dma_start3A_780] : memref<5x2x80xi32, #tpu.memory_space<vmem>> -> memref<1x1x80xi32, #tpu.memory_space<vmem>>
        %dma_start3A_782 = tpu.memref_squeeze %dma_start3A_781 : memref<1x1x80xi32, #tpu.memory_space<vmem>> -> memref<80xi32, #tpu.memory_space<vmem>>
        %dma_start3A_783 = tpu.memref_slice %arg3[%dma_start3A_778, %mul3A_777] : memref<2x320000xi32, #tpu.memory_space<hbm>> -> memref<1x80xi32, #tpu.memory_space<hbm>>
        %dma_start3A_784 = tpu.memref_squeeze %dma_start3A_783 : memref<1x80xi32, #tpu.memory_space<hbm>> -> memref<80xi32, #tpu.memory_space<hbm>>
        %dma_start3A_785 = tpu.memref_slice %arg15[%select_n3A_774] : memref<5x!tpu.dma_semaphore, #tpu.memory_space<semaphore_mem>> -> memref<1x!tpu.dma_semaphore, #tpu.memory_space<semaphore_mem>>
        %dma_start3A_786 = tpu.memref_squeeze %dma_start3A_785 : memref<1x!tpu.dma_semaphore, #tpu.memory_space<semaphore_mem>> -> memref<!tpu.dma_semaphore, #tpu.memory_space<semaphore_mem>>
        %dma_start3A_787 = arith.constant 0 : i32
        %dma_start3A_788 = tpu.memref_slice %arg8[%select_n3A_774, %dma_start3A_779, %dma_start3A_787] : memref<5x2x80xi32, #tpu.memory_space<vmem>> -> memref<1x1x80xi32, #tpu.memory_space<vmem>>
        %dma_start3A_789 = tpu.memref_squeeze %dma_start3A_788 : memref<1x1x80xi32, #tpu.memory_space<vmem>> -> memref<80xi32, #tpu.memory_space<vmem>>
        %dma_start3A_790 = tpu.memref_slice %arg3[%dma_start3A_778, %mul3A_777] : memref<2x320000xi32, #tpu.memory_space<hbm>> -> memref<1x80xi32, #tpu.memory_space<hbm>>
        %dma_start3A_791 = tpu.memref_squeeze %dma_start3A_790 : memref<1x80xi32, #tpu.memory_space<hbm>> -> memref<80xi32, #tpu.memory_space<hbm>>
        tpu.enqueue_dma source(%dma_start3A_791 : memref<80xi32, #tpu.memory_space<hbm>>) target(%dma_start3A_789 : memref<80xi32, #tpu.memory_space<vmem>>) target_semaphore(%dma_start3A_786 : memref<!tpu.dma_semaphore, #tpu.memory_space<semaphore_mem>>)
        %dma_start3A_792 = arith.constant 1 : i32
        %dma_start3A_793 = arith.constant 1 : i32
        %dma_start3A_794 = arith.constant 0 : i32
        %dma_start3A_795 = tpu.memref_slice %arg8[%select_n3A_774, %dma_start3A_793, %dma_start3A_794] : memref<5x2x80xi32, #tpu.memory_space<vmem>> -> memref<1x1x80xi32, #tpu.memory_space<vmem>>
        %dma_start3A_796 = tpu.memref_squeeze %dma_start3A_795 : memref<1x1x80xi32, #tpu.memory_space<vmem>> -> memref<80xi32, #tpu.memory_space<vmem>>
        %dma_start3A_797 = tpu.memref_slice %arg3[%dma_start3A_792, %mul3A_777] : memref<2x320000xi32, #tpu.memory_space<hbm>> -> memref<1x80xi32, #tpu.memory_space<hbm>>
        %dma_start3A_798 = tpu.memref_squeeze %dma_start3A_797 : memref<1x80xi32, #tpu.memory_space<hbm>> -> memref<80xi32, #tpu.memory_space<hbm>>
        %dma_start3A_799 = tpu.memref_slice %arg15[%select_n3A_774] : memref<5x!tpu.dma_semaphore, #tpu.memory_space<semaphore_mem>> -> memref<1x!tpu.dma_semaphore, #tpu.memory_space<semaphore_mem>>
        %dma_start3A_800 = tpu.memref_squeeze %dma_start3A_799 : memref<1x!tpu.dma_semaphore, #tpu.memory_space<semaphore_mem>> -> memref<!tpu.dma_semaphore, #tpu.memory_space<semaphore_mem>>
        %dma_start3A_801 = arith.constant 0 : i32
        %dma_start3A_802 = tpu.memref_slice %arg8[%select_n3A_774, %dma_start3A_793, %dma_start3A_801] : memref<5x2x80xi32, #tpu.memory_space<vmem>> -> memref<1x1x80xi32, #tpu.memory_space<vmem>>
        %dma_start3A_803 = tpu.memref_squeeze %dma_start3A_802 : memref<1x1x80xi32, #tpu.memory_space<vmem>> -> memref<80xi32, #tpu.memory_space<vmem>>
        %dma_start3A_804 = tpu.memref_slice %arg3[%dma_start3A_792, %mul3A_777] : memref<2x320000xi32, #tpu.memory_space<hbm>> -> memref<1x80xi32, #tpu.memory_space<hbm>>
        %dma_start3A_805 = tpu.memref_squeeze %dma_start3A_804 : memref<1x80xi32, #tpu.memory_space<hbm>> -> memref<80xi32, #tpu.memory_space<hbm>>
        tpu.enqueue_dma source(%dma_start3A_805 : memref<80xi32, #tpu.memory_space<hbm>>) target(%dma_start3A_803 : memref<80xi32, #tpu.memory_space<vmem>>) target_semaphore(%dma_start3A_800 : memref<!tpu.dma_semaphore, #tpu.memory_space<semaphore_mem>>)
      } else {
      }
      %scan3A_754 = arith.constant 0 : i32
      scf.yield %scan3A_754 : i32
    }
    %scan3A_274 = arith.constant 41 : i32
    %dma_wait3A_275 = arith.constant 3 : i32
    %dma_wait3A_276 = arith.constant 0 : i32
    %dma_wait3A_277 = arith.constant 0 : i32
    %dma_wait3A_278 = arith.constant 0 : i32
    %dma_wait3A_279 = arith.constant 0 : i32
    %dma_wait3A_280 = arith.constant 0 : i32
    %dma_wait3A_281 = tpu.memref_slice %arg9[%dma_wait3A_277, %dma_wait3A_279, %dma_wait3A_280] : memref<3x80x128xf32, #tpu.memory_space<vmem>> -> memref<1x80x128xf32, #tpu.memory_space<vmem>>
    %dma_wait3A_282 = tpu.memref_squeeze %dma_wait3A_281 : memref<1x80x128xf32, #tpu.memory_space<vmem>> -> memref<80x128xf32, #tpu.memory_space<vmem>>
    %dma_wait3A_283 = arith.constant 0 : i32
    %dma_wait3A_284 = tpu.memref_slice %arg8[%dma_wait3A_275, %dma_wait3A_276, %dma_wait3A_283] : memref<5x2x80xi32, #tpu.memory_space<vmem>> -> memref<1x1x80xi32, #tpu.memory_space<vmem>>
    %dma_wait3A_285 = tpu.memref_squeeze %dma_wait3A_284 : memref<1x1x80xi32, #tpu.memory_space<vmem>> -> memref<80xi32, #tpu.memory_space<vmem>>
    %dma_wait3A_286 = arith.constant 0 : i32
    %dma_wait3A_287 = arith.constant 0 : i32
    %dma_wait3A_288 = tpu.memref_slice %arg2[%dma_wait3A_286, %dma_wait3A_287] : memref<10000x128xf32, #tpu.memory_space<hbm>> -> memref<10000x128xf32, #tpu.memory_space<hbm>>
    %dma_wait3A_289 = tpu.memref_slice %arg12[%dma_wait3A_278] : memref<3x!tpu.dma_semaphore, #tpu.memory_space<semaphore_mem>> -> memref<1x!tpu.dma_semaphore, #tpu.memory_space<semaphore_mem>>
    %dma_wait3A_290 = tpu.memref_squeeze %dma_wait3A_289 : memref<1x!tpu.dma_semaphore, #tpu.memory_space<semaphore_mem>> -> memref<!tpu.dma_semaphore, #tpu.memory_space<semaphore_mem>>
    tpu.wait_indirect_dma semaphore(%dma_wait3A_290 : memref<!tpu.dma_semaphore, #tpu.memory_space<semaphore_mem>>) src(%dma_wait3A_288 : memref<10000x128xf32, #tpu.memory_space<hbm>>) dst(%dma_wait3A_282 : memref<80x128xf32, #tpu.memory_space<vmem>>)
    %dma_start3A_291 = arith.constant 0 : i32
    %dma_start3A_292 = arith.constant 3 : i32
    %dma_start3A_293 = arith.constant 1 : i32
    %dma_start3A_294 = arith.constant 0 : i32
    %dma_start3A_295 = arith.constant 0 : i32
    %dma_start3A_296 = arith.constant 0 : i32
    %dma_start3A_297 = tpu.memref_slice %arg9[%dma_start3A_291, %dma_start3A_295, %dma_start3A_296] : memref<3x80x128xf32, #tpu.memory_space<vmem>> -> memref<1x80x128xf32, #tpu.memory_space<vmem>>
    %dma_start3A_298 = tpu.memref_squeeze %dma_start3A_297 : memref<1x80x128xf32, #tpu.memory_space<vmem>> -> memref<80x128xf32, #tpu.memory_space<vmem>>
    %dma_start3A_299 = arith.constant 0 : i32
    %dma_start3A_300 = tpu.memref_slice %arg8[%dma_start3A_292, %dma_start3A_293, %dma_start3A_299] : memref<5x2x80xi32, #tpu.memory_space<vmem>> -> memref<1x1x80xi32, #tpu.memory_space<vmem>>
    %dma_start3A_301 = tpu.memref_squeeze %dma_start3A_300 : memref<1x1x80xi32, #tpu.memory_space<vmem>> -> memref<80xi32, #tpu.memory_space<vmem>>
    %dma_start3A_302 = arith.constant 0 : i32
    %dma_start3A_303 = arith.constant 0 : i32
    %dma_start3A_304 = tpu.memref_slice %arg6[%dma_start3A_302, %dma_start3A_303] : memref<10000x128xf32, #tpu.memory_space<vmem_shared>> -> memref<10000x128xf32, #tpu.memory_space<vmem_shared>>
    %dma_start3A_305 = tpu.memref_slice %arg13[%dma_start3A_294] : memref<3x!tpu.dma_semaphore, #tpu.memory_space<semaphore_mem>> -> memref<1x!tpu.dma_semaphore, #tpu.memory_space<semaphore_mem>>
    %dma_start3A_306 = tpu.memref_squeeze %dma_start3A_305 : memref<1x!tpu.dma_semaphore, #tpu.memory_space<semaphore_mem>> -> memref<!tpu.dma_semaphore, #tpu.memory_space<semaphore_mem>>
    tpu.enqueue_indirect_dma source(%dma_start3A_298 : memref<80x128xf32, #tpu.memory_space<vmem>>) target(%dma_start3A_304 : memref<10000x128xf32, #tpu.memory_space<vmem_shared>>) offsets(%dma_start3A_301 : memref<80xi32, #tpu.memory_space<vmem>>) semaphore(%dma_start3A_306 : memref<!tpu.dma_semaphore, #tpu.memory_space<semaphore_mem>>) {add = true}
    %dma_start3A_307 = arith.constant 3 : i32
    %dma_start3A_308 = arith.constant 1 : i32
    %dma_start3A_309 = arith.constant 0 : i32
    %dma_start3A_310 = arith.constant 0 : i32
    %dma_start3A_311 = tpu.memref_slice %arg8[%dma_start3A_307, %dma_start3A_308, %dma_start3A_310] : memref<5x2x80xi32, #tpu.memory_space<vmem>> -> memref<1x1x80xi32, #tpu.memory_space<vmem>>
    %dma_start3A_312 = tpu.memref_squeeze %dma_start3A_311 : memref<1x1x80xi32, #tpu.memory_space<vmem>> -> memref<80xi32, #tpu.memory_space<vmem>>
    %dma_start3A_313 = arith.constant 0 : i32
    %dma_start3A_314 = arith.constant 0 : i32
    %dma_start3A_315 = tpu.memref_slice %arg7[%dma_start3A_313, %dma_start3A_314] : memref<10000x16xf32, #tpu.memory_space<vmem_shared>> -> memref<10000x16xf32, #tpu.memory_space<vmem_shared>>
    %dma_start3A_316 = tpu.memref_slice %arg14[%dma_start3A_309] : memref<3x!tpu.dma_semaphore, #tpu.memory_space<semaphore_mem>> -> memref<1x!tpu.dma_semaphore, #tpu.memory_space<semaphore_mem>>
    %dma_start3A_317 = tpu.memref_squeeze %dma_start3A_316 : memref<1x!tpu.dma_semaphore, #tpu.memory_space<semaphore_mem>> -> memref<!tpu.dma_semaphore, #tpu.memory_space<semaphore_mem>>
    tpu.enqueue_indirect_dma source(%arg10 : memref<80x16xf32, #tpu.memory_space<vmem>>) target(%dma_start3A_315 : memref<10000x16xf32, #tpu.memory_space<vmem_shared>>) offsets(%dma_start3A_312 : memref<80xi32, #tpu.memory_space<vmem>>) semaphore(%dma_start3A_317 : memref<!tpu.dma_semaphore, #tpu.memory_space<semaphore_mem>>) {add = true}
    %dma_wait3A_318 = arith.constant 4 : i32
    %dma_wait3A_319 = arith.constant 0 : i32
    %dma_wait3A_320 = arith.constant 1 : i32
    %dma_wait3A_321 = arith.constant 1 : i32
    %dma_wait3A_322 = arith.constant 0 : i32
    %dma_wait3A_323 = arith.constant 0 : i32
    %dma_wait3A_324 = tpu.memref_slice %arg9[%dma_wait3A_320, %dma_wait3A_322, %dma_wait3A_323] : memref<3x80x128xf32, #tpu.memory_space<vmem>> -> memref<1x80x128xf32, #tpu.memory_space<vmem>>
    %dma_wait3A_325 = tpu.memref_squeeze %dma_wait3A_324 : memref<1x80x128xf32, #tpu.memory_space<vmem>> -> memref<80x128xf32, #tpu.memory_space<vmem>>
    %dma_wait3A_326 = arith.constant 0 : i32
    %dma_wait3A_327 = tpu.memref_slice %arg8[%dma_wait3A_318, %dma_wait3A_319, %dma_wait3A_326] : memref<5x2x80xi32, #tpu.memory_space<vmem>> -> memref<1x1x80xi32, #tpu.memory_space<vmem>>
    %dma_wait3A_328 = tpu.memref_squeeze %dma_wait3A_327 : memref<1x1x80xi32, #tpu.memory_space<vmem>> -> memref<80xi32, #tpu.memory_space<vmem>>
    %dma_wait3A_329 = arith.constant 0 : i32
    %dma_wait3A_330 = arith.constant 0 : i32
    %dma_wait3A_331 = tpu.memref_slice %arg2[%dma_wait3A_329, %dma_wait3A_330] : memref<10000x128xf32, #tpu.memory_space<hbm>> -> memref<10000x128xf32, #tpu.memory_space<hbm>>
    %dma_wait3A_332 = tpu.memref_slice %arg12[%dma_wait3A_321] : memref<3x!tpu.dma_semaphore, #tpu.memory_space<semaphore_mem>> -> memref<1x!tpu.dma_semaphore, #tpu.memory_space<semaphore_mem>>
    %dma_wait3A_333 = tpu.memref_squeeze %dma_wait3A_332 : memref<1x!tpu.dma_semaphore, #tpu.memory_space<semaphore_mem>> -> memref<!tpu.dma_semaphore, #tpu.memory_space<semaphore_mem>>
    tpu.wait_indirect_dma semaphore(%dma_wait3A_333 : memref<!tpu.dma_semaphore, #tpu.memory_space<semaphore_mem>>) src(%dma_wait3A_331 : memref<10000x128xf32, #tpu.memory_space<hbm>>) dst(%dma_wait3A_325 : memref<80x128xf32, #tpu.memory_space<vmem>>)
    %dma_start3A_334 = arith.constant 1 : i32
    %dma_start3A_335 = arith.constant 4 : i32
    %dma_start3A_336 = arith.constant 1 : i32
    %dma_start3A_337 = arith.constant 1 : i32
    %dma_start3A_338 = arith.constant 0 : i32
    %dma_start3A_339 = arith.constant 0 : i32
    %dma_start3A_340 = tpu.memref_slice %arg9[%dma_start3A_334, %dma_start3A_338, %dma_start3A_339] : memref<3x80x128xf32, #tpu.memory_space<vmem>> -> memref<1x80x128xf32, #tpu.memory_space<vmem>>
    %dma_start3A_341 = tpu.memref_squeeze %dma_start3A_340 : memref<1x80x128xf32, #tpu.memory_space<vmem>> -> memref<80x128xf32, #tpu.memory_space<vmem>>
    %dma_start3A_342 = arith.constant 0 : i32
    %dma_start3A_343 = tpu.memref_slice %arg8[%dma_start3A_335, %dma_start3A_336, %dma_start3A_342] : memref<5x2x80xi32, #tpu.memory_space<vmem>> -> memref<1x1x80xi32, #tpu.memory_space<vmem>>
    %dma_start3A_344 = tpu.memref_squeeze %dma_start3A_343 : memref<1x1x80xi32, #tpu.memory_space<vmem>> -> memref<80xi32, #tpu.memory_space<vmem>>
    %dma_start3A_345 = arith.constant 0 : i32
    %dma_start3A_346 = arith.constant 0 : i32
    %dma_start3A_347 = tpu.memref_slice %arg6[%dma_start3A_345, %dma_start3A_346] : memref<10000x128xf32, #tpu.memory_space<vmem_shared>> -> memref<10000x128xf32, #tpu.memory_space<vmem_shared>>
    %dma_start3A_348 = tpu.memref_slice %arg13[%dma_start3A_337] : memref<3x!tpu.dma_semaphore, #tpu.memory_space<semaphore_mem>> -> memref<1x!tpu.dma_semaphore, #tpu.memory_space<semaphore_mem>>
    %dma_start3A_349 = tpu.memref_squeeze %dma_start3A_348 : memref<1x!tpu.dma_semaphore, #tpu.memory_space<semaphore_mem>> -> memref<!tpu.dma_semaphore, #tpu.memory_space<semaphore_mem>>
    tpu.enqueue_indirect_dma source(%dma_start3A_341 : memref<80x128xf32, #tpu.memory_space<vmem>>) target(%dma_start3A_347 : memref<10000x128xf32, #tpu.memory_space<vmem_shared>>) offsets(%dma_start3A_344 : memref<80xi32, #tpu.memory_space<vmem>>) semaphore(%dma_start3A_349 : memref<!tpu.dma_semaphore, #tpu.memory_space<semaphore_mem>>) {add = true}
    %dma_start3A_350 = arith.constant 4 : i32
    %dma_start3A_351 = arith.constant 1 : i32
    %dma_start3A_352 = arith.constant 1 : i32
    %dma_start3A_353 = arith.constant 0 : i32
    %dma_start3A_354 = tpu.memref_slice %arg8[%dma_start3A_350, %dma_start3A_351, %dma_start3A_353] : memref<5x2x80xi32, #tpu.memory_space<vmem>> -> memref<1x1x80xi32, #tpu.memory_space<vmem>>
    %dma_start3A_355 = tpu.memref_squeeze %dma_start3A_354 : memref<1x1x80xi32, #tpu.memory_space<vmem>> -> memref<80xi32, #tpu.memory_space<vmem>>
    %dma_start3A_356 = arith.constant 0 : i32
    %dma_start3A_357 = arith.constant 0 : i32
    %dma_start3A_358 = tpu.memref_slice %arg7[%dma_start3A_356, %dma_start3A_357] : memref<10000x16xf32, #tpu.memory_space<vmem_shared>> -> memref<10000x16xf32, #tpu.memory_space<vmem_shared>>
    %dma_start3A_359 = tpu.memref_slice %arg14[%dma_start3A_352] : memref<3x!tpu.dma_semaphore, #tpu.memory_space<semaphore_mem>> -> memref<1x!tpu.dma_semaphore, #tpu.memory_space<semaphore_mem>>
    %dma_start3A_360 = tpu.memref_squeeze %dma_start3A_359 : memref<1x!tpu.dma_semaphore, #tpu.memory_space<semaphore_mem>> -> memref<!tpu.dma_semaphore, #tpu.memory_space<semaphore_mem>>
    tpu.enqueue_indirect_dma source(%arg10 : memref<80x16xf32, #tpu.memory_space<vmem>>) target(%dma_start3A_358 : memref<10000x16xf32, #tpu.memory_space<vmem_shared>>) offsets(%dma_start3A_355 : memref<80xi32, #tpu.memory_space<vmem>>) semaphore(%dma_start3A_360 : memref<!tpu.dma_semaphore, #tpu.memory_space<semaphore_mem>>) {add = true}
    %dma_wait3A_361 = arith.constant 2 : i32
    %dma_wait3A_362 = arith.constant 2 : i32
    %dma_wait3A_363 = arith.constant 1 : i32
    %dma_wait3A_364 = arith.constant 2 : i32
    %dma_wait3A_365 = arith.constant 0 : i32
    %dma_wait3A_366 = arith.constant 0 : i32
    %dma_wait3A_367 = tpu.memref_slice %arg9[%dma_wait3A_361, %dma_wait3A_365, %dma_wait3A_366] : memref<3x80x128xf32, #tpu.memory_space<vmem>> -> memref<1x80x128xf32, #tpu.memory_space<vmem>>
    %dma_wait3A_368 = tpu.memref_squeeze %dma_wait3A_367 : memref<1x80x128xf32, #tpu.memory_space<vmem>> -> memref<80x128xf32, #tpu.memory_space<vmem>>
    %dma_wait3A_369 = arith.constant 0 : i32
    %dma_wait3A_370 = tpu.memref_slice %arg8[%dma_wait3A_362, %dma_wait3A_363, %dma_wait3A_369] : memref<5x2x80xi32, #tpu.memory_space<vmem>> -> memref<1x1x80xi32, #tpu.memory_space<vmem>>
    %dma_wait3A_371 = tpu.memref_squeeze %dma_wait3A_370 : memref<1x1x80xi32, #tpu.memory_space<vmem>> -> memref<80xi32, #tpu.memory_space<vmem>>
    %dma_wait3A_372 = arith.constant 0 : i32
    %dma_wait3A_373 = arith.constant 0 : i32
    %dma_wait3A_374 = tpu.memref_slice %arg6[%dma_wait3A_372, %dma_wait3A_373] : memref<10000x128xf32, #tpu.memory_space<vmem_shared>> -> memref<10000x128xf32, #tpu.memory_space<vmem_shared>>
    %dma_wait3A_375 = tpu.memref_slice %arg13[%dma_wait3A_364] : memref<3x!tpu.dma_semaphore, #tpu.memory_space<semaphore_mem>> -> memref<1x!tpu.dma_semaphore, #tpu.memory_space<semaphore_mem>>
    %dma_wait3A_376 = tpu.memref_squeeze %dma_wait3A_375 : memref<1x!tpu.dma_semaphore, #tpu.memory_space<semaphore_mem>> -> memref<!tpu.dma_semaphore, #tpu.memory_space<semaphore_mem>>
    tpu.wait_indirect_dma semaphore(%dma_wait3A_376 : memref<!tpu.dma_semaphore, #tpu.memory_space<semaphore_mem>>) src(%dma_wait3A_368 : memref<80x128xf32, #tpu.memory_space<vmem>>) dst(%dma_wait3A_374 : memref<10000x128xf32, #tpu.memory_space<vmem_shared>>)
    %dma_wait3A_377 = arith.constant 2 : i32
    %dma_wait3A_378 = arith.constant 1 : i32
    %dma_wait3A_379 = arith.constant 2 : i32
    %dma_wait3A_380 = arith.constant 0 : i32
    %dma_wait3A_381 = tpu.memref_slice %arg8[%dma_wait3A_377, %dma_wait3A_378, %dma_wait3A_380] : memref<5x2x80xi32, #tpu.memory_space<vmem>> -> memref<1x1x80xi32, #tpu.memory_space<vmem>>
    %dma_wait3A_382 = tpu.memref_squeeze %dma_wait3A_381 : memref<1x1x80xi32, #tpu.memory_space<vmem>> -> memref<80xi32, #tpu.memory_space<vmem>>
    %dma_wait3A_383 = arith.constant 0 : i32
    %dma_wait3A_384 = arith.constant 0 : i32
    %dma_wait3A_385 = tpu.memref_slice %arg7[%dma_wait3A_383, %dma_wait3A_384] : memref<10000x16xf32, #tpu.memory_space<vmem_shared>> -> memref<10000x16xf32, #tpu.memory_space<vmem_shared>>
    %dma_wait3A_386 = tpu.memref_slice %arg14[%dma_wait3A_379] : memref<3x!tpu.dma_semaphore, #tpu.memory_space<semaphore_mem>> -> memref<1x!tpu.dma_semaphore, #tpu.memory_space<semaphore_mem>>
    %dma_wait3A_387 = tpu.memref_squeeze %dma_wait3A_386 : memref<1x!tpu.dma_semaphore, #tpu.memory_space<semaphore_mem>> -> memref<!tpu.dma_semaphore, #tpu.memory_space<semaphore_mem>>
    tpu.wait_indirect_dma semaphore(%dma_wait3A_387 : memref<!tpu.dma_semaphore, #tpu.memory_space<semaphore_mem>>) src(%arg10 : memref<80x16xf32, #tpu.memory_space<vmem>>) dst(%dma_wait3A_385 : memref<10000x16xf32, #tpu.memory_space<vmem_shared>>)
    %dma_wait3A_388 = arith.constant 0 : i32
    %dma_wait3A_389 = arith.constant 3 : i32
    %dma_wait3A_390 = arith.constant 1 : i32
    %dma_wait3A_391 = arith.constant 0 : i32
    %dma_wait3A_392 = arith.constant 0 : i32
    %dma_wait3A_393 = arith.constant 0 : i32
    %dma_wait3A_394 = tpu.memref_slice %arg9[%dma_wait3A_388, %dma_wait3A_392, %dma_wait3A_393] : memref<3x80x128xf32, #tpu.memory_space<vmem>> -> memref<1x80x128xf32, #tpu.memory_space<vmem>>
    %dma_wait3A_395 = tpu.memref_squeeze %dma_wait3A_394 : memref<1x80x128xf32, #tpu.memory_space<vmem>> -> memref<80x128xf32, #tpu.memory_space<vmem>>
    %dma_wait3A_396 = arith.constant 0 : i32
    %dma_wait3A_397 = tpu.memref_slice %arg8[%dma_wait3A_389, %dma_wait3A_390, %dma_wait3A_396] : memref<5x2x80xi32, #tpu.memory_space<vmem>> -> memref<1x1x80xi32, #tpu.memory_space<vmem>>
    %dma_wait3A_398 = tpu.memref_squeeze %dma_wait3A_397 : memref<1x1x80xi32, #tpu.memory_space<vmem>> -> memref<80xi32, #tpu.memory_space<vmem>>
    %dma_wait3A_399 = arith.constant 0 : i32
    %dma_wait3A_400 = arith.constant 0 : i32
    %dma_wait3A_401 = tpu.memref_slice %arg6[%dma_wait3A_399, %dma_wait3A_400] : memref<10000x128xf32, #tpu.memory_space<vmem_shared>> -> memref<10000x128xf32, #tpu.memory_space<vmem_shared>>
    %dma_wait3A_402 = tpu.memref_slice %arg13[%dma_wait3A_391] : memref<3x!tpu.dma_semaphore, #tpu.memory_space<semaphore_mem>> -> memref<1x!tpu.dma_semaphore, #tpu.memory_space<semaphore_mem>>
    %dma_wait3A_403 = tpu.memref_squeeze %dma_wait3A_402 : memref<1x!tpu.dma_semaphore, #tpu.memory_space<semaphore_mem>> -> memref<!tpu.dma_semaphore, #tpu.memory_space<semaphore_mem>>
    tpu.wait_indirect_dma semaphore(%dma_wait3A_403 : memref<!tpu.dma_semaphore, #tpu.memory_space<semaphore_mem>>) src(%dma_wait3A_395 : memref<80x128xf32, #tpu.memory_space<vmem>>) dst(%dma_wait3A_401 : memref<10000x128xf32, #tpu.memory_space<vmem_shared>>)
    %dma_wait3A_404 = arith.constant 3 : i32
    %dma_wait3A_405 = arith.constant 1 : i32
    %dma_wait3A_406 = arith.constant 0 : i32
    %dma_wait3A_407 = arith.constant 0 : i32
    %dma_wait3A_408 = tpu.memref_slice %arg8[%dma_wait3A_404, %dma_wait3A_405, %dma_wait3A_407] : memref<5x2x80xi32, #tpu.memory_space<vmem>> -> memref<1x1x80xi32, #tpu.memory_space<vmem>>
    %dma_wait3A_409 = tpu.memref_squeeze %dma_wait3A_408 : memref<1x1x80xi32, #tpu.memory_space<vmem>> -> memref<80xi32, #tpu.memory_space<vmem>>
    %dma_wait3A_410 = arith.constant 0 : i32
    %dma_wait3A_411 = arith.constant 0 : i32
    %dma_wait3A_412 = tpu.memref_slice %arg7[%dma_wait3A_410, %dma_wait3A_411] : memref<10000x16xf32, #tpu.memory_space<vmem_shared>> -> memref<10000x16xf32, #tpu.memory_space<vmem_shared>>
    %dma_wait3A_413 = tpu.memref_slice %arg14[%dma_wait3A_406] : memref<3x!tpu.dma_semaphore, #tpu.memory_space<semaphore_mem>> -> memref<1x!tpu.dma_semaphore, #tpu.memory_space<semaphore_mem>>
    %dma_wait3A_414 = tpu.memref_squeeze %dma_wait3A_413 : memref<1x!tpu.dma_semaphore, #tpu.memory_space<semaphore_mem>> -> memref<!tpu.dma_semaphore, #tpu.memory_space<semaphore_mem>>
    tpu.wait_indirect_dma semaphore(%dma_wait3A_414 : memref<!tpu.dma_semaphore, #tpu.memory_space<semaphore_mem>>) src(%arg10 : memref<80x16xf32, #tpu.memory_space<vmem>>) dst(%dma_wait3A_412 : memref<10000x16xf32, #tpu.memory_space<vmem_shared>>)
    %dma_wait3A_415 = arith.constant 1 : i32
    %dma_wait3A_416 = arith.constant 4 : i32
    %dma_wait3A_417 = arith.constant 1 : i32
    %dma_wait3A_418 = arith.constant 1 : i32
    %dma_wait3A_419 = arith.constant 0 : i32
    %dma_wait3A_420 = arith.constant 0 : i32
    %dma_wait3A_421 = tpu.memref_slice %arg9[%dma_wait3A_415, %dma_wait3A_419, %dma_wait3A_420] : memref<3x80x128xf32, #tpu.memory_space<vmem>> -> memref<1x80x128xf32, #tpu.memory_space<vmem>>
    %dma_wait3A_422 = tpu.memref_squeeze %dma_wait3A_421 : memref<1x80x128xf32, #tpu.memory_space<vmem>> -> memref<80x128xf32, #tpu.memory_space<vmem>>
    %dma_wait3A_423 = arith.constant 0 : i32
    %dma_wait3A_424 = tpu.memref_slice %arg8[%dma_wait3A_416, %dma_wait3A_417, %dma_wait3A_423] : memref<5x2x80xi32, #tpu.memory_space<vmem>> -> memref<1x1x80xi32, #tpu.memory_space<vmem>>
    %dma_wait3A_425 = tpu.memref_squeeze %dma_wait3A_424 : memref<1x1x80xi32, #tpu.memory_space<vmem>> -> memref<80xi32, #tpu.memory_space<vmem>>
    %dma_wait3A_426 = arith.constant 0 : i32
    %dma_wait3A_427 = arith.constant 0 : i32
    %dma_wait3A_428 = tpu.memref_slice %arg6[%dma_wait3A_426, %dma_wait3A_427] : memref<10000x128xf32, #tpu.memory_space<vmem_shared>> -> memref<10000x128xf32, #tpu.memory_space<vmem_shared>>
    %dma_wait3A_429 = tpu.memref_slice %arg13[%dma_wait3A_418] : memref<3x!tpu.dma_semaphore, #tpu.memory_space<semaphore_mem>> -> memref<1x!tpu.dma_semaphore, #tpu.memory_space<semaphore_mem>>
    %dma_wait3A_430 = tpu.memref_squeeze %dma_wait3A_429 : memref<1x!tpu.dma_semaphore, #tpu.memory_space<semaphore_mem>> -> memref<!tpu.dma_semaphore, #tpu.memory_space<semaphore_mem>>
    tpu.wait_indirect_dma semaphore(%dma_wait3A_430 : memref<!tpu.dma_semaphore, #tpu.memory_space<semaphore_mem>>) src(%dma_wait3A_422 : memref<80x128xf32, #tpu.memory_space<vmem>>) dst(%dma_wait3A_428 : memref<10000x128xf32, #tpu.memory_space<vmem_shared>>)
    %dma_wait3A_431 = arith.constant 4 : i32
    %dma_wait3A_432 = arith.constant 1 : i32
    %dma_wait3A_433 = arith.constant 1 : i32
    %dma_wait3A_434 = arith.constant 0 : i32
    %dma_wait3A_435 = tpu.memref_slice %arg8[%dma_wait3A_431, %dma_wait3A_432, %dma_wait3A_434] : memref<5x2x80xi32, #tpu.memory_space<vmem>> -> memref<1x1x80xi32, #tpu.memory_space<vmem>>
    %dma_wait3A_436 = tpu.memref_squeeze %dma_wait3A_435 : memref<1x1x80xi32, #tpu.memory_space<vmem>> -> memref<80xi32, #tpu.memory_space<vmem>>
    %dma_wait3A_437 = arith.constant 0 : i32
    %dma_wait3A_438 = arith.constant 0 : i32
    %dma_wait3A_439 = tpu.memref_slice %arg7[%dma_wait3A_437, %dma_wait3A_438] : memref<10000x16xf32, #tpu.memory_space<vmem_shared>> -> memref<10000x16xf32, #tpu.memory_space<vmem_shared>>
    %dma_wait3A_440 = tpu.memref_slice %arg14[%dma_wait3A_433] : memref<3x!tpu.dma_semaphore, #tpu.memory_space<semaphore_mem>> -> memref<1x!tpu.dma_semaphore, #tpu.memory_space<semaphore_mem>>
    %dma_wait3A_441 = tpu.memref_squeeze %dma_wait3A_440 : memref<1x!tpu.dma_semaphore, #tpu.memory_space<semaphore_mem>> -> memref<!tpu.dma_semaphore, #tpu.memory_space<semaphore_mem>>
    tpu.wait_indirect_dma semaphore(%dma_wait3A_441 : memref<!tpu.dma_semaphore, #tpu.memory_space<semaphore_mem>>) src(%arg10 : memref<80x16xf32, #tpu.memory_space<vmem>>) dst(%dma_wait3A_439 : memref<10000x16xf32, #tpu.memory_space<vmem_shared>>)
    %barrier3A_442 = arith.constant 0 : index
    tpu.barrier barrier_id(%barrier3A_442)
    "tpu.region"() ({
      %run_scoped3A_443 = tpu.sem_alloc : memref<!tpu.dma_semaphore, #tpu.memory_space<semaphore_mem>>
      %dma_start3A_444 = arith.constant 0 : i32
      %dma_start3A_445 = tpu.memref_slice %arg4[%arg0, %mul3A_256, %dma_start3A_444] : memref<2x10000x128xf32, #tpu.memory_space<hbm>> -> memref<1x625x128xf32, #tpu.memory_space<hbm>>
      %dma_start3A_446 = tpu.memref_squeeze %dma_start3A_445 : memref<1x625x128xf32, #tpu.memory_space<hbm>> -> memref<625x128xf32, #tpu.memory_space<hbm>>
      %dma_start3A_447 = arith.constant 0 : i32
      %dma_start3A_448 = tpu.memref_slice %arg6[%mul3A_256, %dma_start3A_447] : memref<10000x128xf32, #tpu.memory_space<vmem_shared>> -> memref<625x128xf32, #tpu.memory_space<vmem_shared>>
      tpu.enqueue_dma source(%dma_start3A_448 : memref<625x128xf32, #tpu.memory_space<vmem_shared>>) target(%dma_start3A_446 : memref<625x128xf32, #tpu.memory_space<hbm>>) target_semaphore(%run_scoped3A_443 : memref<!tpu.dma_semaphore, #tpu.memory_space<semaphore_mem>>)
      %dma_wait3A_449 = arith.constant 0 : i32
      %dma_wait3A_450 = tpu.memref_slice %arg4[%arg0, %mul3A_256, %dma_wait3A_449] : memref<2x10000x128xf32, #tpu.memory_space<hbm>> -> memref<1x625x128xf32, #tpu.memory_space<hbm>>
      %dma_wait3A_451 = tpu.memref_squeeze %dma_wait3A_450 : memref<1x625x128xf32, #tpu.memory_space<hbm>> -> memref<625x128xf32, #tpu.memory_space<hbm>>
      %dma_wait3A_452 = arith.constant 0 : i32
      %dma_wait3A_453 = tpu.memref_slice %arg6[%mul3A_256, %dma_wait3A_452] : memref<10000x128xf32, #tpu.memory_space<vmem_shared>> -> memref<625x128xf32, #tpu.memory_space<vmem_shared>>
      tpu.wait_dma2 semaphore(%run_scoped3A_443 : memref<!tpu.dma_semaphore, #tpu.memory_space<semaphore_mem>>) src(%dma_wait3A_453 : memref<625x128xf32, #tpu.memory_space<vmem_shared>>) dst(%dma_wait3A_451 : memref<625x128xf32, #tpu.memory_space<hbm>>)
      tpu.yield
    }) : () -> ()
    "tpu.region"() ({
      %run_scoped3A_443 = tpu.sem_alloc : memref<!tpu.dma_semaphore, #tpu.memory_space<semaphore_mem>>
      %dma_start3A_444 = arith.constant 0 : i32
      %dma_start3A_445 = tpu.memref_slice %arg5[%arg0, %mul3A_256, %dma_start3A_444] : memref<2x10000x16xf32, #tpu.memory_space<hbm>> -> memref<1x625x16xf32, #tpu.memory_space<hbm>>
      %dma_start3A_446 = tpu.memref_squeeze %dma_start3A_445 : memref<1x625x16xf32, #tpu.memory_space<hbm>> -> memref<625x16xf32, #tpu.memory_space<hbm>>
      %dma_start3A_447 = arith.constant 0 : i32
      %dma_start3A_448 = tpu.memref_slice %arg7[%mul3A_256, %dma_start3A_447] : memref<10000x16xf32, #tpu.memory_space<vmem_shared>> -> memref<625x16xf32, #tpu.memory_space<vmem_shared>>
      tpu.enqueue_dma source(%dma_start3A_448 : memref<625x16xf32, #tpu.memory_space<vmem_shared>>) target(%dma_start3A_446 : memref<625x16xf32, #tpu.memory_space<hbm>>) target_semaphore(%run_scoped3A_443 : memref<!tpu.dma_semaphore, #tpu.memory_space<semaphore_mem>>)
      %dma_wait3A_449 = arith.constant 0 : i32
      %dma_wait3A_450 = tpu.memref_slice %arg5[%arg0, %mul3A_256, %dma_wait3A_449] : memref<2x10000x16xf32, #tpu.memory_space<hbm>> -> memref<1x625x16xf32, #tpu.memory_space<hbm>>
      %dma_wait3A_451 = tpu.memref_squeeze %dma_wait3A_450 : memref<1x625x16xf32, #tpu.memory_space<hbm>> -> memref<625x16xf32, #tpu.memory_space<hbm>>
      %dma_wait3A_452 = arith.constant 0 : i32
      %dma_wait3A_453 = tpu.memref_slice %arg7[%mul3A_256, %dma_wait3A_452] : memref<10000x16xf32, #tpu.memory_space<vmem_shared>> -> memref<625x16xf32, #tpu.memory_space<vmem_shared>>
      tpu.wait_dma2 semaphore(%run_scoped3A_443 : memref<!tpu.dma_semaphore, #tpu.memory_space<semaphore_mem>>) src(%dma_wait3A_453 : memref<625x16xf32, #tpu.memory_space<vmem_shared>>) dst(%dma_wait3A_451 : memref<625x16xf32, #tpu.memory_space<hbm>>)
      tpu.yield
    }) : () -> ()
    return
  }
}

module attributes {stable_mosaic.version = 14 : i64} {
  func.func @_tc_dense_kernel(%arg0: i32, %arg1: memref<2x1000x128xf32, #tpu.memory_space<vmem>>, %arg2: memref<2x1000x16xf32, #tpu.memory_space<vmem>>, %arg3: memref<1000x128xf32, #tpu.memory_space<vmem>>, %arg4: memref<128x128xf32, #tpu.memory_space<vmem>>, %arg5: memref<128x128xf32, #tpu.memory_space<vmem>>, %arg6: memref<1x128xf32, #tpu.memory_space<vmem>>, %arg7: memref<1x128xf32, #tpu.memory_space<vmem>>, %arg8: memref<1x128xf32, #tpu.memory_space<vmem>>, %arg9: memref<1000x128xf32, #tpu.memory_space<vmem>>) attributes {dimension_semantics = [#tpu.dimension_semantics<arbitrary>], iteration_bounds = array<i64: 10>, scalar_prefetch = 0 : i64, scratch_operands = 0 : i64, tpu.core_type = #tpu.core_type<tc>, window_params = [{transform_indices = @transform_0, window_bounds = array<i64: 2, 1000, 128>}, {transform_indices = @transform_1, window_bounds = array<i64: 2, 1000, 16>}, {transform_indices = @transform_2, window_bounds = array<i64: 1000, 128>}, {pipeline_mode = #tpu.pipeline_mode<synchronous>, transform_indices = @transform_3, window_bounds = array<i64: 128, 128>}, {pipeline_mode = #tpu.pipeline_mode<synchronous>, transform_indices = @transform_4, window_bounds = array<i64: 128, 128>}, {pipeline_mode = #tpu.pipeline_mode<synchronous>, transform_indices = @transform_5, window_bounds = array<i64: 1, 128>}, {pipeline_mode = #tpu.pipeline_mode<synchronous>, transform_indices = @transform_6, window_bounds = array<i64: 1, 128>}, {pipeline_mode = #tpu.pipeline_mode<synchronous>, transform_indices = @transform_7, window_bounds = array<i64: 1, 128>}, {transform_indices = @transform_8, window_bounds = array<i64: 1000, 128>}]} {
    %get3A = arith.constant 0 : index
    %get3A_0 = arith.constant 0 : index
    %get3A_1 = arith.constant 0 : index
    %get3A_2 = vector.load %arg1[%get3A, %get3A_0, %get3A_1] : memref<2x1000x128xf32, #tpu.memory_space<vmem>>, vector<1x1000x128xf32>
    %get3A_3 = vector.shape_cast %get3A_2 : vector<1x1000x128xf32> to vector<1000x128xf32>
    %get3A_4 = arith.constant 1 : index
    %get3A_5 = arith.constant 0 : index
    %get3A_6 = arith.constant 0 : index
    %get3A_7 = vector.load %arg1[%get3A_4, %get3A_5, %get3A_6] : memref<2x1000x128xf32, #tpu.memory_space<vmem>>, vector<1x1000x128xf32>
    %get3A_8 = vector.shape_cast %get3A_7 : vector<1x1000x128xf32> to vector<1000x128xf32>
    %add3A = arith.addf %get3A_3, %get3A_8 : vector<1000x128xf32>
    %get3A_9 = arith.constant 0 : index
    %get3A_10 = arith.constant 0 : index
    %get3A_11 = arith.constant 0 : index
    %get3A_12 = vector.load %arg2[%get3A_9, %get3A_10, %get3A_11] : memref<2x1000x16xf32, #tpu.memory_space<vmem>>, vector<1x1000x16xf32>
    %get3A_13 = vector.shape_cast %get3A_12 : vector<1x1000x16xf32> to vector<1000x16xf32>
    %get3A_14 = arith.constant 1 : index
    %get3A_15 = arith.constant 0 : index
    %get3A_16 = arith.constant 0 : index
    %get3A_17 = vector.load %arg2[%get3A_14, %get3A_15, %get3A_16] : memref<2x1000x16xf32, #tpu.memory_space<vmem>>, vector<1x1000x16xf32>
    %get3A_18 = vector.shape_cast %get3A_17 : vector<1x1000x16xf32> to vector<1000x16xf32>
    %add3A_19 = arith.addf %get3A_13, %get3A_18 : vector<1000x16xf32>
    %slice3A = vector.extract_strided_slice %add3A_19 {offsets = [0, 0], sizes = [1000, 1], strides = [1, 1]} : vector<1000x16xf32> to vector<1000x1xf32>
    %max3A = arith.constant 1.000000e+00 : f32
    %max3A_20 = vector.broadcast %max3A : f32 to vector<1000x1xf32>
    %max3A_21 = arith.maximumf %slice3A, %max3A_20 : vector<1000x1xf32>
    %div3A = vector.broadcast %max3A_21 : vector<1000x1xf32> to vector<1000x128xf32>
    %div3A_22 = arith.divf %add3A, %div3A : vector<1000x128xf32>
    %get3A_23 = arith.constant 0 : index
    %get3A_24 = arith.constant 0 : index
    %get3A_25 = vector.load %arg3[%get3A_23, %get3A_24] : memref<1000x128xf32, #tpu.memory_space<vmem>>, vector<1000x128xf32>
    %get3A_26 = arith.constant 0 : index
    %get3A_27 = arith.constant 0 : index
    %get3A_28 = vector.load %arg4[%get3A_26, %get3A_27] : memref<128x128xf32, #tpu.memory_space<vmem>>, vector<128x128xf32>
    %dot_general3A = arith.constant dense<0.000000e+00> : vector<1000x128xf32>
    %dot_general3A_29 = tpu.matmul %div3A_22, %get3A_28, %dot_general3A {dimension_numbers = #tpu.dot_dimension_numbers<[1], [0], [0], [1], [0, 0, 1, 1], [], []>, transpose_lhs_hint = false} : vector<1000x128xf32>, vector<128x128xf32>, vector<1000x128xf32> -> vector<1000x128xf32>
    %get3A_30 = arith.constant 0 : index
    %get3A_31 = arith.constant 0 : index
    %get3A_32 = vector.load %arg5[%get3A_30, %get3A_31] : memref<128x128xf32, #tpu.memory_space<vmem>>, vector<128x128xf32>
    %dot_general3A_33 = arith.constant dense<0.000000e+00> : vector<1000x128xf32>
    %dot_general3A_34 = tpu.matmul %get3A_25, %get3A_32, %dot_general3A_33 {dimension_numbers = #tpu.dot_dimension_numbers<[1], [0], [0], [1], [0, 0, 1, 1], [], []>, transpose_lhs_hint = false} : vector<1000x128xf32>, vector<128x128xf32>, vector<1000x128xf32> -> vector<1000x128xf32>
    %add3A_35 = arith.addf %dot_general3A_29, %dot_general3A_34 : vector<1000x128xf32>
    %get3A_36 = arith.constant 0 : index
    %get3A_37 = arith.constant 0 : index
    %get3A_38 = vector.load %arg6[%get3A_36, %get3A_37] : memref<1x128xf32, #tpu.memory_space<vmem>>, vector<1x128xf32>
    %add3A_39 = vector.broadcast %get3A_38 : vector<1x128xf32> to vector<1000x128xf32>
    %add3A_40 = arith.addf %add3A_35, %add3A_39 : vector<1000x128xf32>
    %reduce_sum3A = arith.constant dense<0.000000e+00> : vector<1000xf32>
    %reduce_sum3A_41 = vector.multi_reduction <add>, %add3A_40, %reduce_sum3A [1] : vector<1000x128xf32> to vector<1000xf32>
    %broadcast_in_dim3A = vector.shape_cast %reduce_sum3A_41 : vector<1000xf32> to vector<1000x1xf32>
    %div3A_42 = arith.constant 1.280000e+02 : f32
    %div3A_43 = vector.broadcast %div3A_42 : f32 to vector<1000x1xf32>
    %div3A_44 = arith.divf %broadcast_in_dim3A, %div3A_43 : vector<1000x1xf32>
    %sub3A = vector.broadcast %div3A_44 : vector<1000x1xf32> to vector<1000x128xf32>
    %sub3A_45 = arith.subf %add3A_40, %sub3A : vector<1000x128xf32>
    %integer_pow3A = arith.mulf %sub3A_45, %sub3A_45 : vector<1000x128xf32>
    %reduce_sum3A_46 = arith.constant dense<0.000000e+00> : vector<1000xf32>
    %reduce_sum3A_47 = vector.multi_reduction <add>, %integer_pow3A, %reduce_sum3A_46 [1] : vector<1000x128xf32> to vector<1000xf32>
    %broadcast_in_dim3A_48 = vector.shape_cast %reduce_sum3A_47 : vector<1000xf32> to vector<1000x1xf32>
    %div3A_49 = arith.constant 1.280000e+02 : f32
    %div3A_50 = vector.broadcast %div3A_49 : f32 to vector<1000x1xf32>
    %div3A_51 = arith.divf %broadcast_in_dim3A_48, %div3A_50 : vector<1000x1xf32>
    %sub3A_52 = vector.broadcast %div3A_44 : vector<1000x1xf32> to vector<1000x128xf32>
    %sub3A_53 = arith.subf %add3A_40, %sub3A_52 : vector<1000x128xf32>
    %add3A_54 = arith.constant 9.99999974E-6 : f32
    %add3A_55 = vector.broadcast %add3A_54 : f32 to vector<1000x1xf32>
    %add3A_56 = arith.addf %div3A_51, %add3A_55 : vector<1000x1xf32>
    %sqrt3A = math.sqrt %add3A_56 : vector<1000x1xf32>
    %div3A_57 = vector.broadcast %sqrt3A : vector<1000x1xf32> to vector<1000x128xf32>
    %div3A_58 = arith.divf %sub3A_53, %div3A_57 : vector<1000x128xf32>
    %get3A_59 = arith.constant 0 : index
    %get3A_60 = arith.constant 0 : index
    %get3A_61 = vector.load %arg7[%get3A_59, %get3A_60] : memref<1x128xf32, #tpu.memory_space<vmem>>, vector<1x128xf32>
    %mul3A = vector.broadcast %get3A_61 : vector<1x128xf32> to vector<1000x128xf32>
    %mul3A_62 = arith.mulf %div3A_58, %mul3A : vector<1000x128xf32>
    %get3A_63 = arith.constant 0 : index
    %get3A_64 = arith.constant 0 : index
    %get3A_65 = vector.load %arg8[%get3A_63, %get3A_64] : memref<1x128xf32, #tpu.memory_space<vmem>>, vector<1x128xf32>
    %add3A_66 = vector.broadcast %get3A_65 : vector<1x128xf32> to vector<1000x128xf32>
    %add3A_67 = arith.addf %mul3A_62, %add3A_66 : vector<1000x128xf32>
    %max3A_68 = arith.constant 0.000000e+00 : f32
    %max3A_69 = vector.broadcast %max3A_68 : f32 to vector<1000x128xf32>
    %max3A_70 = arith.maximumf %add3A_67, %max3A_69 : vector<1000x128xf32>
    %add3A_71 = arith.addf %max3A_70, %get3A_25 : vector<1000x128xf32>
    %swap3A = arith.constant 0 : index
    %swap3A_72 = arith.constant 0 : index
    %swap3A_73 = vector.load %arg9[%swap3A, %swap3A_72] : memref<1000x128xf32, #tpu.memory_space<vmem>>, vector<1000x128xf32>
    tpu.vector_store %arg9[%swap3A, %swap3A_72], %add3A_71 {strides = array<i32>} : memref<1000x128xf32, #tpu.memory_space<vmem>>, vector<1000x128xf32>,
    return
  }
  func.func @transform_0(%arg0: i32) -> (i32, i32, i32) {
    %c0_i32 = arith.constant 0 : i32
    %c0_i32_0 = arith.constant 0 : i32
    %c0_i32_1 = arith.constant 0 : i32
    return %c0_i32, %arg0, %c0_i32_0 : i32, i32, i32
  }
  func.func @transform_1(%arg0: i32) -> (i32, i32, i32) {
    %c0_i32 = arith.constant 0 : i32
    %c0_i32_0 = arith.constant 0 : i32
    %c0_i32_1 = arith.constant 0 : i32
    return %c0_i32, %arg0, %c0_i32_0 : i32, i32, i32
  }
  func.func @transform_2(%arg0: i32) -> (i32, i32) {
    %c0_i32 = arith.constant 0 : i32
    %c0_i32_0 = arith.constant 0 : i32
    return %arg0, %c0_i32 : i32, i32
  }
  func.func @transform_3(%arg0: i32) -> (i32, i32) {
    %c0_i32 = arith.constant 0 : i32
    %c0_i32_0 = arith.constant 0 : i32
    %c0_i32_1 = arith.constant 0 : i32
    return %c0_i32, %c0_i32_0 : i32, i32
  }
  func.func @transform_4(%arg0: i32) -> (i32, i32) {
    %c0_i32 = arith.constant 0 : i32
    %c0_i32_0 = arith.constant 0 : i32
    %c0_i32_1 = arith.constant 0 : i32
    return %c0_i32, %c0_i32_0 : i32, i32
  }
  func.func @transform_5(%arg0: i32) -> (i32, i32) {
    %c0_i32 = arith.constant 0 : i32
    %c0_i32_0 = arith.constant 0 : i32
    %c0_i32_1 = arith.constant 0 : i32
    return %c0_i32, %c0_i32_0 : i32, i32
  }
  func.func @transform_6(%arg0: i32) -> (i32, i32) {
    %c0_i32 = arith.constant 0 : i32
    %c0_i32_0 = arith.constant 0 : i32
    %c0_i32_1 = arith.constant 0 : i32
    return %c0_i32, %c0_i32_0 : i32, i32
  }
  func.func @transform_7(%arg0: i32) -> (i32, i32) {
    %c0_i32 = arith.constant 0 : i32
    %c0_i32_0 = arith.constant 0 : i32
    %c0_i32_1 = arith.constant 0 : i32
    return %c0_i32, %c0_i32_0 : i32, i32
  }
  func.func @transform_8(%arg0: i32) -> (i32, i32) {
    %c0_i32 = arith.constant 0 : i32
    %c0_i32_0 = arith.constant 0 : i32
    return %arg0, %c0_i32 : i32, i32
  }
}

</mosaic_0001>

<sc_bundles>
// kernel: kernel.4.cloned.1.call-start
scs
__scs_entry_jumppad:
0x0: {  	(pc) =	sbr.rel $0x88, $3  }
0x1: {  	(tag) =	ssettag $0x0;
	lr =	simm.s32 $0x1  }
0x2: {  	[smem:$0x3F99] =	sst lr;
	_ =	strace $0xD0000000  }
0x3: {  	_ = 	snop  }
0x4: {  	_ = 	snop  }
0x5: {  	_ = 	snop  }
0x6: {  	_ = 	snop  }
0x7: {  	_ = 	snop  }
__scs_overlays_trampoline_lowered:
0x8: {  	[smem:$0x3FA8] =	sst s0  }
0x9: {  	[smem:$0x3FA9] =	sst s1  }
0xa: {  	[smem:$0x3FAA] =	sst s2  }
0xb: {  	[smem:$0x3FAB] =	sst s3  }
0xc: {  	[smem:$0x3FAC] =	sst s4  }
0xd: {  	[smem:$0x3FAD] =	sst s5  }
0xe: {  	[smem:$0x3FAE] =	sst s6  }
0xf: {  	[smem:$0x3FAF] =	sst s7  }
0x10: {  	[smem:$0x3FB0] =	sst s8  }
0x11: {  	[smem:$0x3FB1] =	sst s9;
	s0 =	simm.s32 @!p0 $0x0  }
0x12: {  	s1 =	sld [smem:$0x3F97];
	s0 =	simm.s32 @p0 $0x1  }
0x13: {  	[smem:$0x3FB2] =	sst s0;
	s0 =	simm.s32 @!p1 $0x0  }
0x14: {  	s2 =	sld [smem:$0x3F96];
	s0 =	simm.s32 @p1 $0x1  }
0x15: {  	[smem:$0x3FB3] =	sst s0;
	s0 =	simm.s32 @!p2 $0x0  }
0x16: {  	s3 =	sld [smem:$0x3FDB];
	s0 =	simm.s32 @p2 $0x1  }
0x17: {  	s4 =	simm.s32 $0x1BF5;
	[smem:$0x3FB5] =	sst s0  }
0x18: {  	s0 =	sld [smem:$0x3F98];
	_ =	swait.ge [sflag:s4], $0x0  }
0x19: {  	s7 =	sld [smem:$0x3F99]  }
0x1a: {  	s8 =	sadd.s32 $0xFFFFE003, lr  }
0x1b: {  	s9 =	sadd.s32 $0xFFFFFEF7, lr;
	s5 =	simm.s32 $0xFFFFFFFF;
	p2 =	slt.u32 s8, $0xFFFFF086  }
0x1c: {  	p1 =	slt.u32 s9, $0xF7A;
	s5 =	simm.s32 @!p2 $0x0  }
0x1d: {  	s5 =	simm.s32 @p1 $0x1;
	p0 =	seq.s32 s7, s2  }
0x1e: {  	s7 =	smul.u32 @!p0 $0xF7A, s2;
	p2 =	seq.s32 @!p0 s5, $0x0  }
0x1f: {  	s9 =	smul.u32 $0xF7A, s1;
	s8 =	simm.s32 @!p0 $0x1BF5;
	p2 =	por !p2, p0  }
0x20: {  	[sflag:s8] =	ssyncset.s32 @!p0 $0xFFFFF086;
	s6 =	sadd.s32 @!p0 s3, s7;
	s7 =	simm.s32 @!p0 $0x108  }
0x21: {  	s3 =	sadd.s32 s3, s9;
	s6 =	sadd.s32 @!p0 $0x88, s6;
	s7 =	simm.s32 @p2 $0x1082  }
0x22: {  	[simem:s7], [sflag:s8] =	dma.local @!p0 [hbm:s6], $0xF7A  }
0x23: {  	s9 =	sor.u32 $0xD0000000, s2;
	s6 =	simm.s32 $0x108;
	_ =	swait.ge @!p0 [sflag:s8], $0x0  }
0x24: {  	s3 =	sadd.s32 $0x88, s3;
	s6 =	simm.s32 @!p1 $0x1082;
	[sflag:s4] =	ssyncset.s32 $0xFFFFF086  }
0x25: {  	[simem:s6], [sflag:s4] =	dma.local [hbm:s3], $0xF7A  }
0x26: {  	[smem:$0x3F99] =	sst s1;
	(tag) =	ssettag s2;
	_ =	strace s9  }
0x27: {  	s1 =	sld [smem:$0x3FA9]  }
0x28: {  	s2 =	sld [smem:$0x3FAA]  }
0x29: {  	s4 =	sld [smem:$0x3FAC]  }
0x2a: {  	p0 =	seq.s32 s5, $0x0;
	s5 =	sld [smem:$0x3FAD]  }
0x2b: {  	s6 =	sld [smem:$0x3FAE]  }
0x2c: {  	s7 =	sld [smem:$0x3FAF]  }
0x2d: {  	s3 =	simm.s32 $0x108;
	s8 =	sld [smem:$0x3FB0]  }
0x2e: {  	s3 =	simm.s32 @!p0 $0x1082;
	s9 =	sld [smem:$0x3FB1]  }
0x2f: {  	lr =	sadd.s32 s0, s3;
	s0 =	sld [smem:$0x3FA8]  }
0x30: {  	s3 =	sld [smem:$0x3FAB]  }
0x31: {  	[smem:$0x3FB4] =	sst s10  }
0x32: {  	s10 =	sld [smem:$0x3FB2];
	_ =	sdelay $0x3  }
0x33: {  	p0 =	seq.s32 s10, $0x1;
	s10 =	sld [smem:$0x3FB4];
	_ =	sdelay $0x3  }
0x34: {  	[smem:$0x3FB4] =	sst s10  }
0x35: {  	s10 =	sld [smem:$0x3FB3];
	_ =	sdelay $0x3  }
0x36: {  	p1 =	seq.s32 s10, $0x1;
	s10 =	sld [smem:$0x3FB4];
	_ =	sdelay $0x3  }
0x37: {  	[smem:$0x3FB4] =	sst s10  }
0x38: {  	s10 =	sld [smem:$0x3FB5]  }
0x39: {  	_ = 	snop;
	(pc) =	sbr.ind lr, $3  }
0x3a: {  	_ = 	snop  }
0x3b: {  	_ = 	snop  }
0x3c: {  	p2 =	seq.s32 s10, $0x1;
	s10 =	sld [smem:$0x3FB4]  }
0x3d: {  	_ =	shalt  }
0x3e: {  	_ =	shalt  }
0x3f: {  	_ =	shalt  }
0x40: {  	_ =	shalt  }
0x41: {  	_ =	shalt  }
0x42: {  	_ =	shalt  }
0x43: {  	_ =	shalt  }
0x44: {  	_ =	shalt  }
0x45: {  	_ =	shalt  }
0x46: {  	_ =	shalt  }
0x47: {  	_ =	shalt  }
0x48: {  	_ =	shalt  }
0x49: {  	_ =	shalt  }
0x4a: {  	_ =	shalt  }
0x4b: {  	_ =	shalt  }
0x4c: {  	_ =	shalt  }
0x4d: {  	_ =	shalt  }
0x4e: {  	_ =	shalt  }
0x4f: {  	_ =	shalt  }
0x50: {  	_ =	shalt  }
0x51: {  	_ =	shalt  }
0x52: {  	_ =	shalt  }
0x53: {  	_ =	shalt  }
0x54: {  	_ =	shalt  }
0x55: {  	_ =	shalt  }
0x56: {  	_ =	shalt  }
0x57: {  	_ =	shalt  }
0x58: {  	_ =	shalt  }
0x59: {  	_ =	shalt  }
0x5a: {  	_ =	shalt  }
0x5b: {  	_ =	shalt  }
0x5c: {  	_ =	shalt  }
0x5d: {  	_ =	shalt  }
0x5e: {  	_ =	shalt  }
0x5f: {  	_ =	shalt  }
0x60: {  	_ =	shalt  }
0x61: {  	_ =	shalt  }
0x62: {  	_ =	shalt  }
0x63: {  	_ =	shalt  }
0x64: {  	_ =	shalt  }
0x65: {  	_ =	shalt  }
0x66: {  	_ =	shalt  }
0x67: {  	_ =	shalt  }
0x68: {  	_ =	shalt  }
0x69: {  	_ =	shalt  }
0x6a: {  	_ =	shalt  }
0x6b: {  	_ =	shalt  }
0x6c: {  	_ =	shalt  }
0x6d: {  	_ =	shalt  }
0x6e: {  	_ =	shalt  }
0x6f: {  	_ =	shalt  }
0x70: {  	_ =	shalt  }
0x71: {  	_ =	shalt  }
0x72: {  	_ =	shalt  }
0x73: {  	_ =	shalt  }
0x74: {  	_ =	shalt  }
0x75: {  	_ =	shalt  }
0x76: {  	_ =	shalt  }
0x77: {  	_ =	shalt  }
0x78: {  	_ =	shalt  }
0x79: {  	_ =	shalt  }
0x7a: {  	_ =	shalt  }
0x7b: {  	_ =	shalt  }
0x7c: {  	_ =	shalt  }
0x7d: {  	_ =	shalt  }
0x7e: {  	_ =	shalt  }
0x7f: {  	_ =	shalt  }
0x80: {  	_ =	shalt  }
0x81: {  	_ =	shalt  }
0x82: {  	_ =	shalt  }
0x83: {  	_ =	shalt  }
0x84: {  	_ =	shalt  }
0x85: {  	_ =	shalt  }
0x86: {  	_ =	shalt  }
0x87: {  	_ =	shalt  }
.Lfunc_end0:
.L_simem_size_0:
called_computation_lowered:
.L_overlay_start_0:
0x88: {  	s2 =	sld [smem:$0x3FD9]  }
0x89: {  	s3 =	sld [smem:$0x3FFE];
	_ =	sdelay $0x1  }
0x8a: {  	s1 =	srdreg.scid  }
0x8b: {  	s0 =	sand.u32 $0x1, s1  }
0x8c: {  	s17 =	sshll.u32 s0, $0xA;
	s2 =	sadd.s32 s3, s2  }
0x8d: {  	s2 =	sadd.s32 s2, s17  }
0x8e: {  	[smem:$0x3FC0] =	sst s2  }
0x8f: {  	_ = 	snop  }
0x90: {  	s2 =	sld [smem:$0x3FC9]  }
0x91: {  	s18 =	sld [smem:$0x3FD0];
	(tm) =	ssettm $0x1  }
0x92: {  	s4 =	sld [smem:$0x3FFB];
	_ =	sdelay $0x3  }
0x93: {  	_ =	strace s4  }
0x94: {  	s4 =	sld [smem:$0x3FFC];
	_ =	sdelay $0x3  }
0x95: {  	_ =	strace s4  }
0x96: {  	s4 =	sld [smem:$0x3FFD];
	_ =	sdelay $0x3  }
0x97: {  	_ =	strace s4  }
0x98: {  	_ =	strace $0x8FFFFFFF  }
0x99: {  	s19 =	sld [smem:$0x3FDB];
	_ =	sdelay $0x1  }
0x9a: {  	s5 =	simm.s32 $_scs_section_size  }
0x9b: {  	s6 =	simm.s32 $_size__tile_overlayer_lowered;
	s7 =	simm.s32 $_tile_overlayer_lowered  }
0x9c: {  	s22 =	simm.s32 $0x1BFF;
	s21 =	sshll.u32 s7, $0x1;
	s4 =	sadd.s32 s5, s19  }
0x9d: {  	s8 =	simm.s32 $0x0;
	s20 =	sshll.u32 s6, $0x1;
	s6 =	sadd.s32 s21, s4  }
0x9e: {  	[timem:s8], [sflag:s22] =	dma.local [hbm:s6], s20  }
0x9f: {  	_ =	swait.ge [sflag:s22], s20  }
0xa0: {  	s5 =	ssub.s32 $0x0, s20;
	[sflag:s22] =	ssyncset.done $0x0  }
0xa1: {  	[sflag:s22] =	ssyncadd.s32 s5;
	_ =	sdelay $0x1  }
0xa2: {  	s23 =	simm.s32 $0x1B8B  }
0xa3: {  	_ =	swait.ge [sflag:s23], $0x1  }
0xa4: {  	[sflag:s23] =	ssyncset.done $0x0  }
0xa5: {  	s25 =	simm.s32 $0x1B8E;
	s24 =	sld [smem:$0x3FFE];
	[sflag:s23] =	ssyncadd.s32 $0xFFFFFFFF  }
0xa6: {  	s26 =	simm.s32 $execute0_lowered;
	[smem:$0x3FD2] =	sst s25  }
0xa7: {  	s6 =	sshll.u32 s26, $0x1;
	_ =	strace $0x80000046;
	[dreg:$0x1] =	wrdreg $0xFFFFFFFF  }
0xa8: {  	s28 =	simm.s32 $_size_execute0_lowered;
	s4 =	sadd.s32 s4, s6;
	[dreg:$0x0] =	wrdreg $0x0  }
0xa9: {  	s6 =	sshll.u32 s28, $0x1;
	[dreg:$0x2] =	wrdreg s4  }
0xaa: {  	[dreg:$0x3] =	wrdreg s6  }
0xab: {  	[dreg:$0x4] =	wrdreg $0xC0  }
0xac: {  	_ =	task [dreg:s8], $0x5FFFF  }
0xad: {  	[dreg:$0x1] =	wrdreg $0xFFFFFFFF  }
0xae: {  	[dreg:$0x0] =	wrdreg $0x60  }
0xaf: {  	[dreg:$0x2] =	wrdreg s2  }
0xb0: {  	[dreg:$0x3] =	wrdreg s18  }
0xb1: {  	[dreg:$0x4] =	wrdreg s24  }
0xb2: {  	[dreg:$0x5] =	wrdreg $0x0  }
0xb3: {  	[dreg:$0x6] =	wrdreg $0x138800  }
0xb4: {  	[dreg:$0x7] =	wrdreg $0x9  }
0xb5: {  	_ =	task.clear_ibuf [dreg:s8], $0x8FFFF;
	_ =	strace $0x90000046  }
0xb6: {  	s29 =	simm.s32 $0x9;
	_ =	strace $0x80000048  }
0xb7: {  	_ =	swait.ge [sflag:s29], $0x1  }
0xb8: {  	[sflag:s29] =	ssyncadd.s32 $0xFFFFFFFF  }
0xb9: {  	_ =	strace $0x90000048  }
0xba: {  	_ =	sfence  }
0xbb: {  	s30 =	sld [smem:$0x0];
	_ =	sdelay $0x2  }
0xbc: {  	s31 =	sshll.u32 s1, $0xD;
	s1 =	sshrl.u32 s1, $0x2  }
0xbd: {  	s3 =	sand.u32 $0x4000, s31;
	s1 =	sadd.s32 s1, s30  }
0xbe: {  	s0 =	sor.u32 s3, s0;
	s1 =	sshll.u32 s1, $0x11  }
0xbf: {  	s0 =	sor.u32 s1, s0  }
0xc0: {  	s0 =	sadd.s32 $0x8F2B, s0  }
0xc1: {  	[sflag:s0] =	ssyncadd.remote.s32 $0x1  }
0xc2: {  	_ =	sfence.sel $0xFFFF  }
0xc3: {  	[dreg:$0x0] =	wrdreg $0xFFFFFFFF;
	(pc) =	sbr.abs _section_cstart, $3  }
0xc4: {  	[dreg:$0x1] =	wrdreg $0xFFFFFFFF  }
0xc5: {  	_ =	task.clear_ibuf [dreg:s8], $0x2FFFF;
	_ =	strace $0x9FFFFFFF  }
0xc6: {  	(tm) =	ssettm $0x7FFFFFFF  }
0xc7: {  	_ =	shalt  }
tec
execute0_lowered:
.L_overlay_start_1:
0x0: {  	(tag) =	ssettag $0x1  }
0x1: {  	s0 =	rddreg [dreg:$0x0]  }
0x2: {  	s1 =	rddreg [dreg:$0x1];
	s14 =	stileid.u32  }
0x3: {  	s6 =	rddreg [dreg:$0x2];
	s8 =	smul.u32 $0x13880, s14  }
0x4: {  	s2 =	srdreg.scid;
	s10 =	smul.u32 $0x2710, s14  }
0x5: {  	s3 =	rddreg [dreg:$0x3];
	s23 =	smul.u32 $0x4E200, s14  }
0x6: {  	s4 =	rddreg [dreg:$0x4];
	s5 =	simm.s32 $0x0;
	s24 =	smul.u32 $0x9C40, s14  }
0x7: {  	s29 =	simm.s32 $0x1;
	s7 =	sand.u32 $0x1, s2;
	s28 =	smul.u32 $0x9C4, s14  }
0x8: {  	s30 =	simm.s32 $0x1DAB0;
	s31 =	simm.s32 $0x2;
	s2 =	smul.u32 $0x138800, s7  }
0x9: {  	[smem:$0x7FF] =	sst s5;
	s11 =	sshll.u32 s14, $0x1;
	s9 =	smul.u32 $0x27100, s7  }
0xa: {  	_ =	strace $0x80000047;
	s11 =	sor.u32 s7, s11;
	s13 =	ssub.s32 $0x2, s7  }
0xb: {  	s17 =	smul.u32 $0x2710, s11;
	s19 =	sshrl.u32 s13, $0x1;
	s2 =	sadd.s32 s8, s2  }
0xc: {  	s16 =	sadd.s32 s10, s9;
	s11 =	ssub.s32 s13, s19;
	s8 =	sadd.s32 s8, s3  }
0xd: {  	s12 =	sshrl.u32 s2, $0x3;
	s18 =	sshrl.u32 s16, $0x3;
	s2 =	smul.u32 $0x271, s14  }
0xe: {  	s9 =	sshrl.u32 s17, $0x3;
	s11 =	smax.u32 s11, $0x1;
	s16 =	smul.u32 $0x4E20, s14  }
0xf: {  	s12 =	sadd.s32 s12, s6;
	s6 =	sadd.s32 s18, s6;
	s18 =	smul.u32 $0x2710, s7  }
0x10: {  	s15 =	sadd.s32 s1, s9;
	[dreg:$0xb] =	wrdreg s11;
	s7 =	smul.u32 $0x4E2, s7  }
0x11: {  	s20 =	sadd.s32 $0x230, s2;
	s12 =	sadd.s32 $0xBC00, s12;
	s6 =	sadd.s32 $0x1E00, s6  }
0x12: {  	s25 =	sadd.s32 $0x50, s2;
	s17 =	sadd.s32 $0xA0, s2;
	[dreg:$0x6] =	wrdreg s15  }
0x13: {  	s21 =	sshll.u32 s20, $0x7;
	s13 =	sshll.u32 s20, $0x4;
	[dreg:$0x9] =	wrdreg s12  }
0x14: {  	[dreg:$0xa] =	wrdreg s6;
	s6 =	sadd.s32 s10, s4;
	s10 =	sshrl.u32 s24, $0x2  }
0x15: {  	s26 =	sshll.u32 s25, $0x7;
	s19 =	sshll.u32 s17, $0x7;
	s9 =	sadd.s32 s21, s3  }
0x16: {  	s20 =	sadd.s32 s28, s1;
	s22 =	sadd.s32 s13, s4;
	[dreg:$0x7] =	wrdreg s9  }
0x17: {  	s11 =	sshll.u32 s17, $0x4;
	s10 =	sadd.s32 s10, s4;
	[dreg:$0x8] =	wrdreg s22  }
0x18: {  	s13 =	sadd.s32 s26, s3;
	s17 =	sadd.s32 s7, s20;
	[dreg:$0xd] =	wrdreg s10  }
0x19: {  	s26 =	sadd.s32 s11, s4;
	s9 =	sshrl.u32 s23, $0x2;
	[dreg:$0xe] =	wrdreg s13  }
0x1a: {  	s10 =	sadd.s32 s18, s16;
	[dreg:$0x12] =	wrdreg s26;
	s16 =	sshrl.u32 s8, $0x3  }
0x1b: {  	s18 =	sshrl.u32 s6, $0x3;
	s26 =	sadd.s32 $0x1E, s15;
	[dreg:$0x1b] =	wrdreg s16  }
0x1c: {  	s8 =	simm.s32 $0x8;
	s9 =	sadd.s32 s9, s3;
	[dreg:$0x1c] =	wrdreg s18  }
0x1d: {  	s21 =	sadd.s32 $0x4E3E0, s10;
	s22 =	sadd.s32 $0x4E390, s10;
	[smem:$0x7FC] =	sst s26  }
0x1e: {  	s10 =	sadd.s32 $0x4E340, s10;
	s16 =	simm.s32 $0x1DFB0;
	[dreg:$0xc] =	wrdreg s9  }
0x1f: {  	s9 =	sshll.u32 s25, $0x4;
	s7 =	sshrl.u32 s21, $0x3;
	s23 =	sshrl.u32 s22, $0x3  }
0x20: {  	s24 =	sshrl.u32 s10, $0x3;
	s25 =	sadd.s32 $0xF0, s2;
	s10 =	sadd.s32 $0x190, s2  }
0x21: {  	s21 =	sadd.s32 $0x9C40, s15;
	s22 =	sadd.s32 $0xA, s15;
	s9 =	sadd.s32 s9, s4  }
0x22: {  	s7 =	sadd.s32 s7, s1;
	s20 =	sadd.s32 s24, s1;
	[dreg:$0x1d] =	wrdreg s21  }
0x23: {  	s28 =	sshll.u32 s25, $0x7;
	s11 =	sshll.u32 s10, $0x7;
	[dreg:$0x1e] =	wrdreg s22  }
0x24: {  	s12 =	sshll.u32 s10, $0x4;
	s24 =	sadd.s32 $0x14, s15;
	[dreg:$0xf] =	wrdreg s9  }
0x25: {  	s21 =	simm.s32 $0x50;
	s22 =	simm.s32 $0x162B0;
	[dreg:$0x11] =	wrdreg s7  }
0x26: {  	s9 =	sadd.s32 s19, s3;
	s19 =	sadd.s32 s23, s1;
	[smem:$0x7FA] =	sst s24  }
0x27: {  	s1 =	sshll.u32 s25, $0x4;
	s7 =	sadd.s32 s28, s3;
	[dreg:$0x10] =	wrdreg s9  }
0x28: {  	s23 =	sadd.s32 $0x9C4A, s15;
	s25 =	sadd.s32 $0x9C54, s15;
	[dreg:$0x13] =	wrdreg s7  }
0x29: {  	s28 =	sadd.s32 $0x9C5E, s15;
	s24 =	simm.s32 $0x18AB0;
	[dreg:$0x1f] =	wrdreg s23  }
0x2a: {  	s15 =	simm.s32 $0xF;
	s1 =	sadd.s32 s1, s4;
	[smem:$0x7FB] =	sst s25  }
0x2b: {  	s7 =	sadd.s32 $0x140, s2;
	s2 =	sadd.s32 $0x1E0, s2;
	[smem:$0x7FD] =	sst s28  }
0x2c: {  	s25 =	simm.s32 $0x1B2B0;
	[dreg:$0x14] =	wrdreg s1;
	s9 =	sshll.u32 s7, $0x7  }
0x2d: {  	s1 =	sshll.u32 s7, $0x4;
	s13 =	sshll.u32 s2, $0x7;
	s2 =	sshll.u32 s2, $0x4  }
0x2e: {  	s7 =	sadd.s32 s9, s3;
	s1 =	sadd.s32 s1, s4;
	s14 =	sadd.s32 s2, s4  }
0x2f: {  	s2 =	simm.s32 $0x4;
	s9 =	simm.s32 $0x0;
	[dreg:$0x15] =	wrdreg s7  }
.Ltmp0:
0x30: {  	[dreg:$0x16] =	wrdreg s1;
	s1 =	sadd.s32 s11, s3;
	(pc) =	sbr.rel .LBB2_1-.Ltmp0, $4  }
0x31: {  	[dreg:$0x1a] =	wrdreg s14;
	s11 =	simm.s32 $0x15F90;
	s14 =	simm.s32 $0x16030  }
0x32: {  	s7 =	simm.s32 $0x3;
	[dreg:$0x17] =	wrdreg s1;
	s1 =	sadd.s32 s12, s4  }
0x33: {  	s12 =	simm.s32 $0x161C0;
	[dreg:$0x18] =	wrdreg s1;
	s1 =	sadd.s32 s13, s3  }
0x34: {  	v0 =	vimm.f32 $0.0e+00;
	v1 =	vimm.f32 $1.000000000e+00;
	s13 =	simm.s32 $0x5;
	[dreg:$0x19] =	wrdreg s1;
	s1 =	simm.s32 $0x7  }
.LBB2_6:
0x35: {  	_ =	swait.ge [sflag:s29], $0x2800  }
0x36: {  	[sflag:s29] =	ssyncset.done $0x0  }
0x37: {  	s12 =	simm.s32 $0x161C0;
	[sflag:s29] =	ssyncadd.s32 $0xFFFFD800  }
0x38: {  	[spmem:s3] =	stream.indirect.scatter.add.f32 [tilespmem:s22], [sflag:$0x4], $0x80, s12, s21, $0xb8;
	[tilespmem:$0x1E4B0] =	vst v63  }
0x39: {  	_ = 	snop  }
0x3a: {  	[spmem:s4] =	stream.indirect.scatter.add.f32 [tilespmem:s30], [sflag:$0x7], $0x10, s12, s21, $0xb8;
	[tilespmem:$0x1E4B0] =	vst v63  }
0x3b: {  	_ =	swait.ge [sflag:s31], $0x2800  }
0x3c: {  	[sflag:s31] =	ssyncset.done $0x0  }
0x3d: {  	s6 =	simm.s32 $0x16260;
	[sflag:s31] =	ssyncadd.s32 $0xFFFFD800  }
0x3e: {  	[spmem:s3] =	stream.indirect.scatter.add.f32 [tilespmem:s24], [sflag:$0x5], $0x80, s6, s21, $0xb8;
	[tilespmem:$0x1E4B0] =	vst v63  }
0x3f: {  	s14 =	simm.s32 $0x6  }
0x40: {  	[spmem:s4] =	stream.indirect.scatter.add.f32 [tilespmem:s30], [sflag:$0x8], $0x10, s6, s21, $0xb8;
	[tilespmem:$0x1E4B0] =	vst v63  }
0x41: {  	_ =	swait.ge [sflag:s14], $0x2800  }
0x42: {  	[sflag:s14] =	ssyncset.done $0x0  }
0x43: {  	s15 =	simm.s32 $0x9;
	[sflag:s14] =	ssyncadd.s32 $0xFFFFD800  }
0x44: {  	_ =	swait.ge [sflag:s15], $0x500  }
0x45: {  	[sflag:s15] =	ssyncset.done $0x0  }
0x46: {  	[sflag:s15] =	ssyncadd.s32 $0xFFFFFB00  }
0x47: {  	_ =	swait.ge [sflag:s2], $0x2800  }
0x48: {  	[sflag:s2] =	ssyncset.done $0x0  }
0x49: {  	[sflag:s2] =	ssyncadd.s32 $0xFFFFD800  }
0x4a: {  	_ =	swait.ge [sflag:s1], $0x500  }
0x4b: {  	[sflag:s1] =	ssyncset.done $0x0  }
0x4c: {  	[sflag:s1] =	ssyncadd.s32 $0xFFFFFB00  }
0x4d: {  	_ =	swait.ge [sflag:s13], $0x2800  }
0x4e: {  	[sflag:s13] =	ssyncset.done $0x0  }
0x4f: {  	[sflag:s13] =	ssyncadd.s32 $0xFFFFD800  }
0x50: {  	_ =	swait.ge [sflag:s8], $0x500  }
0x51: {  	[sflag:s8] =	ssyncset.done $0x0  }
0x52: {  	[sflag:s8] =	ssyncadd.s32 $0xFFFFFB00  }
0x53: {  	s16 =	stileid.u32;
	[bflag:$0x0] =	sbarrier.arrive $0xFFFF  }
0x54: {  	s6 =	sshll.u32 s16, $0x6;
	s9 =	rddreg [dreg:$0x9]  }
0x55: {  	s6 =	sor.u32 $0x1C0F, s6;
	s15 =	simm.s32 $0xF;
	s10 =	rddreg [dreg:$0x1b]  }
0x56: {  	[hbm:s9], [sflag:s6] =	dma.local [spmem:s10], $0x2710  }
0x57: {  	_ =	swait.ge [sflag:s15], $0x2710  }
0x58: {  	[sflag:s15] =	ssyncset.done $0x0;
	s18 =	rddreg [dreg:$0xa]  }
0x59: {  	s23 =	rddreg [dreg:$0x1c];
	[sflag:s15] =	ssyncadd.s32 $0xFFFFD8F0  }
0x5a: {  	[hbm:s18], [sflag:s6] =	dma.local [spmem:s23], $0x4E2  }
0x5b: {  	_ =	swait.ge [sflag:s15], $0x4E2  }
0x5c: {  	s26 =	sld [smem:$0x7F9];
	_ =	sdelay $0x2  }
0x5d: {  	s28 =	rddreg [dreg:$0xb];
	s9 =	sadd.s32 $0x1, s26  }
0x5e: {  	p0 =	sne.s32 s9, s28  }
.Ltmp1:
0x5f: {  	_ = 	snop;
	(pc) =	sbr.rel @!p0 .LBB2_7-.Ltmp1, $3  }
0x60: {  	_ =	sdelay $0x1  }
0x61: {  	s11 =	simm.s32 $0x15F90;
	[sflag:s15] =	ssyncset.done $0x0  }
0x62: {  	s16 =	simm.s32 $0x1DFB0;
	s14 =	simm.s32 $0x16030;
	[sflag:s15] =	ssyncadd.s32 $0xFFFFFB1E  }
.LBB2_1:
0x63: {  	[smem:$0x7F9] =	sst s9  }
0x64: {  	s6 =	rddreg [dreg:$0x6]  }
0x65: {  	s26 =	rddreg [dreg:$0x1d]  }
0x66: {  	[tilespmem:s11], [sflag:$0xA] =	stream.linear.gather [hbm4b:s6+s5], $0x50, $0x38;
	[tilespmem:$0x1E4B0] =	vst v63  }
0x67: {  	s28 =	simm.s32 $0x15FE0;
	s10 =	rddreg [dreg:$0x1e]  }
0x68: {  	[tilespmem:s28], [sflag:$0xA] =	stream.linear.gather [hbm4b:s26+s5], $0x50, $0x38;
	[tilespmem:$0x1E4B0] =	vst v63  }
0x69: {  	s18 =	rddreg [dreg:$0x1f]  }
0x6a: {  	[tilespmem:s14], [sflag:$0xB] =	stream.linear.gather [hbm4b:s10+s5], $0x50, $0x38;
	[tilespmem:$0x1E4B0] =	vst v63  }
0x6b: {  	s23 =	simm.s32 $0x16080;
	s26 =	sld [smem:$0x7FA]  }
0x6c: {  	[tilespmem:s23], [sflag:$0xB] =	stream.linear.gather [hbm4b:s18+s5], $0x50, $0x38;
	[tilespmem:$0x1E4B0] =	vst v63  }
0x6d: {  	s9 =	sld [smem:$0x7FB];
	s28 =	simm.s32 $0x160D0  }
0x6e: {  	[tilespmem:s28], [sflag:$0xC] =	stream.linear.gather [hbm4b:s26+s5], $0x50, $0x38;
	[tilespmem:$0x1E4B0] =	vst v63  }
0x6f: {  	s10 =	simm.s32 $0x16120;
	s18 =	sld [smem:$0x7FC]  }
0x70: {  	[tilespmem:s10], [sflag:$0xC] =	stream.linear.gather [hbm4b:s9+s5], $0x50, $0x38;
	[tilespmem:$0x1E4B0] =	vst v63  }
0x71: {  	s23 =	simm.s32 $0x16170;
	s26 =	sld [smem:$0x7FD]  }
0x72: {  	[tilespmem:s23], [sflag:$0xD] =	stream.linear.gather [hbm4b:s18+s5], $0x50, $0x38;
	[tilespmem:$0x1E4B0] =	vst v63  }
0x73: {  	s28 =	simm.s32 $0x0  }
0x74: {  	[tilespmem:s12], [sflag:$0xD] =	stream.linear.gather [hbm4b:s26+s5], $0x50, $0x38;
	[tilespmem:$0x1E4B0] =	vst v63  }
0x75: {  	[tilespmem:s28+$0x1B2C0] =	vst v0  }
0x76: {  	[tilespmem:s28+$0x1B2D0] =	vst v0  }
0x77: {  	[tilespmem:s28+$0x1B2E0] =	vst v0  }
0x78: {  	[tilespmem:s28+$0x1B2F0] =	vst v0  }
0x79: {  	[tilespmem:s28+$0x1B300] =	vst v0  }
0x7a: {  	[tilespmem:s28+$0x1B310] =	vst v0  }
0x7b: {  	[tilespmem:s28+$0x1B320] =	vst v0  }
0x7c: {  	[tilespmem:s28+$0x1B2B0] =	vst v0  }
0x7d: {  	s6 =	simm.s32 $0x1DAB0;
	s9 =	simm.s32 $0x200;
	s10 =	simm.s32 $0x1DFB0;
	[tilespmem:s16+$0x0] =	vst v0  }
.LBB2_2:
0x7e: {  	s12 =	sshra.s32 s9, $0x2;
	p0 =	sne.s32 s9, $0x9E00;
	[tilespmem:s6+$0x0] =	vst v1  }
0x7f: {  	[tilespmem:s12+$0x1B2C0] =	vst v0  }
0x80: {  	[tilespmem:s12+$0x1B2D0] =	vst v0  }
0x81: {  	[tilespmem:s12+$0x1B2E0] =	vst v0  }
0x82: {  	[tilespmem:s12+$0x1B2F0] =	vst v0  }
.Ltmp2:
0x83: {  	[tilespmem:s12+$0x1B300] =	vst v0;
	(pc) =	sbr.rel @p0 .LBB2_2-.Ltmp2, $4  }
0x84: {  	[tilespmem:s12+$0x1B310] =	vst v0  }
0x85: {  	[tilespmem:s12+$0x1B320] =	vst v0  }
0x86: {  	s10 =	sadd.s32 $0x10, s10;
	[tilespmem:s12+$0x1B2B0] =	vst v0  }
0x87: {  	s9 =	sadd.s32 $0x200, s9;
	s6 =	sadd.s32 $0x10, s6;
	[tilespmem:s10+$0x0] =	vst v0  }
0x88: {  	[tilespmem:s6+$0x0] =	vst v1;
	s9 =	simm.s32 $0xA  }
0x89: {  	_ =	swait.ge [sflag:s9], $0x50  }
0x8a: {  	[sflag:s9] =	ssyncset.done $0x0  }
0x8b: {  	[sflag:s9] =	ssyncadd.s32 $0xFFFFFFB0  }
0x8c: {  	_ =	swait.ge [sflag:s9], $0x50  }
0x8d: {  	[sflag:s9] =	ssyncset.done $0x0  }
0x8e: {  	s10 =	simm.s32 $0xB;
	[sflag:s9] =	ssyncadd.s32 $0xFFFFFFB0  }
0x8f: {  	[tilespmem:s22], [sflag:$0x1] =	stream.indirect.gather [hbm4b:s0+s21], $0x80, s11, s21, $0xb8;
	[tilespmem:$0x1E4B0] =	vst v63  }
0x90: {  	_ =	swait.ge [sflag:s10], $0x50  }
0x91: {  	[sflag:s10] =	ssyncset.done $0x0  }
0x92: {  	[sflag:s10] =	ssyncadd.s32 $0xFFFFFFB0  }
0x93: {  	_ =	swait.ge [sflag:s10], $0x50  }
0x94: {  	[sflag:s10] =	ssyncset.done $0x0  }
0x95: {  	[sflag:s10] =	ssyncadd.s32 $0xFFFFFFB0  }
0x96: {  	[tilespmem:s24], [sflag:$0x2] =	stream.indirect.gather [hbm4b:s0+s21], $0x80, s14, s21, $0xb8;
	[tilespmem:$0x1E4B0] =	vst v63  }
0x97: {  	s11 =	rddreg [dreg:$0xc]  }
0x98: {  	[spmem:s11] =	stream.linear.scatter [tilespmem:s25], [sflag:$0xF], $0x2800, $0x38;
	[tilespmem:$0x1E4B0] =	vst v63  }
0x99: {  	_ =	swait.ge [sflag:s15], $0x2800  }
0x9a: {  	[sflag:s15] =	ssyncset.done $0x0  }
0x9b: {  	s12 =	rddreg [dreg:$0xd];
	[sflag:s15] =	ssyncadd.s32 $0xFFFFD800  }
0x9c: {  	[spmem:s12] =	stream.linear.scatter [tilespmem:s16], [sflag:$0xF], $0x500, $0x38;
	[tilespmem:$0x1E4B0] =	vst v63  }
0x9d: {  	_ =	swait.ge [sflag:s15], $0x500  }
0x9e: {  	[sflag:s15] =	ssyncset.done $0x0  }
0x9f: {  	s14 =	rddreg [dreg:$0xe];
	[sflag:s15] =	ssyncadd.s32 $0xFFFFFB00  }
0xa0: {  	[spmem:s14] =	stream.linear.scatter [tilespmem:s25], [sflag:$0xF], $0x2800, $0x38;
	[tilespmem:$0x1E4B0] =	vst v63  }
0xa1: {  	_ =	swait.ge [sflag:s15], $0x2800  }
0xa2: {  	[sflag:s15] =	ssyncset.done $0x0  }
0xa3: {  	s18 =	rddreg [dreg:$0xf];
	[sflag:s15] =	ssyncadd.s32 $0xFFFFD800  }
0xa4: {  	[spmem:s18] =	stream.linear.scatter [tilespmem:s16], [sflag:$0xF], $0x500, $0x38;
	[tilespmem:$0x1E4B0] =	vst v63  }
0xa5: {  	_ =	swait.ge [sflag:s15], $0x500  }
0xa6: {  	[sflag:s15] =	ssyncset.done $0x0  }
0xa7: {  	s23 =	rddreg [dreg:$0x10];
	[sflag:s15] =	ssyncadd.s32 $0xFFFFFB00  }
0xa8: {  	[spmem:s23] =	stream.linear.scatter [tilespmem:s25], [sflag:$0xF], $0x2800, $0x38;
	[tilespmem:$0x1E4B0] =	vst v63  }
0xa9: {  	_ =	swait.ge [sflag:s15], $0x2800  }
0xaa: {  	[sflag:s15] =	ssyncset.done $0x0  }
0xab: {  	s26 =	rddreg [dreg:$0x12];
	[sflag:s15] =	ssyncadd.s32 $0xFFFFD800  }
0xac: {  	[spmem:s26] =	stream.linear.scatter [tilespmem:s16], [sflag:$0xF], $0x500, $0x38;
	[tilespmem:$0x1E4B0] =	vst v63  }
0xad: {  	_ =	swait.ge [sflag:s15], $0x500  }
0xae: {  	[sflag:s15] =	ssyncset.done $0x0  }
0xaf: {  	s28 =	rddreg [dreg:$0x13];
	[sflag:s15] =	ssyncadd.s32 $0xFFFFFB00  }
0xb0: {  	[spmem:s28] =	stream.linear.scatter [tilespmem:s25], [sflag:$0xF], $0x2800, $0x38;
	[tilespmem:$0x1E4B0] =	vst v63  }
0xb1: {  	_ =	swait.ge [sflag:s15], $0x2800  }
0xb2: {  	[sflag:s15] =	ssyncset.done $0x0  }
0xb3: {  	s9 =	rddreg [dreg:$0x14];
	[sflag:s15] =	ssyncadd.s32 $0xFFFFD800  }
0xb4: {  	[spmem:s9] =	stream.linear.scatter [tilespmem:s16], [sflag:$0xF], $0x500, $0x38;
	[tilespmem:$0x1E4B0] =	vst v63  }
0xb5: {  	_ =	swait.ge [sflag:s15], $0x500  }
0xb6: {  	[sflag:s15] =	ssyncset.done $0x0  }
0xb7: {  	s10 =	rddreg [dreg:$0x15];
	[sflag:s15] =	ssyncadd.s32 $0xFFFFFB00  }
0xb8: {  	[spmem:s10] =	stream.linear.scatter [tilespmem:s25], [sflag:$0xF], $0x2800, $0x38;
	[tilespmem:$0x1E4B0] =	vst v63  }
0xb9: {  	_ =	swait.ge [sflag:s15], $0x2800  }
0xba: {  	[sflag:s15] =	ssyncset.done $0x0  }
0xbb: {  	s11 =	rddreg [dreg:$0x16];
	[sflag:s15] =	ssyncadd.s32 $0xFFFFD800  }
0xbc: {  	[spmem:s11] =	stream.linear.scatter [tilespmem:s16], [sflag:$0xF], $0x500, $0x38;
	[tilespmem:$0x1E4B0] =	vst v63  }
0xbd: {  	_ =	swait.ge [sflag:s15], $0x500  }
0xbe: {  	[sflag:s15] =	ssyncset.done $0x0  }
0xbf: {  	s12 =	rddreg [dreg:$0x17];
	[sflag:s15] =	ssyncadd.s32 $0xFFFFFB00  }
0xc0: {  	[spmem:s12] =	stream.linear.scatter [tilespmem:s25], [sflag:$0xF], $0x2800, $0x38;
	[tilespmem:$0x1E4B0] =	vst v63  }
0xc1: {  	_ =	swait.ge [sflag:s15], $0x2800  }
0xc2: {  	[sflag:s15] =	ssyncset.done $0x0  }
0xc3: {  	s14 =	rddreg [dreg:$0x18];
	[sflag:s15] =	ssyncadd.s32 $0xFFFFD800  }
0xc4: {  	[spmem:s14] =	stream.linear.scatter [tilespmem:s16], [sflag:$0xF], $0x500, $0x38;
	[tilespmem:$0x1E4B0] =	vst v63  }
0xc5: {  	_ =	swait.ge [sflag:s15], $0x500  }
0xc6: {  	[sflag:s15] =	ssyncset.done $0x0  }
0xc7: {  	s18 =	rddreg [dreg:$0x19];
	[sflag:s15] =	ssyncadd.s32 $0xFFFFFB00  }
0xc8: {  	[spmem:s18] =	stream.linear.scatter [tilespmem:s25], [sflag:$0xF], $0x2800, $0x38;
	[tilespmem:$0x1E4B0] =	vst v63  }
0xc9: {  	_ =	swait.ge [sflag:s15], $0x2800  }
0xca: {  	[sflag:s15] =	ssyncset.done $0x0  }
0xcb: {  	s23 =	rddreg [dreg:$0x1a];
	[sflag:s15] =	ssyncadd.s32 $0xFFFFD800  }
0xcc: {  	[spmem:s23] =	stream.linear.scatter [tilespmem:s16], [sflag:$0xF], $0x500, $0x38;
	[tilespmem:$0x1E4B0] =	vst v63  }
0xcd: {  	_ =	swait.ge [sflag:s15], $0x500  }
0xce: {  	[sflag:s15] =	ssyncset.done $0x0  }
0xcf: {  	s26 =	rddreg [dreg:$0x7];
	[sflag:s15] =	ssyncadd.s32 $0xFFFFFB00  }
0xd0: {  	[spmem:s26] =	stream.linear.scatter [tilespmem:s25], [sflag:$0xF], $0x2080, $0x38;
	[tilespmem:$0x1E4B0] =	vst v63  }
0xd1: {  	_ =	swait.ge [sflag:s15], $0x2080  }
0xd2: {  	[sflag:s15] =	ssyncset.done $0x0  }
0xd3: {  	s28 =	rddreg [dreg:$0x8];
	[sflag:s15] =	ssyncadd.s32 $0xFFFFDF80  }
0xd4: {  	[spmem:s28] =	stream.linear.scatter [tilespmem:s16], [sflag:$0xF], $0x410, $0x38;
	[tilespmem:$0x1E4B0] =	vst v63  }
0xd5: {  	_ =	swait.ge [sflag:s15], $0x410  }
0xd6: {  	[sflag:s15] =	ssyncset.done $0x0  }
0xd7: {  	[sflag:s15] =	ssyncadd.s32 $0xFFFFFBF0  }
0xd8: {  	s12 =	simm.s32 $0x0;
	s14 =	simm.s32 $0x0;
	[bflag:$0x0] =	sbarrier.arrive $0xFFFF  }
.LBB2_4:
0xd9: {  	s6 =	smul.u32 $0xCD, s14;
	_ =	sdelay $0x1  }
0xda: {  	s6 =	sshrl.u32 s6, $0xA  }
0xdb: {  	s6 =	sand.u32 $0x3F, s6  }
0xdc: {  	s6 =	smul.u32 $0x5, s6;
	_ =	sdelay $0x1  }
0xdd: {  	s6 =	ssub.s32 s14, s6  }
0xde: {  	s6 =	sand.u32 $0xFF, s6  }
0xdf: {  	s6 =	smul.u32 $0x280, s6  }
0xe0: {  	_ =	swait.ge [sflag:s29], $0x2800;
	s18 =	sadd.s32 $0x2, s14;
	p0 =	seq.s32 s12, $0x0  }
0xe1: {  	[sflag:s29] =	ssyncset.done $0x0;
	s9 =	sand.u32 $0xFF, s18;
	s6 =	sshrl.u32 s6, $0x2  }
0xe2: {  	[sflag:s29] =	ssyncadd.s32 $0xFFFFD800;
	s9 =	smul.u32 $0xCD, s9;
	s6 =	sadd.s32 $0x15FE0, s6  }
0xe3: {  	[spmem:s3] =	stream.indirect.scatter.add.f32 [tilespmem:s22], [sflag:$0x4], $0x80, s6, s21, $0xb8;
	[tilespmem:$0x1E4B0] =	vst v63  }
0xe4: {  	s10 =	simm.s32 @!p0 $0x6;
	s9 =	sshrl.u32 s9, $0xA  }
0xe5: {  	[spmem:s4] =	stream.indirect.scatter.add.f32 [tilespmem:s30], [sflag:$0x7], $0x10, s6, s21, $0xb8;
	[tilespmem:$0x1E4B0] =	vst v63  }
0xe6: {  	s15 =	sadd.s32 $0x4, s14;
	s9 =	smul.u32 $0x5, s9;
	_ =	swait.ge @!p0 [sflag:s10], $0x2800  }
0xe7: {  	s26 =	sand.u32 $0xFF, s15;
	[sflag:s10] =	ssyncset.done @!p0 $0x0  }
0xe8: {  	s6 =	ssub.s32 s18, s9;
	[sflag:s10] =	ssyncadd.s32 @!p0 $0xFFFFD800;
	s10 =	simm.s32 @!p0 $0x9  }
0xe9: {  	s16 =	smul.u32 $0xCD, s26;
	s6 =	sand.u32 $0xFF, s6;
	_ =	swait.ge @!p0 [sflag:s10], $0x500  }
0xea: {  	s23 =	sadd.s32 $0xA, s6;
	s6 =	smul.u32 $0x280, s6;
	[sflag:s10] =	ssyncset.done @!p0 $0x0  }
0xeb: {  	s28 =	sshrl.u32 s16, $0xA;
	[sflag:s10] =	ssyncadd.s32 @!p0 $0xFFFFFB00  }
0xec: {  	s10 =	sshrl.u32 s6, $0x2;
	s6 =	smul.u32 $0x5, s28;
	_ =	swait.ge [sflag:s23], $0x50  }
0xed: {  	[sflag:s23] =	ssyncset.done $0x0  }
0xee: {  	s6 =	ssub.s32 s15, s6;
	[sflag:s23] =	ssyncadd.s32 $0xFFFFFFB0  }
0xef: {  	s9 =	sadd.s32 s12, s17;
	s6 =	sand.u32 $0xFF, s6;
	_ =	swait.ge [sflag:s23], $0x50  }
0xf0: {  	s16 =	smul.u32 $0x280, s6;
	s15 =	sadd.s32 $0xA, s6;
	s6 =	sadd.s32 $0x1, s14  }
0xf1: {  	s11 =	sadd.s32 $0x15F90, s10;
	[sflag:s23] =	ssyncset.done $0x0;
	s28 =	sand.u32 $0xFF, s6  }
0xf2: {  	[sflag:s23] =	ssyncadd.s32 $0xFFFFFFB0;
	s23 =	sshrl.u32 s16, $0x2;
	s28 =	smul.u32 $0xCD, s28  }
0xf3: {  	[tilespmem:s25], [sflag:$0x3] =	stream.indirect.gather [hbm4b:s0+s21], $0x80, s11, s21, $0xb8;
	[tilespmem:$0x1E4B0] =	vst v63  }
0xf4: {  	s16 =	sadd.s32 $0x15F90, s23;
	s11 =	sadd.s32 $0x28, s9;
	s18 =	sshrl.u32 s28, $0xA  }
0xf5: {  	[tilespmem:s16], [sflag:s15] =	stream.linear.gather [hbm4b:s11+s5], $0x50, $0x38;
	[tilespmem:$0x1E4B0] =	vst v63  }
0xf6: {  	s26 =	sadd.s32 s12, s20;
	s23 =	sadd.s32 $0x15FE0, s23;
	s11 =	smul.u32 $0x5, s18  }
0xf7: {  	[tilespmem:s23], [sflag:s15] =	stream.linear.gather [hbm4b:s26+s5], $0x50, $0x38;
	[tilespmem:$0x1E4B0] =	vst v63  }
0xf8: {  	s6 =	ssub.s32 s6, s11  }
0xf9: {  	s6 =	sand.u32 $0xFF, s6  }
0xfa: {  	s6 =	smul.u32 $0x280, s6  }
0xfb: {  	_ =	swait.ge [sflag:s31], $0x2800  }
0xfc: {  	[sflag:s31] =	ssyncset.done $0x0;
	s6 =	sshrl.u32 s6, $0x2  }
0xfd: {  	[sflag:s31] =	ssyncadd.s32 $0xFFFFD800;
	s18 =	sadd.s32 $0x15FE0, s6;
	s6 =	sadd.s32 $0x3, s14  }
0xfe: {  	[spmem:s3] =	stream.indirect.scatter.add.f32 [tilespmem:s24], [sflag:$0x5], $0x80, s18, s21, $0xb8;
	[tilespmem:$0x1E4B0] =	vst v63  }
0xff: {  	s26 =	sand.u32 $0xFF, s6  }
0x100: {  	s23 =	smul.u32 $0xCD, s26  }
0x101: {  	[spmem:s4] =	stream.indirect.scatter.add.f32 [tilespmem:s30], [sflag:$0x8], $0x10, s18, s21, $0xb8;
	[tilespmem:$0x1E4B0] =	vst v63  }
0x102: {  	_ =	swait.ge [sflag:s2], $0x2800;
	s28 =	sshrl.u32 s23, $0xA  }
0x103: {  	p0 =	seq.s32 s12, $0x4B0;
	[sflag:s2] =	ssyncset.done $0x0;
	s11 =	smul.u32 $0x5, s28  }
0x104: {  	s23 =	sadd.s32 @!p0 $0x5, s14;
	[sflag:s2] =	ssyncadd.s32 $0xFFFFD800  }
0x105: {  	s28 =	sand.u32 @!p0 $0xFF, s23;
	_ =	swait.ge [sflag:s1], $0x500;
	s11 =	ssub.s32 s6, s11  }
0x106: {  	s28 =	smul.u32 @!p0 $0xCD, s28;
	[sflag:s1] =	ssyncset.done $0x0;
	s11 =	sand.u32 $0xFF, s11  }
0x107: {  	[sflag:s1] =	ssyncadd.s32 $0xFFFFFB00;
	s26 =	sadd.s32 $0xA, s11  }
0x108: {  	s28 =	sshrl.u32 @!p0 s28, $0xA;
	_ =	swait.ge [sflag:s26], $0x50  }
0x109: {  	s28 =	smul.u32 @!p0 $0x5, s28;
	[sflag:s26] =	ssyncset.done $0x0  }
0x10a: {  	s11 =	smul.u32 $0x280, s11;
	[sflag:s26] =	ssyncadd.s32 $0xFFFFFFB0  }
0x10b: {  	s23 =	ssub.s32 @!p0 s23, s28;
	_ =	swait.ge [sflag:s26], $0x50  }
0x10c: {  	s11 =	sshrl.u32 s11, $0x2;
	s23 =	sand.u32 @!p0 $0xFF, s23;
	[sflag:s26] =	ssyncset.done $0x0  }
0x10d: {  	s11 =	sadd.s32 $0x15F90, s11;
	[sflag:s26] =	ssyncadd.s32 $0xFFFFFFB0;
	s26 =	smul.u32 @!p0 $0x280, s23  }
0x10e: {  	[tilespmem:s22], [sflag:$0x1] =	stream.indirect.gather [hbm4b:s0+s21], $0x80, s11, s21, $0xb8;
	[tilespmem:$0x1E4B0] =	vst v63  }
0x10f: {  	s11 =	sadd.s32 @!p0 $0xA, s23;
	s23 =	sshrl.u32 @!p0 s26, $0x2;
	s26 =	sadd.s32 @!p0 s12, s17  }
0x110: {  	s18 =	simm.s32 @!p0 $0x0;
	s28 =	sadd.s32 @!p0 $0x15F90, s23;
	s26 =	sadd.s32 @!p0 $0x32, s26  }
0x111: {  	[tilespmem:s28], [sflag:s11] =	stream.linear.gather @!p0 [hbm4b:s26+s18], $0x50, $0x38;
	[tilespmem:$0x1E4B0] =	vst v63  }
0x112: {  	s23 =	sadd.s32 @!p0 $0x15FE0, s23;
	s26 =	sadd.s32 @!p0 s12, s19  }
0x113: {  	[tilespmem:s23], [sflag:s11] =	stream.linear.gather @!p0 [hbm4b:s26+s18], $0x50, $0x38;
	[tilespmem:$0x1E4B0] =	vst v63  }
0x114: {  	_ =	swait.ge [sflag:s7], $0x2800  }
0x115: {  	[sflag:s7] =	ssyncset.done $0x0  }
0x116: {  	s10 =	sadd.s32 $0x15FE0, s10;
	[sflag:s7] =	ssyncadd.s32 $0xFFFFD800  }
0x117: {  	[spmem:s3] =	stream.indirect.scatter.add.f32 [tilespmem:s25], [sflag:$0x6], $0x80, s10, s21, $0xb8;
	[tilespmem:$0x1E4B0] =	vst v63  }
0x118: {  	_ = 	snop  }
0x119: {  	[spmem:s4] =	stream.indirect.scatter.add.f32 [tilespmem:s30], [sflag:$0x9], $0x10, s10, s21, $0xb8;
	[tilespmem:$0x1E4B0] =	vst v63  }
0x11a: {  	_ =	swait.ge [sflag:s13], $0x2800  }
0x11b: {  	[sflag:s13] =	ssyncset.done $0x0  }
0x11c: {  	[sflag:s13] =	ssyncadd.s32 $0xFFFFD800  }
0x11d: {  	_ =	swait.ge [sflag:s8], $0x500  }
0x11e: {  	[sflag:s8] =	ssyncset.done $0x0  }
0x11f: {  	[sflag:s8] =	ssyncadd.s32 $0xFFFFFB00  }
0x120: {  	_ =	swait.ge [sflag:s15], $0x50  }
0x121: {  	[sflag:s15] =	ssyncset.done $0x0  }
.Ltmp3:
0x122: {  	[sflag:s15] =	ssyncadd.s32 $0xFFFFFFB0;
	(pc) =	sbr.rel @p0 .LBB2_6-.Ltmp3, $4  }
0x123: {  	_ =	swait.ge [sflag:s15], $0x50  }
0x124: {  	[sflag:s15] =	ssyncset.done $0x0  }
0x125: {  	[sflag:s15] =	ssyncadd.s32 $0xFFFFFFB0  }
0x126: {  	[tilespmem:s24], [sflag:$0x2] =	stream.indirect.gather [hbm4b:s0+s21], $0x80, s16, s21, $0xb8;
	[tilespmem:$0x1E4B0] =	vst v63  }
0x127: {  	s10 =	sadd.s32 $0x6, s14  }
0x128: {  	s11 =	sand.u32 $0xFF, s10  }
0x129: {  	s11 =	smul.u32 $0xCD, s11;
	_ =	sdelay $0x1  }
0x12a: {  	s11 =	sshrl.u32 s11, $0xA  }
0x12b: {  	s11 =	smul.u32 $0x5, s11;
	_ =	sdelay $0x1  }
0x12c: {  	s10 =	ssub.s32 s10, s11  }
0x12d: {  	s10 =	sand.u32 $0xFF, s10  }
0x12e: {  	s18 =	smul.u32 $0x280, s10  }
0x12f: {  	s9 =	sadd.s32 $0x3C, s9  }
.Ltmp4:
0x130: {  	s28 =	rddreg [dreg:$0x11];
	s11 =	sshrl.u32 s18, $0x2;
	(pc) =	sbr.rel .LBB2_4-.Ltmp4, $4  }
0x131: {  	s14 =	smov.u32 s6;
	s10 =	sadd.s32 $0xA, s10;
	s23 =	sadd.s32 $0x15F90, s11  }
0x132: {  	[tilespmem:s23], [sflag:s10] =	stream.linear.gather [hbm4b:s9+s5], $0x50, $0x38;
	[tilespmem:$0x1E4B0] =	vst v63  }
0x133: {  	s26 =	sadd.s32 $0x15FE0, s11;
	s11 =	sadd.s32 s12, s28;
	s12 =	sadd.s32 $0x1E, s12  }
0x134: {  	[tilespmem:s26], [sflag:s10] =	stream.linear.gather [hbm4b:s11+s5], $0x50, $0x38;
	[tilespmem:$0x1E4B0] =	vst v63  }
.LBB2_7:
0x135: {  	_ =	sfence.sel $0x180000  }
0x136: {  	[bflag:$0x0] =	sbarrier.arrive $0xFFFF  }
0x137: {  	_ =	strace $0x90000047  }
0x138: {  	s0 =	stileid.u32;
	[bflag:$0x2] =	sbarrier.arrive $0xFFFF  }
0x139: {  	p0 =	sne.s32 s0, $0x0;
	s0 =	rddreg [dreg:$0x5]  }
0x13a: {  	s0 =	sadd.s32 @!p0 $0x100000, s0  }
0x13b: {  	[sflag:s0] =	ssyncadd.tile.s32 @!p0 $0x1;
	_ =	shalt  }
.Lfunc_end2:
_tile_overlayer_lowered:
.L_overlay_start_2:
0x13c: {  	(tag) =	ssettag $0x2  }
0x13d: {  	s0 =	rddreg [dreg:$0x0];
	s2 =	stileid.u32  }
0x13e: {  	s1 =	rddreg [dreg:$0x1];
	p0 =	sne.s32 s2, $0x0  }
0x13f: {  	s3 =	rddreg [dreg:$0x2];
	[bflag:$0x3] =	sbarrier.arrive $0xFFFF;
	s2 =	simm.s32 @!p0 $0x1C0F  }
0x140: {  	[timem:s3], [sflag:s2] =	dma.local @!p0 [hbm:s0], s1  }
0x141: {  	s0 =	simm.s32 @!p0 $0xF  }
0x142: {  	_ =	swait.ge @!p0 [sflag:s0], s1  }
0x143: {  	s1 =	ssub.s32 @!p0 $0x0, s1;
	[sflag:s0] =	ssyncset.done @!p0 $0x0  }
0x144: {  	[sflag:s0] =	ssyncadd.s32 @!p0 s1  }
0x145: {  	[bflag:$0x3] =	sbarrier.arrive $0xFFFF  }
0x146: {  	_ =	shalt  }

</sc_bundles>
